<compile_context>
chip_gen: v7x
topology: tpu7x:2x2x1
jax: 0.10.2.dev20260603
libtpu: 0.0.44.dev20260713+nightly
codegen_flags: <defaults>
</compile_context>

<pallas_src>
import functools
import math

import jax
import jax.numpy as jnp
from jax import lax
from jax.experimental import pallas as pl
from jax.experimental.pallas import tpu as pltpu
from jax.experimental.pallas import tpu_sc as plsc

_ND = 50
_HD = 10
_NI = 101
_OW = 30
_L = 16

_INV_PI = float(1.0 / jnp.pi)
_PI_HI = 3.140625
_PI_LO = 9.676535897932e-4
_S = (-1.0 / 6, 1.0 / 120, -1.0 / 5040, 1.0 / 362880,
      -1.0 / 39916800, 1.0 / 6227020800)


def _sin(v):
    k = (v * _INV_PI).astype(jnp.int32)
    kf = k.astype(jnp.float32)
    r = (v - kf * _PI_HI) - kf * _PI_LO
    r = jnp.where((k & 1) == 1, -r, r)
    r2 = r * r
    p = _S[5]
    for c in (_S[4], _S[3], _S[2], _S[1], _S[0]):
        p = p * r2 + c
    return r + r * r2 * p


def _lane_sum(v):
    lane = lax.iota(jnp.int32, _L)
    for k in (8, 4, 2, 1):
        v = v + v.at[lane ^ k].get(mode="promise_in_bounds")
    return v


def _body(x_hbm, hw_hbm, w_hbm, tbl_hbm, out_hbm,
          x_v, hw_v, w_v, rows_v, o_v,
          sem_x, sem_hw, sem_w, sem_g):
    tile0 = jnp.logical_and(lax.axis_index("c") == 0, lax.axis_index("s") == 0)

    @pl.when(tile0)
    def _():
        cp_x = pltpu.make_async_copy(x_hbm.at[0], x_v.at[pl.ds(0, 1)], sem_x)
        cp_hw = pltpu.make_async_copy(hw_hbm, hw_v.at[pl.ds(0, _HD)], sem_hw)
        cp_w = pltpu.make_async_copy(w_hbm, w_v, sem_w)
        cp_x.start()
        cp_hw.start()
        cp_w.start()

        cp_x.wait()
        xs = x_v[pl.ds(0, _L)][0]
        idx = jnp.clip((xs * (_NI - 1.0)).astype(jnp.int32), 0, _NI - 1)
        cp_g = pltpu.make_async_copy(tbl_hbm.at[:, idx, :], rows_v, sem_g)
        cp_g.start()

        cp_hw.wait()
        cp_w.wait()
        lane = lax.iota(jnp.int32, _L)
        hwv = hw_v[pl.ds(0, _L)]
        sims = []
        for g in range(4):
            dev = jnp.minimum(lane + (g * _L), _ND - 1)
            acc = jnp.zeros((_L,), jnp.float32)
            for kk in range(_HD):
                col = plsc.load_gather(w_v, [dev, jnp.full((_L,), kk, jnp.int32)])
                hwk = hwv.at[jnp.full((_L,), kk, jnp.int32)].get(
                    mode="promise_in_bounds")
                acc = acc + hwk * col
            sims.append(acc * (1.0 / math.sqrt(_HD)))

        es = [jnp.exp(_sin(s)) for s in sims]
        es[3] = jnp.where(lane < (_ND - 3 * _L), es[3], 0.0)
        total = _lane_sum(es[0] + es[1] + es[2] + es[3])

        cp_g.wait()
        acc0 = jnp.zeros((_L,), jnp.float32)
        acc1 = jnp.zeros((_L,), jnp.float32)
        for i in range(_ND):
            ilane = jnp.full((_L,), i % _L, jnp.int32)
            eb = es[i // _L].at[ilane].get(mode="promise_in_bounds")
            acc0 = acc0 + eb * rows_v[i, pl.ds(0, _L)]
            acc1 = acc1 + eb * rows_v[i, pl.ds(_OW - _L, _L)]
        inv = 1.0 / total
        p0 = lane
        p1 = lane + (_OW - _L)
        plsc.store_scatter(o_v, [p0 // 5, p0 % 5], acc0 * inv)
        plsc.store_scatter(o_v, [p1 // 5, p1 % 5], acc1 * inv)
        pltpu.sync_copy(o_v, out_hbm)


@functools.partial(jax.jit, static_argnames=())
def kernel(x, hw, hw_embed_weight, hpn_tables):
    run = pl.kernel(
        _body,
        out_type=jax.ShapeDtypeStruct((6, 5), jnp.float32),
        mesh=plsc.VectorSubcoreMesh(core_axis_name="c", subcore_axis_name="s",
                                    num_cores=1),
        scratch_types=[
            pltpu.VMEM((_L,), jnp.float32),
            pltpu.VMEM((_L,), jnp.float32),
            pltpu.VMEM((_ND, _HD), jnp.float32),
            pltpu.VMEM((_ND, _OW), jnp.float32),
            pltpu.VMEM((6, 5), jnp.float32),
            pltpu.SemaphoreType.DMA,
            pltpu.SemaphoreType.DMA,
            pltpu.SemaphoreType.DMA,
            pltpu.SemaphoreType.DMA,
        ],
        compiler_params=pltpu.CompilerParams(
            needs_layout_passes=False, use_tc_tiling_on_sc=False),
    )
    return run(x, hw, hw_embed_weight, hpn_tables)

# --- scband reference (transcript-rebuilt; emitter-appended) ---
"""Pipeline reference for scband-meta-hyper-network-20830591385783 (READ-ONLY COPY).

The authoritative reference and input builder live on the scoring server;
editing this copy changes nothing except your own understanding.
"""

import jax, jax.numpy as jnp
import numpy as np

NUM_DEVICES = 50
HW_EMBED_DIM = 10
NUM_INTERVALS = 101


def setup_inputs(seed: int = 0) -> dict:
    key = jax.random.key(seed)
    k1, k2, k3, k4 = jax.random.split(key, 4)
    x = jax.random.uniform(k1, (1, 1), dtype=jnp.float32)
    hw = jax.random.normal(k2, (HW_EMBED_DIM,), dtype=jnp.float32)
    hw_embed_weight = jax.random.normal(k3, (NUM_DEVICES, HW_EMBED_DIM), dtype=jnp.float32)
    hpn_tables = jax.random.normal(k4, (NUM_DEVICES, NUM_INTERVALS, 30), dtype=jnp.float32)
    return {"x": x, "hw": hw, "hw_embed_weight": hw_embed_weight, "hpn_tables": hpn_tables}


def reference(x, hw, hw_embed_weight, hpn_tables):
    # similarity over hardware embedding table
    similarity = jnp.squeeze(jnp.matmul(hw, hw_embed_weight.T)) / jnp.sqrt(jnp.asarray(HW_EMBED_DIM * 1.0, dtype=jnp.float32))
    # sin_softmax
    similarity = jax.nn.softmax(jnp.sin(similarity), axis=-1)
    # each HyperNetwork: id = round(x[0][0] * (num_intervals-1)); lookup row; reshape(6,5)
    idx = jnp.round(x[0, 0] * (NUM_INTERVALS - 1)).astype(jnp.int32)
    hpn_out = hpn_tables[:, idx, :].reshape(NUM_DEVICES, 6, 5)  # [50, 6, 5]
    out = jnp.sum(similarity[:, None, None] * hpn_out, axis=0)
    return out.reshape(6, 5)

if __name__ == "__main__":
    import jax
    _d = setup_inputs()
    print(jax.jit(kernel)(*tuple(_d.values())))

</pallas_src>

<mosaic_0001>
#map = affine_map<(d0, d1) -> (0, 0)>
#map1 = affine_map<(d0, d1) -> (0)>
#map2 = affine_map<(d0, d1) -> (0, 0, 0)>
module attributes {stable_mosaic.version = 14 : i64} {
  func.func @_body(%arg0: i32, %arg1: i32, %arg2: memref<1x1xf32, #tpu.memory_space<hbm>>, %arg3: memref<10xf32, #tpu.memory_space<hbm>>, %arg4: memref<50x10xf32, #tpu.memory_space<hbm>>, %arg5: memref<50x101x30xf32, #tpu.memory_space<hbm>>, %arg6: memref<6x5xf32, #tpu.memory_space<hbm>>, %arg7: memref<16xf32, #tpu.memory_space<vmem>>, %arg8: memref<16xf32, #tpu.memory_space<vmem>>, %arg9: memref<50x10xf32, #tpu.memory_space<vmem>>, %arg10: memref<50x30xf32, #tpu.memory_space<vmem>>, %arg11: memref<6x5xf32, #tpu.memory_space<vmem>>, %arg12: memref<!tpu.dma_semaphore, #tpu.memory_space<semaphore_mem>>, %arg13: memref<!tpu.dma_semaphore, #tpu.memory_space<semaphore_mem>>, %arg14: memref<!tpu.dma_semaphore, #tpu.memory_space<semaphore_mem>>, %arg15: memref<!tpu.dma_semaphore, #tpu.memory_space<semaphore_mem>>) attributes {dimension_semantics = [#tpu.dimension_semantics<core_parallel>, #tpu.dimension_semantics<subcore_parallel>], iteration_bounds = array<i64: 1, 16>, scalar_prefetch = 0 : i64, scratch_operands = 9 : i64, tpu.core_type = #tpu.core_type<sc_vector_subcore>, window_params = [{transform_indices = #map}, {transform_indices = #map1}, {transform_indices = #map}, {transform_indices = #map2}, {transform_indices = #map}]} {
    %eq3A = arith.constant 0 : i32
    %eq3A_0 = arith.cmpi eq, %arg0, %eq3A : i32
    %eq3A_1 = arith.constant 0 : i32
    %eq3A_2 = arith.cmpi eq, %arg1, %eq3A_1 : i32
    %and3A = arith.andi %eq3A_0, %eq3A_2 : i1
    %convert_element_type3A = arith.extui %and3A : i1 to i32
    %cond3A = arith.constant 0 : i32
    %cond3A_3 = arith.cmpi ne, %convert_element_type3A, %cond3A : i32
    scf.if %cond3A_3 {
      %dma_start3A = arith.constant 0 : i32
      %dma_start3A_4 = arith.constant 0 : i32
      %dma_start3A_5 = tpu.memref_slice %arg7[%dma_start3A_4] : memref<16xf32, #tpu.memory_space<vmem>> -> memref<1xf32, #tpu.memory_space<vmem>>
      %dma_start3A_6 = arith.constant 0 : i32
      %dma_start3A_7 = tpu.memref_slice %arg2[%dma_start3A, %dma_start3A_6] : memref<1x1xf32, #tpu.memory_space<hbm>> -> memref<1x1xf32, #tpu.memory_space<hbm>>
      %dma_start3A_8 = tpu.memref_squeeze %dma_start3A_7 : memref<1x1xf32, #tpu.memory_space<hbm>> -> memref<1xf32, #tpu.memory_space<hbm>>
      %dma_start3A_9 = arith.constant 0 : i32
      %dma_start3A_10 = tpu.memref_slice %arg7[%dma_start3A_9] : memref<16xf32, #tpu.memory_space<vmem>> -> memref<1xf32, #tpu.memory_space<vmem>>
      %dma_start3A_11 = arith.constant 0 : i32
      %dma_start3A_12 = tpu.memref_slice %arg2[%dma_start3A, %dma_start3A_11] : memref<1x1xf32, #tpu.memory_space<hbm>> -> memref<1x1xf32, #tpu.memory_space<hbm>>
      %dma_start3A_13 = tpu.memref_squeeze %dma_start3A_12 : memref<1x1xf32, #tpu.memory_space<hbm>> -> memref<1xf32, #tpu.memory_space<hbm>>
      tpu.enqueue_dma source(%dma_start3A_13 : memref<1xf32, #tpu.memory_space<hbm>>) target(%dma_start3A_10 : memref<1xf32, #tpu.memory_space<vmem>>) target_semaphore(%arg12 : memref<!tpu.dma_semaphore, #tpu.memory_space<semaphore_mem>>)
      %dma_start3A_14 = arith.constant 0 : i32
      %dma_start3A_15 = tpu.memref_slice %arg8[%dma_start3A_14] : memref<16xf32, #tpu.memory_space<vmem>> -> memref<10xf32, #tpu.memory_space<vmem>>
      %dma_start3A_16 = arith.constant 0 : i32
      %dma_start3A_17 = tpu.memref_slice %arg8[%dma_start3A_16] : memref<16xf32, #tpu.memory_space<vmem>> -> memref<10xf32, #tpu.memory_space<vmem>>
      tpu.enqueue_dma source(%arg3 : memref<10xf32, #tpu.memory_space<hbm>>) target(%dma_start3A_17 : memref<10xf32, #tpu.memory_space<vmem>>) target_semaphore(%arg13 : memref<!tpu.dma_semaphore, #tpu.memory_space<semaphore_mem>>)
      tpu.enqueue_dma source(%arg4 : memref<50x10xf32, #tpu.memory_space<hbm>>) target(%arg9 : memref<50x10xf32, #tpu.memory_space<vmem>>) target_semaphore(%arg14 : memref<!tpu.dma_semaphore, #tpu.memory_space<semaphore_mem>>)
      %dma_wait3A = arith.constant 0 : i32
      %dma_wait3A_18 = arith.constant 0 : i32
      %dma_wait3A_19 = tpu.memref_slice %arg7[%dma_wait3A_18] : memref<16xf32, #tpu.memory_space<vmem>> -> memref<1xf32, #tpu.memory_space<vmem>>
      %dma_wait3A_20 = arith.constant 0 : i32
      %dma_wait3A_21 = tpu.memref_slice %arg2[%dma_wait3A, %dma_wait3A_20] : memref<1x1xf32, #tpu.memory_space<hbm>> -> memref<1x1xf32, #tpu.memory_space<hbm>>
      %dma_wait3A_22 = tpu.memref_squeeze %dma_wait3A_21 : memref<1x1xf32, #tpu.memory_space<hbm>> -> memref<1xf32, #tpu.memory_space<hbm>>
      %dma_wait3A_23 = arith.constant 0 : i32
      %dma_wait3A_24 = tpu.memref_slice %arg7[%dma_wait3A_23] : memref<16xf32, #tpu.memory_space<vmem>> -> memref<1xf32, #tpu.memory_space<vmem>>
      %dma_wait3A_25 = arith.constant 0 : i32
      %dma_wait3A_26 = tpu.memref_slice %arg2[%dma_wait3A, %dma_wait3A_25] : memref<1x1xf32, #tpu.memory_space<hbm>> -> memref<1x1xf32, #tpu.memory_space<hbm>>
      %dma_wait3A_27 = tpu.memref_squeeze %dma_wait3A_26 : memref<1x1xf32, #tpu.memory_space<hbm>> -> memref<1xf32, #tpu.memory_space<hbm>>
      tpu.wait_dma2 semaphore(%arg12 : memref<!tpu.dma_semaphore, #tpu.memory_space<semaphore_mem>>) src(%dma_wait3A_27 : memref<1xf32, #tpu.memory_space<hbm>>) dst(%dma_wait3A_24 : memref<1xf32, #tpu.memory_space<vmem>>)
      %get3A = arith.constant 0 : index
      %get3A_28 = tpu.vector_load %arg7[%get3A] {strides = array<i32>} : memref<16xf32, #tpu.memory_space<vmem>>, vector<16xf32>,
      %slice3A = vector.extract_strided_slice %get3A_28 {offsets = [0], sizes = [1], strides = [1]} : vector<16xf32> to vector<1xf32>
      %squeeze3A = vector.extract %slice3A[0] : f32 from vector<1xf32>
      %mul3A = arith.constant 1.000000e+02 : f32
      %mul3A_29 = arith.mulf %squeeze3A, %mul3A : f32
      %convert_element_type3A_30 = arith.fptosi %mul3A_29 : f32 to i32
      %jit3A = arith.constant 0 : i32
      %jit3A_31 = arith.constant 100 : i32
      %max3A = arith.maxsi %jit3A, %convert_element_type3A_30 : i32
      %min3A = arith.minsi %jit3A_31, %max3A : i32
      %dma_start3A_32 = arith.constant 0 : i32
      %dma_start3A_33 = arith.constant 0 : i32
      %dma_start3A_34 = tpu.memref_slice %arg5[%dma_start3A_32, %min3A, %dma_start3A_33] : memref<50x101x30xf32, #tpu.memory_space<hbm>> -> memref<50x1x30xf32, #tpu.memory_space<hbm>>
      %dma_start3A_35 = tpu.memref_squeeze %dma_start3A_34 : memref<50x1x30xf32, #tpu.memory_space<hbm>> -> memref<50x30xf32, #tpu.memory_space<hbm>>
      %dma_start3A_36 = arith.constant 0 : i32
      %dma_start3A_37 = arith.constant 0 : i32
      %dma_start3A_38 = tpu.memref_slice %arg5[%dma_start3A_36, %min3A, %dma_start3A_37] : memref<50x101x30xf32, #tpu.memory_space<hbm>> -> memref<50x1x30xf32, #tpu.memory_space<hbm>>
      %dma_start3A_39 = tpu.memref_squeeze %dma_start3A_38 : memref<50x1x30xf32, #tpu.memory_space<hbm>> -> memref<50x30xf32, #tpu.memory_space<hbm>>
      tpu.enqueue_dma source(%dma_start3A_39 : memref<50x30xf32, #tpu.memory_space<hbm>>) target(%arg10 : memref<50x30xf32, #tpu.memory_space<vmem>>) target_semaphore(%arg15 : memref<!tpu.dma_semaphore, #tpu.memory_space<semaphore_mem>>)
      %dma_wait3A_40 = arith.constant 0 : i32
      %dma_wait3A_41 = tpu.memref_slice %arg8[%dma_wait3A_40] : memref<16xf32, #tpu.memory_space<vmem>> -> memref<10xf32, #tpu.memory_space<vmem>>
      %dma_wait3A_42 = arith.constant 0 : i32
      %dma_wait3A_43 = tpu.memref_slice %arg8[%dma_wait3A_42] : memref<16xf32, #tpu.memory_space<vmem>> -> memref<10xf32, #tpu.memory_space<vmem>>
      tpu.wait_dma2 semaphore(%arg13 : memref<!tpu.dma_semaphore, #tpu.memory_space<semaphore_mem>>) src(%arg3 : memref<10xf32, #tpu.memory_space<hbm>>) dst(%dma_wait3A_43 : memref<10xf32, #tpu.memory_space<vmem>>)
      tpu.wait_dma2 semaphore(%arg14 : memref<!tpu.dma_semaphore, #tpu.memory_space<semaphore_mem>>) src(%arg4 : memref<50x10xf32, #tpu.memory_space<hbm>>) dst(%arg9 : memref<50x10xf32, #tpu.memory_space<vmem>>)
      %iota3A = tpu.iota {dimensions = array<i32: 0>} : vector<16xi32>
      %get3A_44 = arith.constant 0 : index
      %get3A_45 = tpu.vector_load %arg8[%get3A_44] {strides = array<i32>} : memref<16xf32, #tpu.memory_space<vmem>>, vector<16xf32>,
      %add3A = arith.constant 0 : i32
      %add3A_46 = vector.broadcast %add3A : i32 to vector<16xi32>
      %add3A_47 = arith.addi %iota3A, %add3A_46 : vector<16xi32>
      %min3A_48 = arith.constant 49 : i32
      %min3A_49 = vector.broadcast %min3A_48 : i32 to vector<16xi32>
      %min3A_50 = arith.minsi %add3A_47, %min3A_49 : vector<16xi32>
      %broadcast_in_dim3A = arith.constant 0.000000e+00 : f32
      %broadcast_in_dim3A_51 = vector.broadcast %broadcast_in_dim3A : f32 to vector<16xf32>
      %broadcast_in_dim3A_52 = arith.constant 0 : i32
      %broadcast_in_dim3A_53 = vector.broadcast %broadcast_in_dim3A_52 : i32 to vector<16xi32>
      %gather3A = tpu.vector_load_idx %arg9[%min3A_50, %broadcast_in_dim3A_53] : memref<50x10xf32, #tpu.memory_space<vmem>>[vector<16xi32>, vector<16xi32>], vector<16xf32>,
      %broadcast_in_dim3A_54 = arith.constant 0 : i32
      %broadcast_in_dim3A_55 = vector.broadcast %broadcast_in_dim3A_54 : i32 to vector<16xi32>
      %lt3A = arith.constant 0 : i32
      %lt3A_56 = vector.broadcast %lt3A : i32 to vector<16xi32>
      %lt3A_57 = arith.cmpi slt, %broadcast_in_dim3A_55, %lt3A_56 : vector<16xi32>
      %add3A_58 = arith.constant 16 : i32
      %add3A_59 = vector.broadcast %add3A_58 : i32 to vector<16xi32>
      %add3A_60 = arith.addi %broadcast_in_dim3A_55, %add3A_59 : vector<16xi32>
      %select_n3A = arith.select %lt3A_57, %add3A_60, %broadcast_in_dim3A_55 : vector<16xi1>, vector<16xi32>
      %broadcast_in_dim3A_61 = vector.shape_cast %select_n3A : vector<16xi32> to vector<16x1xi32>
      %gather3A_62 = vector.shape_cast %broadcast_in_dim3A_61 : vector<16x1xi32> to vector<16xi32>
      %gather3A_63 = tpu.dynamic_gather %get3A_45[%gather3A_62] in [0] : vector<16xf32>, vector<16xi32> -> vector<16xf32>
      %mul3A_64 = arith.mulf %gather3A_63, %gather3A : vector<16xf32>
      %add3A_65 = arith.addf %broadcast_in_dim3A_51, %mul3A_64 : vector<16xf32>
      %broadcast_in_dim3A_66 = arith.constant 1 : i32
      %broadcast_in_dim3A_67 = vector.broadcast %broadcast_in_dim3A_66 : i32 to vector<16xi32>
      %gather3A_68 = tpu.vector_load_idx %arg9[%min3A_50, %broadcast_in_dim3A_67] : memref<50x10xf32, #tpu.memory_space<vmem>>[vector<16xi32>, vector<16xi32>], vector<16xf32>,
      %broadcast_in_dim3A_69 = arith.constant 1 : i32
      %broadcast_in_dim3A_70 = vector.broadcast %broadcast_in_dim3A_69 : i32 to vector<16xi32>
      %lt3A_71 = arith.constant 0 : i32
      %lt3A_72 = vector.broadcast %lt3A_71 : i32 to vector<16xi32>
      %lt3A_73 = arith.cmpi slt, %broadcast_in_dim3A_70, %lt3A_72 : vector<16xi32>
      %add3A_74 = arith.constant 16 : i32
      %add3A_75 = vector.broadcast %add3A_74 : i32 to vector<16xi32>
      %add3A_76 = arith.addi %broadcast_in_dim3A_70, %add3A_75 : vector<16xi32>
      %select_n3A_77 = arith.select %lt3A_73, %add3A_76, %broadcast_in_dim3A_70 : vector<16xi1>, vector<16xi32>
      %broadcast_in_dim3A_78 = vector.shape_cast %select_n3A_77 : vector<16xi32> to vector<16x1xi32>
      %gather3A_79 = vector.shape_cast %broadcast_in_dim3A_78 : vector<16x1xi32> to vector<16xi32>
      %gather3A_80 = tpu.dynamic_gather %get3A_45[%gather3A_79] in [0] : vector<16xf32>, vector<16xi32> -> vector<16xf32>
      %mul3A_81 = arith.mulf %gather3A_80, %gather3A_68 : vector<16xf32>
      %add3A_82 = arith.addf %add3A_65, %mul3A_81 : vector<16xf32>
      %broadcast_in_dim3A_83 = arith.constant 2 : i32
      %broadcast_in_dim3A_84 = vector.broadcast %broadcast_in_dim3A_83 : i32 to vector<16xi32>
      %gather3A_85 = tpu.vector_load_idx %arg9[%min3A_50, %broadcast_in_dim3A_84] : memref<50x10xf32, #tpu.memory_space<vmem>>[vector<16xi32>, vector<16xi32>], vector<16xf32>,
      %broadcast_in_dim3A_86 = arith.constant 2 : i32
      %broadcast_in_dim3A_87 = vector.broadcast %broadcast_in_dim3A_86 : i32 to vector<16xi32>
      %lt3A_88 = arith.constant 0 : i32
      %lt3A_89 = vector.broadcast %lt3A_88 : i32 to vector<16xi32>
      %lt3A_90 = arith.cmpi slt, %broadcast_in_dim3A_87, %lt3A_89 : vector<16xi32>
      %add3A_91 = arith.constant 16 : i32
      %add3A_92 = vector.broadcast %add3A_91 : i32 to vector<16xi32>
      %add3A_93 = arith.addi %broadcast_in_dim3A_87, %add3A_92 : vector<16xi32>
      %select_n3A_94 = arith.select %lt3A_90, %add3A_93, %broadcast_in_dim3A_87 : vector<16xi1>, vector<16xi32>
      %broadcast_in_dim3A_95 = vector.shape_cast %select_n3A_94 : vector<16xi32> to vector<16x1xi32>
      %gather3A_96 = vector.shape_cast %broadcast_in_dim3A_95 : vector<16x1xi32> to vector<16xi32>
      %gather3A_97 = tpu.dynamic_gather %get3A_45[%gather3A_96] in [0] : vector<16xf32>, vector<16xi32> -> vector<16xf32>
      %mul3A_98 = arith.mulf %gather3A_97, %gather3A_85 : vector<16xf32>
      %add3A_99 = arith.addf %add3A_82, %mul3A_98 : vector<16xf32>
      %broadcast_in_dim3A_100 = arith.constant 3 : i32
      %broadcast_in_dim3A_101 = vector.broadcast %broadcast_in_dim3A_100 : i32 to vector<16xi32>
      %gather3A_102 = tpu.vector_load_idx %arg9[%min3A_50, %broadcast_in_dim3A_101] : memref<50x10xf32, #tpu.memory_space<vmem>>[vector<16xi32>, vector<16xi32>], vector<16xf32>,
      %broadcast_in_dim3A_103 = arith.constant 3 : i32
      %broadcast_in_dim3A_104 = vector.broadcast %broadcast_in_dim3A_103 : i32 to vector<16xi32>
      %lt3A_105 = arith.constant 0 : i32
      %lt3A_106 = vector.broadcast %lt3A_105 : i32 to vector<16xi32>
      %lt3A_107 = arith.cmpi slt, %broadcast_in_dim3A_104, %lt3A_106 : vector<16xi32>
      %add3A_108 = arith.constant 16 : i32
      %add3A_109 = vector.broadcast %add3A_108 : i32 to vector<16xi32>
      %add3A_110 = arith.addi %broadcast_in_dim3A_104, %add3A_109 : vector<16xi32>
      %select_n3A_111 = arith.select %lt3A_107, %add3A_110, %broadcast_in_dim3A_104 : vector<16xi1>, vector<16xi32>
      %broadcast_in_dim3A_112 = vector.shape_cast %select_n3A_111 : vector<16xi32> to vector<16x1xi32>
      %gather3A_113 = vector.shape_cast %broadcast_in_dim3A_112 : vector<16x1xi32> to vector<16xi32>
      %gather3A_114 = tpu.dynamic_gather %get3A_45[%gather3A_113] in [0] : vector<16xf32>, vector<16xi32> -> vector<16xf32>
      %mul3A_115 = arith.mulf %gather3A_114, %gather3A_102 : vector<16xf32>
      %add3A_116 = arith.addf %add3A_99, %mul3A_115 : vector<16xf32>
      %broadcast_in_dim3A_117 = arith.constant 4 : i32
      %broadcast_in_dim3A_118 = vector.broadcast %broadcast_in_dim3A_117 : i32 to vector<16xi32>
      %gather3A_119 = tpu.vector_load_idx %arg9[%min3A_50, %broadcast_in_dim3A_118] : memref<50x10xf32, #tpu.memory_space<vmem>>[vector<16xi32>, vector<16xi32>], vector<16xf32>,
      %broadcast_in_dim3A_120 = arith.constant 4 : i32
      %broadcast_in_dim3A_121 = vector.broadcast %broadcast_in_dim3A_120 : i32 to vector<16xi32>
      %lt3A_122 = arith.constant 0 : i32
      %lt3A_123 = vector.broadcast %lt3A_122 : i32 to vector<16xi32>
      %lt3A_124 = arith.cmpi slt, %broadcast_in_dim3A_121, %lt3A_123 : vector<16xi32>
      %add3A_125 = arith.constant 16 : i32
      %add3A_126 = vector.broadcast %add3A_125 : i32 to vector<16xi32>
      %add3A_127 = arith.addi %broadcast_in_dim3A_121, %add3A_126 : vector<16xi32>
      %select_n3A_128 = arith.select %lt3A_124, %add3A_127, %broadcast_in_dim3A_121 : vector<16xi1>, vector<16xi32>
      %broadcast_in_dim3A_129 = vector.shape_cast %select_n3A_128 : vector<16xi32> to vector<16x1xi32>
      %gather3A_130 = vector.shape_cast %broadcast_in_dim3A_129 : vector<16x1xi32> to vector<16xi32>
      %gather3A_131 = tpu.dynamic_gather %get3A_45[%gather3A_130] in [0] : vector<16xf32>, vector<16xi32> -> vector<16xf32>
      %mul3A_132 = arith.mulf %gather3A_131, %gather3A_119 : vector<16xf32>
      %add3A_133 = arith.addf %add3A_116, %mul3A_132 : vector<16xf32>
      %broadcast_in_dim3A_134 = arith.constant 5 : i32
      %broadcast_in_dim3A_135 = vector.broadcast %broadcast_in_dim3A_134 : i32 to vector<16xi32>
      %gather3A_136 = tpu.vector_load_idx %arg9[%min3A_50, %broadcast_in_dim3A_135] : memref<50x10xf32, #tpu.memory_space<vmem>>[vector<16xi32>, vector<16xi32>], vector<16xf32>,
      %broadcast_in_dim3A_137 = arith.constant 5 : i32
      %broadcast_in_dim3A_138 = vector.broadcast %broadcast_in_dim3A_137 : i32 to vector<16xi32>
      %lt3A_139 = arith.constant 0 : i32
      %lt3A_140 = vector.broadcast %lt3A_139 : i32 to vector<16xi32>
      %lt3A_141 = arith.cmpi slt, %broadcast_in_dim3A_138, %lt3A_140 : vector<16xi32>
      %add3A_142 = arith.constant 16 : i32
      %add3A_143 = vector.broadcast %add3A_142 : i32 to vector<16xi32>
      %add3A_144 = arith.addi %broadcast_in_dim3A_138, %add3A_143 : vector<16xi32>
      %select_n3A_145 = arith.select %lt3A_141, %add3A_144, %broadcast_in_dim3A_138 : vector<16xi1>, vector<16xi32>
      %broadcast_in_dim3A_146 = vector.shape_cast %select_n3A_145 : vector<16xi32> to vector<16x1xi32>
      %gather3A_147 = vector.shape_cast %broadcast_in_dim3A_146 : vector<16x1xi32> to vector<16xi32>
      %gather3A_148 = tpu.dynamic_gather %get3A_45[%gather3A_147] in [0] : vector<16xf32>, vector<16xi32> -> vector<16xf32>
      %mul3A_149 = arith.mulf %gather3A_148, %gather3A_136 : vector<16xf32>
      %add3A_150 = arith.addf %add3A_133, %mul3A_149 : vector<16xf32>
      %broadcast_in_dim3A_151 = arith.constant 6 : i32
      %broadcast_in_dim3A_152 = vector.broadcast %broadcast_in_dim3A_151 : i32 to vector<16xi32>
      %gather3A_153 = tpu.vector_load_idx %arg9[%min3A_50, %broadcast_in_dim3A_152] : memref<50x10xf32, #tpu.memory_space<vmem>>[vector<16xi32>, vector<16xi32>], vector<16xf32>,
      %broadcast_in_dim3A_154 = arith.constant 6 : i32
      %broadcast_in_dim3A_155 = vector.broadcast %broadcast_in_dim3A_154 : i32 to vector<16xi32>
      %lt3A_156 = arith.constant 0 : i32
      %lt3A_157 = vector.broadcast %lt3A_156 : i32 to vector<16xi32>
      %lt3A_158 = arith.cmpi slt, %broadcast_in_dim3A_155, %lt3A_157 : vector<16xi32>
      %add3A_159 = arith.constant 16 : i32
      %add3A_160 = vector.broadcast %add3A_159 : i32 to vector<16xi32>
      %add3A_161 = arith.addi %broadcast_in_dim3A_155, %add3A_160 : vector<16xi32>
      %select_n3A_162 = arith.select %lt3A_158, %add3A_161, %broadcast_in_dim3A_155 : vector<16xi1>, vector<16xi32>
      %broadcast_in_dim3A_163 = vector.shape_cast %select_n3A_162 : vector<16xi32> to vector<16x1xi32>
      %gather3A_164 = vector.shape_cast %broadcast_in_dim3A_163 : vector<16x1xi32> to vector<16xi32>
      %gather3A_165 = tpu.dynamic_gather %get3A_45[%gather3A_164] in [0] : vector<16xf32>, vector<16xi32> -> vector<16xf32>
      %mul3A_166 = arith.mulf %gather3A_165, %gather3A_153 : vector<16xf32>
      %add3A_167 = arith.addf %add3A_150, %mul3A_166 : vector<16xf32>
      %broadcast_in_dim3A_168 = arith.constant 7 : i32
      %broadcast_in_dim3A_169 = vector.broadcast %broadcast_in_dim3A_168 : i32 to vector<16xi32>
      %gather3A_170 = tpu.vector_load_idx %arg9[%min3A_50, %broadcast_in_dim3A_169] : memref<50x10xf32, #tpu.memory_space<vmem>>[vector<16xi32>, vector<16xi32>], vector<16xf32>,
      %broadcast_in_dim3A_171 = arith.constant 7 : i32
      %broadcast_in_dim3A_172 = vector.broadcast %broadcast_in_dim3A_171 : i32 to vector<16xi32>
      %lt3A_173 = arith.constant 0 : i32
      %lt3A_174 = vector.broadcast %lt3A_173 : i32 to vector<16xi32>
      %lt3A_175 = arith.cmpi slt, %broadcast_in_dim3A_172, %lt3A_174 : vector<16xi32>
      %add3A_176 = arith.constant 16 : i32
      %add3A_177 = vector.broadcast %add3A_176 : i32 to vector<16xi32>
      %add3A_178 = arith.addi %broadcast_in_dim3A_172, %add3A_177 : vector<16xi32>
      %select_n3A_179 = arith.select %lt3A_175, %add3A_178, %broadcast_in_dim3A_172 : vector<16xi1>, vector<16xi32>
      %broadcast_in_dim3A_180 = vector.shape_cast %select_n3A_179 : vector<16xi32> to vector<16x1xi32>
      %gather3A_181 = vector.shape_cast %broadcast_in_dim3A_180 : vector<16x1xi32> to vector<16xi32>
      %gather3A_182 = tpu.dynamic_gather %get3A_45[%gather3A_181] in [0] : vector<16xf32>, vector<16xi32> -> vector<16xf32>
      %mul3A_183 = arith.mulf %gather3A_182, %gather3A_170 : vector<16xf32>
      %add3A_184 = arith.addf %add3A_167, %mul3A_183 : vector<16xf32>
      %broadcast_in_dim3A_185 = arith.constant 8 : i32
      %broadcast_in_dim3A_186 = vector.broadcast %broadcast_in_dim3A_185 : i32 to vector<16xi32>
      %gather3A_187 = tpu.vector_load_idx %arg9[%min3A_50, %broadcast_in_dim3A_186] : memref<50x10xf32, #tpu.memory_space<vmem>>[vector<16xi32>, vector<16xi32>], vector<16xf32>,
      %broadcast_in_dim3A_188 = arith.constant 8 : i32
      %broadcast_in_dim3A_189 = vector.broadcast %broadcast_in_dim3A_188 : i32 to vector<16xi32>
      %lt3A_190 = arith.constant 0 : i32
      %lt3A_191 = vector.broadcast %lt3A_190 : i32 to vector<16xi32>
      %lt3A_192 = arith.cmpi slt, %broadcast_in_dim3A_189, %lt3A_191 : vector<16xi32>
      %add3A_193 = arith.constant 16 : i32
      %add3A_194 = vector.broadcast %add3A_193 : i32 to vector<16xi32>
      %add3A_195 = arith.addi %broadcast_in_dim3A_189, %add3A_194 : vector<16xi32>
      %select_n3A_196 = arith.select %lt3A_192, %add3A_195, %broadcast_in_dim3A_189 : vector<16xi1>, vector<16xi32>
      %broadcast_in_dim3A_197 = vector.shape_cast %select_n3A_196 : vector<16xi32> to vector<16x1xi32>
      %gather3A_198 = vector.shape_cast %broadcast_in_dim3A_197 : vector<16x1xi32> to vector<16xi32>
      %gather3A_199 = tpu.dynamic_gather %get3A_45[%gather3A_198] in [0] : vector<16xf32>, vector<16xi32> -> vector<16xf32>
      %mul3A_200 = arith.mulf %gather3A_199, %gather3A_187 : vector<16xf32>
      %add3A_201 = arith.addf %add3A_184, %mul3A_200 : vector<16xf32>
      %broadcast_in_dim3A_202 = arith.constant 9 : i32
      %broadcast_in_dim3A_203 = vector.broadcast %broadcast_in_dim3A_202 : i32 to vector<16xi32>
      %gather3A_204 = tpu.vector_load_idx %arg9[%min3A_50, %broadcast_in_dim3A_203] : memref<50x10xf32, #tpu.memory_space<vmem>>[vector<16xi32>, vector<16xi32>], vector<16xf32>,
      %broadcast_in_dim3A_205 = arith.constant 9 : i32
      %broadcast_in_dim3A_206 = vector.broadcast %broadcast_in_dim3A_205 : i32 to vector<16xi32>
      %lt3A_207 = arith.constant 0 : i32
      %lt3A_208 = vector.broadcast %lt3A_207 : i32 to vector<16xi32>
      %lt3A_209 = arith.cmpi slt, %broadcast_in_dim3A_206, %lt3A_208 : vector<16xi32>
      %add3A_210 = arith.constant 16 : i32
      %add3A_211 = vector.broadcast %add3A_210 : i32 to vector<16xi32>
      %add3A_212 = arith.addi %broadcast_in_dim3A_206, %add3A_211 : vector<16xi32>
      %select_n3A_213 = arith.select %lt3A_209, %add3A_212, %broadcast_in_dim3A_206 : vector<16xi1>, vector<16xi32>
      %broadcast_in_dim3A_214 = vector.shape_cast %select_n3A_213 : vector<16xi32> to vector<16x1xi32>
      %gather3A_215 = vector.shape_cast %broadcast_in_dim3A_214 : vector<16x1xi32> to vector<16xi32>
      %gather3A_216 = tpu.dynamic_gather %get3A_45[%gather3A_215] in [0] : vector<16xf32>, vector<16xi32> -> vector<16xf32>
      %mul3A_217 = arith.mulf %gather3A_216, %gather3A_204 : vector<16xf32>
      %add3A_218 = arith.addf %add3A_201, %mul3A_217 : vector<16xf32>
      %mul3A_219 = arith.constant 0.316227764 : f32
      %mul3A_220 = vector.broadcast %mul3A_219 : f32 to vector<16xf32>
      %mul3A_221 = arith.mulf %add3A_218, %mul3A_220 : vector<16xf32>
      %add3A_222 = arith.constant 16 : i32
      %add3A_223 = vector.broadcast %add3A_222 : i32 to vector<16xi32>
      %add3A_224 = arith.addi %iota3A, %add3A_223 : vector<16xi32>
      %min3A_225 = arith.constant 49 : i32
      %min3A_226 = vector.broadcast %min3A_225 : i32 to vector<16xi32>
      %min3A_227 = arith.minsi %add3A_224, %min3A_226 : vector<16xi32>
      %broadcast_in_dim3A_228 = arith.constant 0.000000e+00 : f32
      %broadcast_in_dim3A_229 = vector.broadcast %broadcast_in_dim3A_228 : f32 to vector<16xf32>
      %broadcast_in_dim3A_230 = arith.constant 0 : i32
      %broadcast_in_dim3A_231 = vector.broadcast %broadcast_in_dim3A_230 : i32 to vector<16xi32>
      %gather3A_232 = tpu.vector_load_idx %arg9[%min3A_227, %broadcast_in_dim3A_231] : memref<50x10xf32, #tpu.memory_space<vmem>>[vector<16xi32>, vector<16xi32>], vector<16xf32>,
      %broadcast_in_dim3A_233 = arith.constant 0 : i32
      %broadcast_in_dim3A_234 = vector.broadcast %broadcast_in_dim3A_233 : i32 to vector<16xi32>
      %lt3A_235 = arith.constant 0 : i32
      %lt3A_236 = vector.broadcast %lt3A_235 : i32 to vector<16xi32>
      %lt3A_237 = arith.cmpi slt, %broadcast_in_dim3A_234, %lt3A_236 : vector<16xi32>
      %add3A_238 = arith.constant 16 : i32
      %add3A_239 = vector.broadcast %add3A_238 : i32 to vector<16xi32>
      %add3A_240 = arith.addi %broadcast_in_dim3A_234, %add3A_239 : vector<16xi32>
      %select_n3A_241 = arith.select %lt3A_237, %add3A_240, %broadcast_in_dim3A_234 : vector<16xi1>, vector<16xi32>
      %broadcast_in_dim3A_242 = vector.shape_cast %select_n3A_241 : vector<16xi32> to vector<16x1xi32>
      %gather3A_243 = vector.shape_cast %broadcast_in_dim3A_242 : vector<16x1xi32> to vector<16xi32>
      %gather3A_244 = tpu.dynamic_gather %get3A_45[%gather3A_243] in [0] : vector<16xf32>, vector<16xi32> -> vector<16xf32>
      %mul3A_245 = arith.mulf %gather3A_244, %gather3A_232 : vector<16xf32>
      %add3A_246 = arith.addf %broadcast_in_dim3A_229, %mul3A_245 : vector<16xf32>
      %broadcast_in_dim3A_247 = arith.constant 1 : i32
      %broadcast_in_dim3A_248 = vector.broadcast %broadcast_in_dim3A_247 : i32 to vector<16xi32>
      %gather3A_249 = tpu.vector_load_idx %arg9[%min3A_227, %broadcast_in_dim3A_248] : memref<50x10xf32, #tpu.memory_space<vmem>>[vector<16xi32>, vector<16xi32>], vector<16xf32>,
      %broadcast_in_dim3A_250 = arith.constant 1 : i32
      %broadcast_in_dim3A_251 = vector.broadcast %broadcast_in_dim3A_250 : i32 to vector<16xi32>
      %lt3A_252 = arith.constant 0 : i32
      %lt3A_253 = vector.broadcast %lt3A_252 : i32 to vector<16xi32>
      %lt3A_254 = arith.cmpi slt, %broadcast_in_dim3A_251, %lt3A_253 : vector<16xi32>
      %add3A_255 = arith.constant 16 : i32
      %add3A_256 = vector.broadcast %add3A_255 : i32 to vector<16xi32>
      %add3A_257 = arith.addi %broadcast_in_dim3A_251, %add3A_256 : vector<16xi32>
      %select_n3A_258 = arith.select %lt3A_254, %add3A_257, %broadcast_in_dim3A_251 : vector<16xi1>, vector<16xi32>
      %broadcast_in_dim3A_259 = vector.shape_cast %select_n3A_258 : vector<16xi32> to vector<16x1xi32>
      %gather3A_260 = vector.shape_cast %broadcast_in_dim3A_259 : vector<16x1xi32> to vector<16xi32>
      %gather3A_261 = tpu.dynamic_gather %get3A_45[%gather3A_260] in [0] : vector<16xf32>, vector<16xi32> -> vector<16xf32>
      %mul3A_262 = arith.mulf %gather3A_261, %gather3A_249 : vector<16xf32>
      %add3A_263 = arith.addf %add3A_246, %mul3A_262 : vector<16xf32>
      %broadcast_in_dim3A_264 = arith.constant 2 : i32
      %broadcast_in_dim3A_265 = vector.broadcast %broadcast_in_dim3A_264 : i32 to vector<16xi32>
      %gather3A_266 = tpu.vector_load_idx %arg9[%min3A_227, %broadcast_in_dim3A_265] : memref<50x10xf32, #tpu.memory_space<vmem>>[vector<16xi32>, vector<16xi32>], vector<16xf32>,
      %broadcast_in_dim3A_267 = arith.constant 2 : i32
      %broadcast_in_dim3A_268 = vector.broadcast %broadcast_in_dim3A_267 : i32 to vector<16xi32>
      %lt3A_269 = arith.constant 0 : i32
      %lt3A_270 = vector.broadcast %lt3A_269 : i32 to vector<16xi32>
      %lt3A_271 = arith.cmpi slt, %broadcast_in_dim3A_268, %lt3A_270 : vector<16xi32>
      %add3A_272 = arith.constant 16 : i32
      %add3A_273 = vector.broadcast %add3A_272 : i32 to vector<16xi32>
      %add3A_274 = arith.addi %broadcast_in_dim3A_268, %add3A_273 : vector<16xi32>
      %select_n3A_275 = arith.select %lt3A_271, %add3A_274, %broadcast_in_dim3A_268 : vector<16xi1>, vector<16xi32>
      %broadcast_in_dim3A_276 = vector.shape_cast %select_n3A_275 : vector<16xi32> to vector<16x1xi32>
      %gather3A_277 = vector.shape_cast %broadcast_in_dim3A_276 : vector<16x1xi32> to vector<16xi32>
      %gather3A_278 = tpu.dynamic_gather %get3A_45[%gather3A_277] in [0] : vector<16xf32>, vector<16xi32> -> vector<16xf32>
      %mul3A_279 = arith.mulf %gather3A_278, %gather3A_266 : vector<16xf32>
      %add3A_280 = arith.addf %add3A_263, %mul3A_279 : vector<16xf32>
      %broadcast_in_dim3A_281 = arith.constant 3 : i32
      %broadcast_in_dim3A_282 = vector.broadcast %broadcast_in_dim3A_281 : i32 to vector<16xi32>
      %gather3A_283 = tpu.vector_load_idx %arg9[%min3A_227, %broadcast_in_dim3A_282] : memref<50x10xf32, #tpu.memory_space<vmem>>[vector<16xi32>, vector<16xi32>], vector<16xf32>,
      %broadcast_in_dim3A_284 = arith.constant 3 : i32
      %broadcast_in_dim3A_285 = vector.broadcast %broadcast_in_dim3A_284 : i32 to vector<16xi32>
      %lt3A_286 = arith.constant 0 : i32
      %lt3A_287 = vector.broadcast %lt3A_286 : i32 to vector<16xi32>
      %lt3A_288 = arith.cmpi slt, %broadcast_in_dim3A_285, %lt3A_287 : vector<16xi32>
      %add3A_289 = arith.constant 16 : i32
      %add3A_290 = vector.broadcast %add3A_289 : i32 to vector<16xi32>
      %add3A_291 = arith.addi %broadcast_in_dim3A_285, %add3A_290 : vector<16xi32>
      %select_n3A_292 = arith.select %lt3A_288, %add3A_291, %broadcast_in_dim3A_285 : vector<16xi1>, vector<16xi32>
      %broadcast_in_dim3A_293 = vector.shape_cast %select_n3A_292 : vector<16xi32> to vector<16x1xi32>
      %gather3A_294 = vector.shape_cast %broadcast_in_dim3A_293 : vector<16x1xi32> to vector<16xi32>
      %gather3A_295 = tpu.dynamic_gather %get3A_45[%gather3A_294] in [0] : vector<16xf32>, vector<16xi32> -> vector<16xf32>
      %mul3A_296 = arith.mulf %gather3A_295, %gather3A_283 : vector<16xf32>
      %add3A_297 = arith.addf %add3A_280, %mul3A_296 : vector<16xf32>
      %broadcast_in_dim3A_298 = arith.constant 4 : i32
      %broadcast_in_dim3A_299 = vector.broadcast %broadcast_in_dim3A_298 : i32 to vector<16xi32>
      %gather3A_300 = tpu.vector_load_idx %arg9[%min3A_227, %broadcast_in_dim3A_299] : memref<50x10xf32, #tpu.memory_space<vmem>>[vector<16xi32>, vector<16xi32>], vector<16xf32>,
      %broadcast_in_dim3A_301 = arith.constant 4 : i32
      %broadcast_in_dim3A_302 = vector.broadcast %broadcast_in_dim3A_301 : i32 to vector<16xi32>
      %lt3A_303 = arith.constant 0 : i32
      %lt3A_304 = vector.broadcast %lt3A_303 : i32 to vector<16xi32>
      %lt3A_305 = arith.cmpi slt, %broadcast_in_dim3A_302, %lt3A_304 : vector<16xi32>
      %add3A_306 = arith.constant 16 : i32
      %add3A_307 = vector.broadcast %add3A_306 : i32 to vector<16xi32>
      %add3A_308 = arith.addi %broadcast_in_dim3A_302, %add3A_307 : vector<16xi32>
      %select_n3A_309 = arith.select %lt3A_305, %add3A_308, %broadcast_in_dim3A_302 : vector<16xi1>, vector<16xi32>
      %broadcast_in_dim3A_310 = vector.shape_cast %select_n3A_309 : vector<16xi32> to vector<16x1xi32>
      %gather3A_311 = vector.shape_cast %broadcast_in_dim3A_310 : vector<16x1xi32> to vector<16xi32>
      %gather3A_312 = tpu.dynamic_gather %get3A_45[%gather3A_311] in [0] : vector<16xf32>, vector<16xi32> -> vector<16xf32>
      %mul3A_313 = arith.mulf %gather3A_312, %gather3A_300 : vector<16xf32>
      %add3A_314 = arith.addf %add3A_297, %mul3A_313 : vector<16xf32>
      %broadcast_in_dim3A_315 = arith.constant 5 : i32
      %broadcast_in_dim3A_316 = vector.broadcast %broadcast_in_dim3A_315 : i32 to vector<16xi32>
      %gather3A_317 = tpu.vector_load_idx %arg9[%min3A_227, %broadcast_in_dim3A_316] : memref<50x10xf32, #tpu.memory_space<vmem>>[vector<16xi32>, vector<16xi32>], vector<16xf32>,
      %broadcast_in_dim3A_318 = arith.constant 5 : i32
      %broadcast_in_dim3A_319 = vector.broadcast %broadcast_in_dim3A_318 : i32 to vector<16xi32>
      %lt3A_320 = arith.constant 0 : i32
      %lt3A_321 = vector.broadcast %lt3A_320 : i32 to vector<16xi32>
      %lt3A_322 = arith.cmpi slt, %broadcast_in_dim3A_319, %lt3A_321 : vector<16xi32>
      %add3A_323 = arith.constant 16 : i32
      %add3A_324 = vector.broadcast %add3A_323 : i32 to vector<16xi32>
      %add3A_325 = arith.addi %broadcast_in_dim3A_319, %add3A_324 : vector<16xi32>
      %select_n3A_326 = arith.select %lt3A_322, %add3A_325, %broadcast_in_dim3A_319 : vector<16xi1>, vector<16xi32>
      %broadcast_in_dim3A_327 = vector.shape_cast %select_n3A_326 : vector<16xi32> to vector<16x1xi32>
      %gather3A_328 = vector.shape_cast %broadcast_in_dim3A_327 : vector<16x1xi32> to vector<16xi32>
      %gather3A_329 = tpu.dynamic_gather %get3A_45[%gather3A_328] in [0] : vector<16xf32>, vector<16xi32> -> vector<16xf32>
      %mul3A_330 = arith.mulf %gather3A_329, %gather3A_317 : vector<16xf32>
      %add3A_331 = arith.addf %add3A_314, %mul3A_330 : vector<16xf32>
      %broadcast_in_dim3A_332 = arith.constant 6 : i32
      %broadcast_in_dim3A_333 = vector.broadcast %broadcast_in_dim3A_332 : i32 to vector<16xi32>
      %gather3A_334 = tpu.vector_load_idx %arg9[%min3A_227, %broadcast_in_dim3A_333] : memref<50x10xf32, #tpu.memory_space<vmem>>[vector<16xi32>, vector<16xi32>], vector<16xf32>,
      %broadcast_in_dim3A_335 = arith.constant 6 : i32
      %broadcast_in_dim3A_336 = vector.broadcast %broadcast_in_dim3A_335 : i32 to vector<16xi32>
      %lt3A_337 = arith.constant 0 : i32
      %lt3A_338 = vector.broadcast %lt3A_337 : i32 to vector<16xi32>
      %lt3A_339 = arith.cmpi slt, %broadcast_in_dim3A_336, %lt3A_338 : vector<16xi32>
      %add3A_340 = arith.constant 16 : i32
      %add3A_341 = vector.broadcast %add3A_340 : i32 to vector<16xi32>
      %add3A_342 = arith.addi %broadcast_in_dim3A_336, %add3A_341 : vector<16xi32>
      %select_n3A_343 = arith.select %lt3A_339, %add3A_342, %broadcast_in_dim3A_336 : vector<16xi1>, vector<16xi32>
      %broadcast_in_dim3A_344 = vector.shape_cast %select_n3A_343 : vector<16xi32> to vector<16x1xi32>
      %gather3A_345 = vector.shape_cast %broadcast_in_dim3A_344 : vector<16x1xi32> to vector<16xi32>
      %gather3A_346 = tpu.dynamic_gather %get3A_45[%gather3A_345] in [0] : vector<16xf32>, vector<16xi32> -> vector<16xf32>
      %mul3A_347 = arith.mulf %gather3A_346, %gather3A_334 : vector<16xf32>
      %add3A_348 = arith.addf %add3A_331, %mul3A_347 : vector<16xf32>
      %broadcast_in_dim3A_349 = arith.constant 7 : i32
      %broadcast_in_dim3A_350 = vector.broadcast %broadcast_in_dim3A_349 : i32 to vector<16xi32>
      %gather3A_351 = tpu.vector_load_idx %arg9[%min3A_227, %broadcast_in_dim3A_350] : memref<50x10xf32, #tpu.memory_space<vmem>>[vector<16xi32>, vector<16xi32>], vector<16xf32>,
      %broadcast_in_dim3A_352 = arith.constant 7 : i32
      %broadcast_in_dim3A_353 = vector.broadcast %broadcast_in_dim3A_352 : i32 to vector<16xi32>
      %lt3A_354 = arith.constant 0 : i32
      %lt3A_355 = vector.broadcast %lt3A_354 : i32 to vector<16xi32>
      %lt3A_356 = arith.cmpi slt, %broadcast_in_dim3A_353, %lt3A_355 : vector<16xi32>
      %add3A_357 = arith.constant 16 : i32
      %add3A_358 = vector.broadcast %add3A_357 : i32 to vector<16xi32>
      %add3A_359 = arith.addi %broadcast_in_dim3A_353, %add3A_358 : vector<16xi32>
      %select_n3A_360 = arith.select %lt3A_356, %add3A_359, %broadcast_in_dim3A_353 : vector<16xi1>, vector<16xi32>
      %broadcast_in_dim3A_361 = vector.shape_cast %select_n3A_360 : vector<16xi32> to vector<16x1xi32>
      %gather3A_362 = vector.shape_cast %broadcast_in_dim3A_361 : vector<16x1xi32> to vector<16xi32>
      %gather3A_363 = tpu.dynamic_gather %get3A_45[%gather3A_362] in [0] : vector<16xf32>, vector<16xi32> -> vector<16xf32>
      %mul3A_364 = arith.mulf %gather3A_363, %gather3A_351 : vector<16xf32>
      %add3A_365 = arith.addf %add3A_348, %mul3A_364 : vector<16xf32>
      %broadcast_in_dim3A_366 = arith.constant 8 : i32
      %broadcast_in_dim3A_367 = vector.broadcast %broadcast_in_dim3A_366 : i32 to vector<16xi32>
      %gather3A_368 = tpu.vector_load_idx %arg9[%min3A_227, %broadcast_in_dim3A_367] : memref<50x10xf32, #tpu.memory_space<vmem>>[vector<16xi32>, vector<16xi32>], vector<16xf32>,
      %broadcast_in_dim3A_369 = arith.constant 8 : i32
      %broadcast_in_dim3A_370 = vector.broadcast %broadcast_in_dim3A_369 : i32 to vector<16xi32>
      %lt3A_371 = arith.constant 0 : i32
      %lt3A_372 = vector.broadcast %lt3A_371 : i32 to vector<16xi32>
      %lt3A_373 = arith.cmpi slt, %broadcast_in_dim3A_370, %lt3A_372 : vector<16xi32>
      %add3A_374 = arith.constant 16 : i32
      %add3A_375 = vector.broadcast %add3A_374 : i32 to vector<16xi32>
      %add3A_376 = arith.addi %broadcast_in_dim3A_370, %add3A_375 : vector<16xi32>
      %select_n3A_377 = arith.select %lt3A_373, %add3A_376, %broadcast_in_dim3A_370 : vector<16xi1>, vector<16xi32>
      %broadcast_in_dim3A_378 = vector.shape_cast %select_n3A_377 : vector<16xi32> to vector<16x1xi32>
      %gather3A_379 = vector.shape_cast %broadcast_in_dim3A_378 : vector<16x1xi32> to vector<16xi32>
      %gather3A_380 = tpu.dynamic_gather %get3A_45[%gather3A_379] in [0] : vector<16xf32>, vector<16xi32> -> vector<16xf32>
      %mul3A_381 = arith.mulf %gather3A_380, %gather3A_368 : vector<16xf32>
      %add3A_382 = arith.addf %add3A_365, %mul3A_381 : vector<16xf32>
      %broadcast_in_dim3A_383 = arith.constant 9 : i32
      %broadcast_in_dim3A_384 = vector.broadcast %broadcast_in_dim3A_383 : i32 to vector<16xi32>
      %gather3A_385 = tpu.vector_load_idx %arg9[%min3A_227, %broadcast_in_dim3A_384] : memref<50x10xf32, #tpu.memory_space<vmem>>[vector<16xi32>, vector<16xi32>], vector<16xf32>,
      %broadcast_in_dim3A_386 = arith.constant 9 : i32
      %broadcast_in_dim3A_387 = vector.broadcast %broadcast_in_dim3A_386 : i32 to vector<16xi32>
      %lt3A_388 = arith.constant 0 : i32
      %lt3A_389 = vector.broadcast %lt3A_388 : i32 to vector<16xi32>
      %lt3A_390 = arith.cmpi slt, %broadcast_in_dim3A_387, %lt3A_389 : vector<16xi32>
      %add3A_391 = arith.constant 16 : i32
      %add3A_392 = vector.broadcast %add3A_391 : i32 to vector<16xi32>
      %add3A_393 = arith.addi %broadcast_in_dim3A_387, %add3A_392 : vector<16xi32>
      %select_n3A_394 = arith.select %lt3A_390, %add3A_393, %broadcast_in_dim3A_387 : vector<16xi1>, vector<16xi32>
      %broadcast_in_dim3A_395 = vector.shape_cast %select_n3A_394 : vector<16xi32> to vector<16x1xi32>
      %gather3A_396 = vector.shape_cast %broadcast_in_dim3A_395 : vector<16x1xi32> to vector<16xi32>
      %gather3A_397 = tpu.dynamic_gather %get3A_45[%gather3A_396] in [0] : vector<16xf32>, vector<16xi32> -> vector<16xf32>
      %mul3A_398 = arith.mulf %gather3A_397, %gather3A_385 : vector<16xf32>
      %add3A_399 = arith.addf %add3A_382, %mul3A_398 : vector<16xf32>
      %mul3A_400 = arith.constant 0.316227764 : f32
      %mul3A_401 = vector.broadcast %mul3A_400 : f32 to vector<16xf32>
      %mul3A_402 = arith.mulf %add3A_399, %mul3A_401 : vector<16xf32>
      %add3A_403 = arith.constant 32 : i32
      %add3A_404 = vector.broadcast %add3A_403 : i32 to vector<16xi32>
      %add3A_405 = arith.addi %iota3A, %add3A_404 : vector<16xi32>
      %min3A_406 = arith.constant 49 : i32
      %min3A_407 = vector.broadcast %min3A_406 : i32 to vector<16xi32>
      %min3A_408 = arith.minsi %add3A_405, %min3A_407 : vector<16xi32>
      %broadcast_in_dim3A_409 = arith.constant 0.000000e+00 : f32
      %broadcast_in_dim3A_410 = vector.broadcast %broadcast_in_dim3A_409 : f32 to vector<16xf32>
      %broadcast_in_dim3A_411 = arith.constant 0 : i32
      %broadcast_in_dim3A_412 = vector.broadcast %broadcast_in_dim3A_411 : i32 to vector<16xi32>
      %gather3A_413 = tpu.vector_load_idx %arg9[%min3A_408, %broadcast_in_dim3A_412] : memref<50x10xf32, #tpu.memory_space<vmem>>[vector<16xi32>, vector<16xi32>], vector<16xf32>,
      %broadcast_in_dim3A_414 = arith.constant 0 : i32
      %broadcast_in_dim3A_415 = vector.broadcast %broadcast_in_dim3A_414 : i32 to vector<16xi32>
      %lt3A_416 = arith.constant 0 : i32
      %lt3A_417 = vector.broadcast %lt3A_416 : i32 to vector<16xi32>
      %lt3A_418 = arith.cmpi slt, %broadcast_in_dim3A_415, %lt3A_417 : vector<16xi32>
      %add3A_419 = arith.constant 16 : i32
      %add3A_420 = vector.broadcast %add3A_419 : i32 to vector<16xi32>
      %add3A_421 = arith.addi %broadcast_in_dim3A_415, %add3A_420 : vector<16xi32>
      %select_n3A_422 = arith.select %lt3A_418, %add3A_421, %broadcast_in_dim3A_415 : vector<16xi1>, vector<16xi32>
      %broadcast_in_dim3A_423 = vector.shape_cast %select_n3A_422 : vector<16xi32> to vector<16x1xi32>
      %gather3A_424 = vector.shape_cast %broadcast_in_dim3A_423 : vector<16x1xi32> to vector<16xi32>
      %gather3A_425 = tpu.dynamic_gather %get3A_45[%gather3A_424] in [0] : vector<16xf32>, vector<16xi32> -> vector<16xf32>
      %mul3A_426 = arith.mulf %gather3A_425, %gather3A_413 : vector<16xf32>
      %add3A_427 = arith.addf %broadcast_in_dim3A_410, %mul3A_426 : vector<16xf32>
      %broadcast_in_dim3A_428 = arith.constant 1 : i32
      %broadcast_in_dim3A_429 = vector.broadcast %broadcast_in_dim3A_428 : i32 to vector<16xi32>
      %gather3A_430 = tpu.vector_load_idx %arg9[%min3A_408, %broadcast_in_dim3A_429] : memref<50x10xf32, #tpu.memory_space<vmem>>[vector<16xi32>, vector<16xi32>], vector<16xf32>,
      %broadcast_in_dim3A_431 = arith.constant 1 : i32
      %broadcast_in_dim3A_432 = vector.broadcast %broadcast_in_dim3A_431 : i32 to vector<16xi32>
      %lt3A_433 = arith.constant 0 : i32
      %lt3A_434 = vector.broadcast %lt3A_433 : i32 to vector<16xi32>
      %lt3A_435 = arith.cmpi slt, %broadcast_in_dim3A_432, %lt3A_434 : vector<16xi32>
      %add3A_436 = arith.constant 16 : i32
      %add3A_437 = vector.broadcast %add3A_436 : i32 to vector<16xi32>
      %add3A_438 = arith.addi %broadcast_in_dim3A_432, %add3A_437 : vector<16xi32>
      %select_n3A_439 = arith.select %lt3A_435, %add3A_438, %broadcast_in_dim3A_432 : vector<16xi1>, vector<16xi32>
      %broadcast_in_dim3A_440 = vector.shape_cast %select_n3A_439 : vector<16xi32> to vector<16x1xi32>
      %gather3A_441 = vector.shape_cast %broadcast_in_dim3A_440 : vector<16x1xi32> to vector<16xi32>
      %gather3A_442 = tpu.dynamic_gather %get3A_45[%gather3A_441] in [0] : vector<16xf32>, vector<16xi32> -> vector<16xf32>
      %mul3A_443 = arith.mulf %gather3A_442, %gather3A_430 : vector<16xf32>
      %add3A_444 = arith.addf %add3A_427, %mul3A_443 : vector<16xf32>
      %broadcast_in_dim3A_445 = arith.constant 2 : i32
      %broadcast_in_dim3A_446 = vector.broadcast %broadcast_in_dim3A_445 : i32 to vector<16xi32>
      %gather3A_447 = tpu.vector_load_idx %arg9[%min3A_408, %broadcast_in_dim3A_446] : memref<50x10xf32, #tpu.memory_space<vmem>>[vector<16xi32>, vector<16xi32>], vector<16xf32>,
      %broadcast_in_dim3A_448 = arith.constant 2 : i32
      %broadcast_in_dim3A_449 = vector.broadcast %broadcast_in_dim3A_448 : i32 to vector<16xi32>
      %lt3A_450 = arith.constant 0 : i32
      %lt3A_451 = vector.broadcast %lt3A_450 : i32 to vector<16xi32>
      %lt3A_452 = arith.cmpi slt, %broadcast_in_dim3A_449, %lt3A_451 : vector<16xi32>
      %add3A_453 = arith.constant 16 : i32
      %add3A_454 = vector.broadcast %add3A_453 : i32 to vector<16xi32>
      %add3A_455 = arith.addi %broadcast_in_dim3A_449, %add3A_454 : vector<16xi32>
      %select_n3A_456 = arith.select %lt3A_452, %add3A_455, %broadcast_in_dim3A_449 : vector<16xi1>, vector<16xi32>
      %broadcast_in_dim3A_457 = vector.shape_cast %select_n3A_456 : vector<16xi32> to vector<16x1xi32>
      %gather3A_458 = vector.shape_cast %broadcast_in_dim3A_457 : vector<16x1xi32> to vector<16xi32>
      %gather3A_459 = tpu.dynamic_gather %get3A_45[%gather3A_458] in [0] : vector<16xf32>, vector<16xi32> -> vector<16xf32>
      %mul3A_460 = arith.mulf %gather3A_459, %gather3A_447 : vector<16xf32>
      %add3A_461 = arith.addf %add3A_444, %mul3A_460 : vector<16xf32>
      %broadcast_in_dim3A_462 = arith.constant 3 : i32
      %broadcast_in_dim3A_463 = vector.broadcast %broadcast_in_dim3A_462 : i32 to vector<16xi32>
      %gather3A_464 = tpu.vector_load_idx %arg9[%min3A_408, %broadcast_in_dim3A_463] : memref<50x10xf32, #tpu.memory_space<vmem>>[vector<16xi32>, vector<16xi32>], vector<16xf32>,
      %broadcast_in_dim3A_465 = arith.constant 3 : i32
      %broadcast_in_dim3A_466 = vector.broadcast %broadcast_in_dim3A_465 : i32 to vector<16xi32>
      %lt3A_467 = arith.constant 0 : i32
      %lt3A_468 = vector.broadcast %lt3A_467 : i32 to vector<16xi32>
      %lt3A_469 = arith.cmpi slt, %broadcast_in_dim3A_466, %lt3A_468 : vector<16xi32>
      %add3A_470 = arith.constant 16 : i32
      %add3A_471 = vector.broadcast %add3A_470 : i32 to vector<16xi32>
      %add3A_472 = arith.addi %broadcast_in_dim3A_466, %add3A_471 : vector<16xi32>
      %select_n3A_473 = arith.select %lt3A_469, %add3A_472, %broadcast_in_dim3A_466 : vector<16xi1>, vector<16xi32>
      %broadcast_in_dim3A_474 = vector.shape_cast %select_n3A_473 : vector<16xi32> to vector<16x1xi32>
      %gather3A_475 = vector.shape_cast %broadcast_in_dim3A_474 : vector<16x1xi32> to vector<16xi32>
      %gather3A_476 = tpu.dynamic_gather %get3A_45[%gather3A_475] in [0] : vector<16xf32>, vector<16xi32> -> vector<16xf32>
      %mul3A_477 = arith.mulf %gather3A_476, %gather3A_464 : vector<16xf32>
      %add3A_478 = arith.addf %add3A_461, %mul3A_477 : vector<16xf32>
      %broadcast_in_dim3A_479 = arith.constant 4 : i32
      %broadcast_in_dim3A_480 = vector.broadcast %broadcast_in_dim3A_479 : i32 to vector<16xi32>
      %gather3A_481 = tpu.vector_load_idx %arg9[%min3A_408, %broadcast_in_dim3A_480] : memref<50x10xf32, #tpu.memory_space<vmem>>[vector<16xi32>, vector<16xi32>], vector<16xf32>,
      %broadcast_in_dim3A_482 = arith.constant 4 : i32
      %broadcast_in_dim3A_483 = vector.broadcast %broadcast_in_dim3A_482 : i32 to vector<16xi32>
      %lt3A_484 = arith.constant 0 : i32
      %lt3A_485 = vector.broadcast %lt3A_484 : i32 to vector<16xi32>
      %lt3A_486 = arith.cmpi slt, %broadcast_in_dim3A_483, %lt3A_485 : vector<16xi32>
      %add3A_487 = arith.constant 16 : i32
      %add3A_488 = vector.broadcast %add3A_487 : i32 to vector<16xi32>
      %add3A_489 = arith.addi %broadcast_in_dim3A_483, %add3A_488 : vector<16xi32>
      %select_n3A_490 = arith.select %lt3A_486, %add3A_489, %broadcast_in_dim3A_483 : vector<16xi1>, vector<16xi32>
      %broadcast_in_dim3A_491 = vector.shape_cast %select_n3A_490 : vector<16xi32> to vector<16x1xi32>
      %gather3A_492 = vector.shape_cast %broadcast_in_dim3A_491 : vector<16x1xi32> to vector<16xi32>
      %gather3A_493 = tpu.dynamic_gather %get3A_45[%gather3A_492] in [0] : vector<16xf32>, vector<16xi32> -> vector<16xf32>
      %mul3A_494 = arith.mulf %gather3A_493, %gather3A_481 : vector<16xf32>
      %add3A_495 = arith.addf %add3A_478, %mul3A_494 : vector<16xf32>
      %broadcast_in_dim3A_496 = arith.constant 5 : i32
      %broadcast_in_dim3A_497 = vector.broadcast %broadcast_in_dim3A_496 : i32 to vector<16xi32>
      %gather3A_498 = tpu.vector_load_idx %arg9[%min3A_408, %broadcast_in_dim3A_497] : memref<50x10xf32, #tpu.memory_space<vmem>>[vector<16xi32>, vector<16xi32>], vector<16xf32>,
      %broadcast_in_dim3A_499 = arith.constant 5 : i32
      %broadcast_in_dim3A_500 = vector.broadcast %broadcast_in_dim3A_499 : i32 to vector<16xi32>
      %lt3A_501 = arith.constant 0 : i32
      %lt3A_502 = vector.broadcast %lt3A_501 : i32 to vector<16xi32>
      %lt3A_503 = arith.cmpi slt, %broadcast_in_dim3A_500, %lt3A_502 : vector<16xi32>
      %add3A_504 = arith.constant 16 : i32
      %add3A_505 = vector.broadcast %add3A_504 : i32 to vector<16xi32>
      %add3A_506 = arith.addi %broadcast_in_dim3A_500, %add3A_505 : vector<16xi32>
      %select_n3A_507 = arith.select %lt3A_503, %add3A_506, %broadcast_in_dim3A_500 : vector<16xi1>, vector<16xi32>
      %broadcast_in_dim3A_508 = vector.shape_cast %select_n3A_507 : vector<16xi32> to vector<16x1xi32>
      %gather3A_509 = vector.shape_cast %broadcast_in_dim3A_508 : vector<16x1xi32> to vector<16xi32>
      %gather3A_510 = tpu.dynamic_gather %get3A_45[%gather3A_509] in [0] : vector<16xf32>, vector<16xi32> -> vector<16xf32>
      %mul3A_511 = arith.mulf %gather3A_510, %gather3A_498 : vector<16xf32>
      %add3A_512 = arith.addf %add3A_495, %mul3A_511 : vector<16xf32>
      %broadcast_in_dim3A_513 = arith.constant 6 : i32
      %broadcast_in_dim3A_514 = vector.broadcast %broadcast_in_dim3A_513 : i32 to vector<16xi32>
      %gather3A_515 = tpu.vector_load_idx %arg9[%min3A_408, %broadcast_in_dim3A_514] : memref<50x10xf32, #tpu.memory_space<vmem>>[vector<16xi32>, vector<16xi32>], vector<16xf32>,
      %broadcast_in_dim3A_516 = arith.constant 6 : i32
      %broadcast_in_dim3A_517 = vector.broadcast %broadcast_in_dim3A_516 : i32 to vector<16xi32>
      %lt3A_518 = arith.constant 0 : i32
      %lt3A_519 = vector.broadcast %lt3A_518 : i32 to vector<16xi32>
      %lt3A_520 = arith.cmpi slt, %broadcast_in_dim3A_517, %lt3A_519 : vector<16xi32>
      %add3A_521 = arith.constant 16 : i32
      %add3A_522 = vector.broadcast %add3A_521 : i32 to vector<16xi32>
      %add3A_523 = arith.addi %broadcast_in_dim3A_517, %add3A_522 : vector<16xi32>
      %select_n3A_524 = arith.select %lt3A_520, %add3A_523, %broadcast_in_dim3A_517 : vector<16xi1>, vector<16xi32>
      %broadcast_in_dim3A_525 = vector.shape_cast %select_n3A_524 : vector<16xi32> to vector<16x1xi32>
      %gather3A_526 = vector.shape_cast %broadcast_in_dim3A_525 : vector<16x1xi32> to vector<16xi32>
      %gather3A_527 = tpu.dynamic_gather %get3A_45[%gather3A_526] in [0] : vector<16xf32>, vector<16xi32> -> vector<16xf32>
      %mul3A_528 = arith.mulf %gather3A_527, %gather3A_515 : vector<16xf32>
      %add3A_529 = arith.addf %add3A_512, %mul3A_528 : vector<16xf32>
      %broadcast_in_dim3A_530 = arith.constant 7 : i32
      %broadcast_in_dim3A_531 = vector.broadcast %broadcast_in_dim3A_530 : i32 to vector<16xi32>
      %gather3A_532 = tpu.vector_load_idx %arg9[%min3A_408, %broadcast_in_dim3A_531] : memref<50x10xf32, #tpu.memory_space<vmem>>[vector<16xi32>, vector<16xi32>], vector<16xf32>,
      %broadcast_in_dim3A_533 = arith.constant 7 : i32
      %broadcast_in_dim3A_534 = vector.broadcast %broadcast_in_dim3A_533 : i32 to vector<16xi32>
      %lt3A_535 = arith.constant 0 : i32
      %lt3A_536 = vector.broadcast %lt3A_535 : i32 to vector<16xi32>
      %lt3A_537 = arith.cmpi slt, %broadcast_in_dim3A_534, %lt3A_536 : vector<16xi32>
      %add3A_538 = arith.constant 16 : i32
      %add3A_539 = vector.broadcast %add3A_538 : i32 to vector<16xi32>
      %add3A_540 = arith.addi %broadcast_in_dim3A_534, %add3A_539 : vector<16xi32>
      %select_n3A_541 = arith.select %lt3A_537, %add3A_540, %broadcast_in_dim3A_534 : vector<16xi1>, vector<16xi32>
      %broadcast_in_dim3A_542 = vector.shape_cast %select_n3A_541 : vector<16xi32> to vector<16x1xi32>
      %gather3A_543 = vector.shape_cast %broadcast_in_dim3A_542 : vector<16x1xi32> to vector<16xi32>
      %gather3A_544 = tpu.dynamic_gather %get3A_45[%gather3A_543] in [0] : vector<16xf32>, vector<16xi32> -> vector<16xf32>
      %mul3A_545 = arith.mulf %gather3A_544, %gather3A_532 : vector<16xf32>
      %add3A_546 = arith.addf %add3A_529, %mul3A_545 : vector<16xf32>
      %broadcast_in_dim3A_547 = arith.constant 8 : i32
      %broadcast_in_dim3A_548 = vector.broadcast %broadcast_in_dim3A_547 : i32 to vector<16xi32>
      %gather3A_549 = tpu.vector_load_idx %arg9[%min3A_408, %broadcast_in_dim3A_548] : memref<50x10xf32, #tpu.memory_space<vmem>>[vector<16xi32>, vector<16xi32>], vector<16xf32>,
      %broadcast_in_dim3A_550 = arith.constant 8 : i32
      %broadcast_in_dim3A_551 = vector.broadcast %broadcast_in_dim3A_550 : i32 to vector<16xi32>
      %lt3A_552 = arith.constant 0 : i32
      %lt3A_553 = vector.broadcast %lt3A_552 : i32 to vector<16xi32>
      %lt3A_554 = arith.cmpi slt, %broadcast_in_dim3A_551, %lt3A_553 : vector<16xi32>
      %add3A_555 = arith.constant 16 : i32
      %add3A_556 = vector.broadcast %add3A_555 : i32 to vector<16xi32>
      %add3A_557 = arith.addi %broadcast_in_dim3A_551, %add3A_556 : vector<16xi32>
      %select_n3A_558 = arith.select %lt3A_554, %add3A_557, %broadcast_in_dim3A_551 : vector<16xi1>, vector<16xi32>
      %broadcast_in_dim3A_559 = vector.shape_cast %select_n3A_558 : vector<16xi32> to vector<16x1xi32>
      %gather3A_560 = vector.shape_cast %broadcast_in_dim3A_559 : vector<16x1xi32> to vector<16xi32>
      %gather3A_561 = tpu.dynamic_gather %get3A_45[%gather3A_560] in [0] : vector<16xf32>, vector<16xi32> -> vector<16xf32>
      %mul3A_562 = arith.mulf %gather3A_561, %gather3A_549 : vector<16xf32>
      %add3A_563 = arith.addf %add3A_546, %mul3A_562 : vector<16xf32>
      %broadcast_in_dim3A_564 = arith.constant 9 : i32
      %broadcast_in_dim3A_565 = vector.broadcast %broadcast_in_dim3A_564 : i32 to vector<16xi32>
      %gather3A_566 = tpu.vector_load_idx %arg9[%min3A_408, %broadcast_in_dim3A_565] : memref<50x10xf32, #tpu.memory_space<vmem>>[vector<16xi32>, vector<16xi32>], vector<16xf32>,
      %broadcast_in_dim3A_567 = arith.constant 9 : i32
      %broadcast_in_dim3A_568 = vector.broadcast %broadcast_in_dim3A_567 : i32 to vector<16xi32>
      %lt3A_569 = arith.constant 0 : i32
      %lt3A_570 = vector.broadcast %lt3A_569 : i32 to vector<16xi32>
      %lt3A_571 = arith.cmpi slt, %broadcast_in_dim3A_568, %lt3A_570 : vector<16xi32>
      %add3A_572 = arith.constant 16 : i32
      %add3A_573 = vector.broadcast %add3A_572 : i32 to vector<16xi32>
      %add3A_574 = arith.addi %broadcast_in_dim3A_568, %add3A_573 : vector<16xi32>
      %select_n3A_575 = arith.select %lt3A_571, %add3A_574, %broadcast_in_dim3A_568 : vector<16xi1>, vector<16xi32>
      %broadcast_in_dim3A_576 = vector.shape_cast %select_n3A_575 : vector<16xi32> to vector<16x1xi32>
      %gather3A_577 = vector.shape_cast %broadcast_in_dim3A_576 : vector<16x1xi32> to vector<16xi32>
      %gather3A_578 = tpu.dynamic_gather %get3A_45[%gather3A_577] in [0] : vector<16xf32>, vector<16xi32> -> vector<16xf32>
      %mul3A_579 = arith.mulf %gather3A_578, %gather3A_566 : vector<16xf32>
      %add3A_580 = arith.addf %add3A_563, %mul3A_579 : vector<16xf32>
      %mul3A_581 = arith.constant 0.316227764 : f32
      %mul3A_582 = vector.broadcast %mul3A_581 : f32 to vector<16xf32>
      %mul3A_583 = arith.mulf %add3A_580, %mul3A_582 : vector<16xf32>
      %add3A_584 = arith.constant 48 : i32
      %add3A_585 = vector.broadcast %add3A_584 : i32 to vector<16xi32>
      %add3A_586 = arith.addi %iota3A, %add3A_585 : vector<16xi32>
      %min3A_587 = arith.constant 49 : i32
      %min3A_588 = vector.broadcast %min3A_587 : i32 to vector<16xi32>
      %min3A_589 = arith.minsi %add3A_586, %min3A_588 : vector<16xi32>
      %broadcast_in_dim3A_590 = arith.constant 0.000000e+00 : f32
      %broadcast_in_dim3A_591 = vector.broadcast %broadcast_in_dim3A_590 : f32 to vector<16xf32>
      %broadcast_in_dim3A_592 = arith.constant 0 : i32
      %broadcast_in_dim3A_593 = vector.broadcast %broadcast_in_dim3A_592 : i32 to vector<16xi32>
      %gather3A_594 = tpu.vector_load_idx %arg9[%min3A_589, %broadcast_in_dim3A_593] : memref<50x10xf32, #tpu.memory_space<vmem>>[vector<16xi32>, vector<16xi32>], vector<16xf32>,
      %broadcast_in_dim3A_595 = arith.constant 0 : i32
      %broadcast_in_dim3A_596 = vector.broadcast %broadcast_in_dim3A_595 : i32 to vector<16xi32>
      %lt3A_597 = arith.constant 0 : i32
      %lt3A_598 = vector.broadcast %lt3A_597 : i32 to vector<16xi32>
      %lt3A_599 = arith.cmpi slt, %broadcast_in_dim3A_596, %lt3A_598 : vector<16xi32>
      %add3A_600 = arith.constant 16 : i32
      %add3A_601 = vector.broadcast %add3A_600 : i32 to vector<16xi32>
      %add3A_602 = arith.addi %broadcast_in_dim3A_596, %add3A_601 : vector<16xi32>
      %select_n3A_603 = arith.select %lt3A_599, %add3A_602, %broadcast_in_dim3A_596 : vector<16xi1>, vector<16xi32>
      %broadcast_in_dim3A_604 = vector.shape_cast %select_n3A_603 : vector<16xi32> to vector<16x1xi32>
      %gather3A_605 = vector.shape_cast %broadcast_in_dim3A_604 : vector<16x1xi32> to vector<16xi32>
      %gather3A_606 = tpu.dynamic_gather %get3A_45[%gather3A_605] in [0] : vector<16xf32>, vector<16xi32> -> vector<16xf32>
      %mul3A_607 = arith.mulf %gather3A_606, %gather3A_594 : vector<16xf32>
      %add3A_608 = arith.addf %broadcast_in_dim3A_591, %mul3A_607 : vector<16xf32>
      %broadcast_in_dim3A_609 = arith.constant 1 : i32
      %broadcast_in_dim3A_610 = vector.broadcast %broadcast_in_dim3A_609 : i32 to vector<16xi32>
      %gather3A_611 = tpu.vector_load_idx %arg9[%min3A_589, %broadcast_in_dim3A_610] : memref<50x10xf32, #tpu.memory_space<vmem>>[vector<16xi32>, vector<16xi32>], vector<16xf32>,
      %broadcast_in_dim3A_612 = arith.constant 1 : i32
      %broadcast_in_dim3A_613 = vector.broadcast %broadcast_in_dim3A_612 : i32 to vector<16xi32>
      %lt3A_614 = arith.constant 0 : i32
      %lt3A_615 = vector.broadcast %lt3A_614 : i32 to vector<16xi32>
      %lt3A_616 = arith.cmpi slt, %broadcast_in_dim3A_613, %lt3A_615 : vector<16xi32>
      %add3A_617 = arith.constant 16 : i32
      %add3A_618 = vector.broadcast %add3A_617 : i32 to vector<16xi32>
      %add3A_619 = arith.addi %broadcast_in_dim3A_613, %add3A_618 : vector<16xi32>
      %select_n3A_620 = arith.select %lt3A_616, %add3A_619, %broadcast_in_dim3A_613 : vector<16xi1>, vector<16xi32>
      %broadcast_in_dim3A_621 = vector.shape_cast %select_n3A_620 : vector<16xi32> to vector<16x1xi32>
      %gather3A_622 = vector.shape_cast %broadcast_in_dim3A_621 : vector<16x1xi32> to vector<16xi32>
      %gather3A_623 = tpu.dynamic_gather %get3A_45[%gather3A_622] in [0] : vector<16xf32>, vector<16xi32> -> vector<16xf32>
      %mul3A_624 = arith.mulf %gather3A_623, %gather3A_611 : vector<16xf32>
      %add3A_625 = arith.addf %add3A_608, %mul3A_624 : vector<16xf32>
      %broadcast_in_dim3A_626 = arith.constant 2 : i32
      %broadcast_in_dim3A_627 = vector.broadcast %broadcast_in_dim3A_626 : i32 to vector<16xi32>
      %gather3A_628 = tpu.vector_load_idx %arg9[%min3A_589, %broadcast_in_dim3A_627] : memref<50x10xf32, #tpu.memory_space<vmem>>[vector<16xi32>, vector<16xi32>], vector<16xf32>,
      %broadcast_in_dim3A_629 = arith.constant 2 : i32
      %broadcast_in_dim3A_630 = vector.broadcast %broadcast_in_dim3A_629 : i32 to vector<16xi32>
      %lt3A_631 = arith.constant 0 : i32
      %lt3A_632 = vector.broadcast %lt3A_631 : i32 to vector<16xi32>
      %lt3A_633 = arith.cmpi slt, %broadcast_in_dim3A_630, %lt3A_632 : vector<16xi32>
      %add3A_634 = arith.constant 16 : i32
      %add3A_635 = vector.broadcast %add3A_634 : i32 to vector<16xi32>
      %add3A_636 = arith.addi %broadcast_in_dim3A_630, %add3A_635 : vector<16xi32>
      %select_n3A_637 = arith.select %lt3A_633, %add3A_636, %broadcast_in_dim3A_630 : vector<16xi1>, vector<16xi32>
      %broadcast_in_dim3A_638 = vector.shape_cast %select_n3A_637 : vector<16xi32> to vector<16x1xi32>
      %gather3A_639 = vector.shape_cast %broadcast_in_dim3A_638 : vector<16x1xi32> to vector<16xi32>
      %gather3A_640 = tpu.dynamic_gather %get3A_45[%gather3A_639] in [0] : vector<16xf32>, vector<16xi32> -> vector<16xf32>
      %mul3A_641 = arith.mulf %gather3A_640, %gather3A_628 : vector<16xf32>
      %add3A_642 = arith.addf %add3A_625, %mul3A_641 : vector<16xf32>
      %broadcast_in_dim3A_643 = arith.constant 3 : i32
      %broadcast_in_dim3A_644 = vector.broadcast %broadcast_in_dim3A_643 : i32 to vector<16xi32>
      %gather3A_645 = tpu.vector_load_idx %arg9[%min3A_589, %broadcast_in_dim3A_644] : memref<50x10xf32, #tpu.memory_space<vmem>>[vector<16xi32>, vector<16xi32>], vector<16xf32>,
      %broadcast_in_dim3A_646 = arith.constant 3 : i32
      %broadcast_in_dim3A_647 = vector.broadcast %broadcast_in_dim3A_646 : i32 to vector<16xi32>
      %lt3A_648 = arith.constant 0 : i32
      %lt3A_649 = vector.broadcast %lt3A_648 : i32 to vector<16xi32>
      %lt3A_650 = arith.cmpi slt, %broadcast_in_dim3A_647, %lt3A_649 : vector<16xi32>
      %add3A_651 = arith.constant 16 : i32
      %add3A_652 = vector.broadcast %add3A_651 : i32 to vector<16xi32>
      %add3A_653 = arith.addi %broadcast_in_dim3A_647, %add3A_652 : vector<16xi32>
      %select_n3A_654 = arith.select %lt3A_650, %add3A_653, %broadcast_in_dim3A_647 : vector<16xi1>, vector<16xi32>
      %broadcast_in_dim3A_655 = vector.shape_cast %select_n3A_654 : vector<16xi32> to vector<16x1xi32>
      %gather3A_656 = vector.shape_cast %broadcast_in_dim3A_655 : vector<16x1xi32> to vector<16xi32>
      %gather3A_657 = tpu.dynamic_gather %get3A_45[%gather3A_656] in [0] : vector<16xf32>, vector<16xi32> -> vector<16xf32>
      %mul3A_658 = arith.mulf %gather3A_657, %gather3A_645 : vector<16xf32>
      %add3A_659 = arith.addf %add3A_642, %mul3A_658 : vector<16xf32>
      %broadcast_in_dim3A_660 = arith.constant 4 : i32
      %broadcast_in_dim3A_661 = vector.broadcast %broadcast_in_dim3A_660 : i32 to vector<16xi32>
      %gather3A_662 = tpu.vector_load_idx %arg9[%min3A_589, %broadcast_in_dim3A_661] : memref<50x10xf32, #tpu.memory_space<vmem>>[vector<16xi32>, vector<16xi32>], vector<16xf32>,
      %broadcast_in_dim3A_663 = arith.constant 4 : i32
      %broadcast_in_dim3A_664 = vector.broadcast %broadcast_in_dim3A_663 : i32 to vector<16xi32>
      %lt3A_665 = arith.constant 0 : i32
      %lt3A_666 = vector.broadcast %lt3A_665 : i32 to vector<16xi32>
      %lt3A_667 = arith.cmpi slt, %broadcast_in_dim3A_664, %lt3A_666 : vector<16xi32>
      %add3A_668 = arith.constant 16 : i32
      %add3A_669 = vector.broadcast %add3A_668 : i32 to vector<16xi32>
      %add3A_670 = arith.addi %broadcast_in_dim3A_664, %add3A_669 : vector<16xi32>
      %select_n3A_671 = arith.select %lt3A_667, %add3A_670, %broadcast_in_dim3A_664 : vector<16xi1>, vector<16xi32>
      %broadcast_in_dim3A_672 = vector.shape_cast %select_n3A_671 : vector<16xi32> to vector<16x1xi32>
      %gather3A_673 = vector.shape_cast %broadcast_in_dim3A_672 : vector<16x1xi32> to vector<16xi32>
      %gather3A_674 = tpu.dynamic_gather %get3A_45[%gather3A_673] in [0] : vector<16xf32>, vector<16xi32> -> vector<16xf32>
      %mul3A_675 = arith.mulf %gather3A_674, %gather3A_662 : vector<16xf32>
      %add3A_676 = arith.addf %add3A_659, %mul3A_675 : vector<16xf32>
      %broadcast_in_dim3A_677 = arith.constant 5 : i32
      %broadcast_in_dim3A_678 = vector.broadcast %broadcast_in_dim3A_677 : i32 to vector<16xi32>
      %gather3A_679 = tpu.vector_load_idx %arg9[%min3A_589, %broadcast_in_dim3A_678] : memref<50x10xf32, #tpu.memory_space<vmem>>[vector<16xi32>, vector<16xi32>], vector<16xf32>,
      %broadcast_in_dim3A_680 = arith.constant 5 : i32
      %broadcast_in_dim3A_681 = vector.broadcast %broadcast_in_dim3A_680 : i32 to vector<16xi32>
      %lt3A_682 = arith.constant 0 : i32
      %lt3A_683 = vector.broadcast %lt3A_682 : i32 to vector<16xi32>
      %lt3A_684 = arith.cmpi slt, %broadcast_in_dim3A_681, %lt3A_683 : vector<16xi32>
      %add3A_685 = arith.constant 16 : i32
      %add3A_686 = vector.broadcast %add3A_685 : i32 to vector<16xi32>
      %add3A_687 = arith.addi %broadcast_in_dim3A_681, %add3A_686 : vector<16xi32>
      %select_n3A_688 = arith.select %lt3A_684, %add3A_687, %broadcast_in_dim3A_681 : vector<16xi1>, vector<16xi32>
      %broadcast_in_dim3A_689 = vector.shape_cast %select_n3A_688 : vector<16xi32> to vector<16x1xi32>
      %gather3A_690 = vector.shape_cast %broadcast_in_dim3A_689 : vector<16x1xi32> to vector<16xi32>
      %gather3A_691 = tpu.dynamic_gather %get3A_45[%gather3A_690] in [0] : vector<16xf32>, vector<16xi32> -> vector<16xf32>
      %mul3A_692 = arith.mulf %gather3A_691, %gather3A_679 : vector<16xf32>
      %add3A_693 = arith.addf %add3A_676, %mul3A_692 : vector<16xf32>
      %broadcast_in_dim3A_694 = arith.constant 6 : i32
      %broadcast_in_dim3A_695 = vector.broadcast %broadcast_in_dim3A_694 : i32 to vector<16xi32>
      %gather3A_696 = tpu.vector_load_idx %arg9[%min3A_589, %broadcast_in_dim3A_695] : memref<50x10xf32, #tpu.memory_space<vmem>>[vector<16xi32>, vector<16xi32>], vector<16xf32>,
      %broadcast_in_dim3A_697 = arith.constant 6 : i32
      %broadcast_in_dim3A_698 = vector.broadcast %broadcast_in_dim3A_697 : i32 to vector<16xi32>
      %lt3A_699 = arith.constant 0 : i32
      %lt3A_700 = vector.broadcast %lt3A_699 : i32 to vector<16xi32>
      %lt3A_701 = arith.cmpi slt, %broadcast_in_dim3A_698, %lt3A_700 : vector<16xi32>
      %add3A_702 = arith.constant 16 : i32
      %add3A_703 = vector.broadcast %add3A_702 : i32 to vector<16xi32>
      %add3A_704 = arith.addi %broadcast_in_dim3A_698, %add3A_703 : vector<16xi32>
      %select_n3A_705 = arith.select %lt3A_701, %add3A_704, %broadcast_in_dim3A_698 : vector<16xi1>, vector<16xi32>
      %broadcast_in_dim3A_706 = vector.shape_cast %select_n3A_705 : vector<16xi32> to vector<16x1xi32>
      %gather3A_707 = vector.shape_cast %broadcast_in_dim3A_706 : vector<16x1xi32> to vector<16xi32>
      %gather3A_708 = tpu.dynamic_gather %get3A_45[%gather3A_707] in [0] : vector<16xf32>, vector<16xi32> -> vector<16xf32>
      %mul3A_709 = arith.mulf %gather3A_708, %gather3A_696 : vector<16xf32>
      %add3A_710 = arith.addf %add3A_693, %mul3A_709 : vector<16xf32>
      %broadcast_in_dim3A_711 = arith.constant 7 : i32
      %broadcast_in_dim3A_712 = vector.broadcast %broadcast_in_dim3A_711 : i32 to vector<16xi32>
      %gather3A_713 = tpu.vector_load_idx %arg9[%min3A_589, %broadcast_in_dim3A_712] : memref<50x10xf32, #tpu.memory_space<vmem>>[vector<16xi32>, vector<16xi32>], vector<16xf32>,
      %broadcast_in_dim3A_714 = arith.constant 7 : i32
      %broadcast_in_dim3A_715 = vector.broadcast %broadcast_in_dim3A_714 : i32 to vector<16xi32>
      %lt3A_716 = arith.constant 0 : i32
      %lt3A_717 = vector.broadcast %lt3A_716 : i32 to vector<16xi32>
      %lt3A_718 = arith.cmpi slt, %broadcast_in_dim3A_715, %lt3A_717 : vector<16xi32>
      %add3A_719 = arith.constant 16 : i32
      %add3A_720 = vector.broadcast %add3A_719 : i32 to vector<16xi32>
      %add3A_721 = arith.addi %broadcast_in_dim3A_715, %add3A_720 : vector<16xi32>
      %select_n3A_722 = arith.select %lt3A_718, %add3A_721, %broadcast_in_dim3A_715 : vector<16xi1>, vector<16xi32>
      %broadcast_in_dim3A_723 = vector.shape_cast %select_n3A_722 : vector<16xi32> to vector<16x1xi32>
      %gather3A_724 = vector.shape_cast %broadcast_in_dim3A_723 : vector<16x1xi32> to vector<16xi32>
      %gather3A_725 = tpu.dynamic_gather %get3A_45[%gather3A_724] in [0] : vector<16xf32>, vector<16xi32> -> vector<16xf32>
      %mul3A_726 = arith.mulf %gather3A_725, %gather3A_713 : vector<16xf32>
      %add3A_727 = arith.addf %add3A_710, %mul3A_726 : vector<16xf32>
      %broadcast_in_dim3A_728 = arith.constant 8 : i32
      %broadcast_in_dim3A_729 = vector.broadcast %broadcast_in_dim3A_728 : i32 to vector<16xi32>
      %gather3A_730 = tpu.vector_load_idx %arg9[%min3A_589, %broadcast_in_dim3A_729] : memref<50x10xf32, #tpu.memory_space<vmem>>[vector<16xi32>, vector<16xi32>], vector<16xf32>,
      %broadcast_in_dim3A_731 = arith.constant 8 : i32
      %broadcast_in_dim3A_732 = vector.broadcast %broadcast_in_dim3A_731 : i32 to vector<16xi32>
      %lt3A_733 = arith.constant 0 : i32
      %lt3A_734 = vector.broadcast %lt3A_733 : i32 to vector<16xi32>
      %lt3A_735 = arith.cmpi slt, %broadcast_in_dim3A_732, %lt3A_734 : vector<16xi32>
      %add3A_736 = arith.constant 16 : i32
      %add3A_737 = vector.broadcast %add3A_736 : i32 to vector<16xi32>
      %add3A_738 = arith.addi %broadcast_in_dim3A_732, %add3A_737 : vector<16xi32>
      %select_n3A_739 = arith.select %lt3A_735, %add3A_738, %broadcast_in_dim3A_732 : vector<16xi1>, vector<16xi32>
      %broadcast_in_dim3A_740 = vector.shape_cast %select_n3A_739 : vector<16xi32> to vector<16x1xi32>
      %gather3A_741 = vector.shape_cast %broadcast_in_dim3A_740 : vector<16x1xi32> to vector<16xi32>
      %gather3A_742 = tpu.dynamic_gather %get3A_45[%gather3A_741] in [0] : vector<16xf32>, vector<16xi32> -> vector<16xf32>
      %mul3A_743 = arith.mulf %gather3A_742, %gather3A_730 : vector<16xf32>
      %add3A_744 = arith.addf %add3A_727, %mul3A_743 : vector<16xf32>
      %broadcast_in_dim3A_745 = arith.constant 9 : i32
      %broadcast_in_dim3A_746 = vector.broadcast %broadcast_in_dim3A_745 : i32 to vector<16xi32>
      %gather3A_747 = tpu.vector_load_idx %arg9[%min3A_589, %broadcast_in_dim3A_746] : memref<50x10xf32, #tpu.memory_space<vmem>>[vector<16xi32>, vector<16xi32>], vector<16xf32>,
      %broadcast_in_dim3A_748 = arith.constant 9 : i32
      %broadcast_in_dim3A_749 = vector.broadcast %broadcast_in_dim3A_748 : i32 to vector<16xi32>
      %lt3A_750 = arith.constant 0 : i32
      %lt3A_751 = vector.broadcast %lt3A_750 : i32 to vector<16xi32>
      %lt3A_752 = arith.cmpi slt, %broadcast_in_dim3A_749, %lt3A_751 : vector<16xi32>
      %add3A_753 = arith.constant 16 : i32
      %add3A_754 = vector.broadcast %add3A_753 : i32 to vector<16xi32>
      %add3A_755 = arith.addi %broadcast_in_dim3A_749, %add3A_754 : vector<16xi32>
      %select_n3A_756 = arith.select %lt3A_752, %add3A_755, %broadcast_in_dim3A_749 : vector<16xi1>, vector<16xi32>
      %broadcast_in_dim3A_757 = vector.shape_cast %select_n3A_756 : vector<16xi32> to vector<16x1xi32>
      %gather3A_758 = vector.shape_cast %broadcast_in_dim3A_757 : vector<16x1xi32> to vector<16xi32>
      %gather3A_759 = tpu.dynamic_gather %get3A_45[%gather3A_758] in [0] : vector<16xf32>, vector<16xi32> -> vector<16xf32>
      %mul3A_760 = arith.mulf %gather3A_759, %gather3A_747 : vector<16xf32>
      %add3A_761 = arith.addf %add3A_744, %mul3A_760 : vector<16xf32>
      %mul3A_762 = arith.constant 0.316227764 : f32
      %mul3A_763 = vector.broadcast %mul3A_762 : f32 to vector<16xf32>
      %mul3A_764 = arith.mulf %add3A_761, %mul3A_763 : vector<16xf32>
      %mul3A_765 = arith.constant 0.318309873 : f32
      %mul3A_766 = vector.broadcast %mul3A_765 : f32 to vector<16xf32>
      %mul3A_767 = arith.mulf %mul3A_221, %mul3A_766 : vector<16xf32>
      %convert_element_type3A_768 = arith.fptosi %mul3A_767 : vector<16xf32> to vector<16xi32>
      %convert_element_type3A_769 = arith.sitofp %convert_element_type3A_768 : vector<16xi32> to vector<16xf32>
      %mul3A_770 = arith.constant 3.140625 : f32
      %mul3A_771 = vector.broadcast %mul3A_770 : f32 to vector<16xf32>
      %mul3A_772 = arith.mulf %convert_element_type3A_769, %mul3A_771 : vector<16xf32>
      %sub3A = arith.subf %mul3A_221, %mul3A_772 : vector<16xf32>
      %mul3A_773 = arith.constant 9.67653584E-4 : f32
      %mul3A_774 = vector.broadcast %mul3A_773 : f32 to vector<16xf32>
      %mul3A_775 = arith.mulf %convert_element_type3A_769, %mul3A_774 : vector<16xf32>
      %sub3A_776 = arith.subf %sub3A, %mul3A_775 : vector<16xf32>
      %and3A_777 = arith.constant 1 : i32
      %and3A_778 = vector.broadcast %and3A_777 : i32 to vector<16xi32>
      %and3A_779 = arith.andi %convert_element_type3A_768, %and3A_778 : vector<16xi32>
      %eq3A_780 = arith.constant 1 : i32
      %eq3A_781 = vector.broadcast %eq3A_780 : i32 to vector<16xi32>
      %eq3A_782 = arith.cmpi eq, %and3A_779, %eq3A_781 : vector<16xi32>
      %neg3A = arith.constant 0.000000e+00 : f32
      %neg3A_783 = vector.broadcast %neg3A : f32 to vector<16xf32>
      %neg3A_784 = arith.subf %neg3A_783, %sub3A_776 : vector<16xf32>
      %select_n3A_785 = arith.select %eq3A_782, %neg3A_784, %sub3A_776 : vector<16xi1>, vector<16xf32>
      %mul3A_786 = arith.mulf %select_n3A_785, %select_n3A_785 : vector<16xf32>
      %mul3A_787 = arith.constant 1.60590444E-10 : f32
      %mul3A_788 = vector.broadcast %mul3A_787 : f32 to vector<16xf32>
      %mul3A_789 = arith.mulf %mul3A_788, %mul3A_786 : vector<16xf32>
      %add3A_790 = arith.constant -2.50521079E-8 : f32
      %add3A_791 = vector.broadcast %add3A_790 : f32 to vector<16xf32>
      %add3A_792 = arith.addf %mul3A_789, %add3A_791 : vector<16xf32>
      %mul3A_793 = arith.mulf %add3A_792, %mul3A_786 : vector<16xf32>
      %add3A_794 = arith.constant 2.75573188E-6 : f32
      %add3A_795 = vector.broadcast %add3A_794 : f32 to vector<16xf32>
      %add3A_796 = arith.addf %mul3A_793, %add3A_795 : vector<16xf32>
      %mul3A_797 = arith.mulf %add3A_796, %mul3A_786 : vector<16xf32>
      %add3A_798 = arith.constant -1.98412701E-4 : f32
      %add3A_799 = vector.broadcast %add3A_798 : f32 to vector<16xf32>
      %add3A_800 = arith.addf %mul3A_797, %add3A_799 : vector<16xf32>
      %mul3A_801 = arith.mulf %add3A_800, %mul3A_786 : vector<16xf32>
      %add3A_802 = arith.constant 0.00833333377 : f32
      %add3A_803 = vector.broadcast %add3A_802 : f32 to vector<16xf32>
      %add3A_804 = arith.addf %mul3A_801, %add3A_803 : vector<16xf32>
      %mul3A_805 = arith.mulf %add3A_804, %mul3A_786 : vector<16xf32>
      %add3A_806 = arith.constant -0.166666672 : f32
      %add3A_807 = vector.broadcast %add3A_806 : f32 to vector<16xf32>
      %add3A_808 = arith.addf %mul3A_805, %add3A_807 : vector<16xf32>
      %mul3A_809 = arith.mulf %select_n3A_785, %mul3A_786 : vector<16xf32>
      %mul3A_810 = arith.mulf %mul3A_809, %add3A_808 : vector<16xf32>
      %add3A_811 = arith.addf %select_n3A_785, %mul3A_810 : vector<16xf32>
      %exp3A = math.exp %add3A_811 : vector<16xf32>
      %mul3A_812 = arith.constant 0.318309873 : f32
      %mul3A_813 = vector.broadcast %mul3A_812 : f32 to vector<16xf32>
      %mul3A_814 = arith.mulf %mul3A_402, %mul3A_813 : vector<16xf32>
      %convert_element_type3A_815 = arith.fptosi %mul3A_814 : vector<16xf32> to vector<16xi32>
      %convert_element_type3A_816 = arith.sitofp %convert_element_type3A_815 : vector<16xi32> to vector<16xf32>
      %mul3A_817 = arith.constant 3.140625 : f32
      %mul3A_818 = vector.broadcast %mul3A_817 : f32 to vector<16xf32>
      %mul3A_819 = arith.mulf %convert_element_type3A_816, %mul3A_818 : vector<16xf32>
      %sub3A_820 = arith.subf %mul3A_402, %mul3A_819 : vector<16xf32>
      %mul3A_821 = arith.constant 9.67653584E-4 : f32
      %mul3A_822 = vector.broadcast %mul3A_821 : f32 to vector<16xf32>
      %mul3A_823 = arith.mulf %convert_element_type3A_816, %mul3A_822 : vector<16xf32>
      %sub3A_824 = arith.subf %sub3A_820, %mul3A_823 : vector<16xf32>
      %and3A_825 = arith.constant 1 : i32
      %and3A_826 = vector.broadcast %and3A_825 : i32 to vector<16xi32>
      %and3A_827 = arith.andi %convert_element_type3A_815, %and3A_826 : vector<16xi32>
      %eq3A_828 = arith.constant 1 : i32
      %eq3A_829 = vector.broadcast %eq3A_828 : i32 to vector<16xi32>
      %eq3A_830 = arith.cmpi eq, %and3A_827, %eq3A_829 : vector<16xi32>
      %neg3A_831 = arith.constant 0.000000e+00 : f32
      %neg3A_832 = vector.broadcast %neg3A_831 : f32 to vector<16xf32>
      %neg3A_833 = arith.subf %neg3A_832, %sub3A_824 : vector<16xf32>
      %select_n3A_834 = arith.select %eq3A_830, %neg3A_833, %sub3A_824 : vector<16xi1>, vector<16xf32>
      %mul3A_835 = arith.mulf %select_n3A_834, %select_n3A_834 : vector<16xf32>
      %mul3A_836 = arith.constant 1.60590444E-10 : f32
      %mul3A_837 = vector.broadcast %mul3A_836 : f32 to vector<16xf32>
      %mul3A_838 = arith.mulf %mul3A_837, %mul3A_835 : vector<16xf32>
      %add3A_839 = arith.constant -2.50521079E-8 : f32
      %add3A_840 = vector.broadcast %add3A_839 : f32 to vector<16xf32>
      %add3A_841 = arith.addf %mul3A_838, %add3A_840 : vector<16xf32>
      %mul3A_842 = arith.mulf %add3A_841, %mul3A_835 : vector<16xf32>
      %add3A_843 = arith.constant 2.75573188E-6 : f32
      %add3A_844 = vector.broadcast %add3A_843 : f32 to vector<16xf32>
      %add3A_845 = arith.addf %mul3A_842, %add3A_844 : vector<16xf32>
      %mul3A_846 = arith.mulf %add3A_845, %mul3A_835 : vector<16xf32>
      %add3A_847 = arith.constant -1.98412701E-4 : f32
      %add3A_848 = vector.broadcast %add3A_847 : f32 to vector<16xf32>
      %add3A_849 = arith.addf %mul3A_846, %add3A_848 : vector<16xf32>
      %mul3A_850 = arith.mulf %add3A_849, %mul3A_835 : vector<16xf32>
      %add3A_851 = arith.constant 0.00833333377 : f32
      %add3A_852 = vector.broadcast %add3A_851 : f32 to vector<16xf32>
      %add3A_853 = arith.addf %mul3A_850, %add3A_852 : vector<16xf32>
      %mul3A_854 = arith.mulf %add3A_853, %mul3A_835 : vector<16xf32>
      %add3A_855 = arith.constant -0.166666672 : f32
      %add3A_856 = vector.broadcast %add3A_855 : f32 to vector<16xf32>
      %add3A_857 = arith.addf %mul3A_854, %add3A_856 : vector<16xf32>
      %mul3A_858 = arith.mulf %select_n3A_834, %mul3A_835 : vector<16xf32>
      %mul3A_859 = arith.mulf %mul3A_858, %add3A_857 : vector<16xf32>
      %add3A_860 = arith.addf %select_n3A_834, %mul3A_859 : vector<16xf32>
      %exp3A_861 = math.exp %add3A_860 : vector<16xf32>
      %mul3A_862 = arith.constant 0.318309873 : f32
      %mul3A_863 = vector.broadcast %mul3A_862 : f32 to vector<16xf32>
      %mul3A_864 = arith.mulf %mul3A_583, %mul3A_863 : vector<16xf32>
      %convert_element_type3A_865 = arith.fptosi %mul3A_864 : vector<16xf32> to vector<16xi32>
      %convert_element_type3A_866 = arith.sitofp %convert_element_type3A_865 : vector<16xi32> to vector<16xf32>
      %mul3A_867 = arith.constant 3.140625 : f32
      %mul3A_868 = vector.broadcast %mul3A_867 : f32 to vector<16xf32>
      %mul3A_869 = arith.mulf %convert_element_type3A_866, %mul3A_868 : vector<16xf32>
      %sub3A_870 = arith.subf %mul3A_583, %mul3A_869 : vector<16xf32>
      %mul3A_871 = arith.constant 9.67653584E-4 : f32
      %mul3A_872 = vector.broadcast %mul3A_871 : f32 to vector<16xf32>
      %mul3A_873 = arith.mulf %convert_element_type3A_866, %mul3A_872 : vector<16xf32>
      %sub3A_874 = arith.subf %sub3A_870, %mul3A_873 : vector<16xf32>
      %and3A_875 = arith.constant 1 : i32
      %and3A_876 = vector.broadcast %and3A_875 : i32 to vector<16xi32>
      %and3A_877 = arith.andi %convert_element_type3A_865, %and3A_876 : vector<16xi32>
      %eq3A_878 = arith.constant 1 : i32
      %eq3A_879 = vector.broadcast %eq3A_878 : i32 to vector<16xi32>
      %eq3A_880 = arith.cmpi eq, %and3A_877, %eq3A_879 : vector<16xi32>
      %neg3A_881 = arith.constant 0.000000e+00 : f32
      %neg3A_882 = vector.broadcast %neg3A_881 : f32 to vector<16xf32>
      %neg3A_883 = arith.subf %neg3A_882, %sub3A_874 : vector<16xf32>
      %select_n3A_884 = arith.select %eq3A_880, %neg3A_883, %sub3A_874 : vector<16xi1>, vector<16xf32>
      %mul3A_885 = arith.mulf %select_n3A_884, %select_n3A_884 : vector<16xf32>
      %mul3A_886 = arith.constant 1.60590444E-10 : f32
      %mul3A_887 = vector.broadcast %mul3A_886 : f32 to vector<16xf32>
      %mul3A_888 = arith.mulf %mul3A_887, %mul3A_885 : vector<16xf32>
      %add3A_889 = arith.constant -2.50521079E-8 : f32
      %add3A_890 = vector.broadcast %add3A_889 : f32 to vector<16xf32>
      %add3A_891 = arith.addf %mul3A_888, %add3A_890 : vector<16xf32>
      %mul3A_892 = arith.mulf %add3A_891, %mul3A_885 : vector<16xf32>
      %add3A_893 = arith.constant 2.75573188E-6 : f32
      %add3A_894 = vector.broadcast %add3A_893 : f32 to vector<16xf32>
      %add3A_895 = arith.addf %mul3A_892, %add3A_894 : vector<16xf32>
      %mul3A_896 = arith.mulf %add3A_895, %mul3A_885 : vector<16xf32>
      %add3A_897 = arith.constant -1.98412701E-4 : f32
      %add3A_898 = vector.broadcast %add3A_897 : f32 to vector<16xf32>
      %add3A_899 = arith.addf %mul3A_896, %add3A_898 : vector<16xf32>
      %mul3A_900 = arith.mulf %add3A_899, %mul3A_885 : vector<16xf32>
      %add3A_901 = arith.constant 0.00833333377 : f32
      %add3A_902 = vector.broadcast %add3A_901 : f32 to vector<16xf32>
      %add3A_903 = arith.addf %mul3A_900, %add3A_902 : vector<16xf32>
      %mul3A_904 = arith.mulf %add3A_903, %mul3A_885 : vector<16xf32>
      %add3A_905 = arith.constant -0.166666672 : f32
      %add3A_906 = vector.broadcast %add3A_905 : f32 to vector<16xf32>
      %add3A_907 = arith.addf %mul3A_904, %add3A_906 : vector<16xf32>
      %mul3A_908 = arith.mulf %select_n3A_884, %mul3A_885 : vector<16xf32>
      %mul3A_909 = arith.mulf %mul3A_908, %add3A_907 : vector<16xf32>
      %add3A_910 = arith.addf %select_n3A_884, %mul3A_909 : vector<16xf32>
      %exp3A_911 = math.exp %add3A_910 : vector<16xf32>
      %mul3A_912 = arith.constant 0.318309873 : f32
      %mul3A_913 = vector.broadcast %mul3A_912 : f32 to vector<16xf32>
      %mul3A_914 = arith.mulf %mul3A_764, %mul3A_913 : vector<16xf32>
      %convert_element_type3A_915 = arith.fptosi %mul3A_914 : vector<16xf32> to vector<16xi32>
      %convert_element_type3A_916 = arith.sitofp %convert_element_type3A_915 : vector<16xi32> to vector<16xf32>
      %mul3A_917 = arith.constant 3.140625 : f32
      %mul3A_918 = vector.broadcast %mul3A_917 : f32 to vector<16xf32>
      %mul3A_919 = arith.mulf %convert_element_type3A_916, %mul3A_918 : vector<16xf32>
      %sub3A_920 = arith.subf %mul3A_764, %mul3A_919 : vector<16xf32>
      %mul3A_921 = arith.constant 9.67653584E-4 : f32
      %mul3A_922 = vector.broadcast %mul3A_921 : f32 to vector<16xf32>
      %mul3A_923 = arith.mulf %convert_element_type3A_916, %mul3A_922 : vector<16xf32>
      %sub3A_924 = arith.subf %sub3A_920, %mul3A_923 : vector<16xf32>
      %and3A_925 = arith.constant 1 : i32
      %and3A_926 = vector.broadcast %and3A_925 : i32 to vector<16xi32>
      %and3A_927 = arith.andi %convert_element_type3A_915, %and3A_926 : vector<16xi32>
      %eq3A_928 = arith.constant 1 : i32
      %eq3A_929 = vector.broadcast %eq3A_928 : i32 to vector<16xi32>
      %eq3A_930 = arith.cmpi eq, %and3A_927, %eq3A_929 : vector<16xi32>
      %neg3A_931 = arith.constant 0.000000e+00 : f32
      %neg3A_932 = vector.broadcast %neg3A_931 : f32 to vector<16xf32>
      %neg3A_933 = arith.subf %neg3A_932, %sub3A_924 : vector<16xf32>
      %select_n3A_934 = arith.select %eq3A_930, %neg3A_933, %sub3A_924 : vector<16xi1>, vector<16xf32>
      %mul3A_935 = arith.mulf %select_n3A_934, %select_n3A_934 : vector<16xf32>
      %mul3A_936 = arith.constant 1.60590444E-10 : f32
      %mul3A_937 = vector.broadcast %mul3A_936 : f32 to vector<16xf32>
      %mul3A_938 = arith.mulf %mul3A_937, %mul3A_935 : vector<16xf32>
      %add3A_939 = arith.constant -2.50521079E-8 : f32
      %add3A_940 = vector.broadcast %add3A_939 : f32 to vector<16xf32>
      %add3A_941 = arith.addf %mul3A_938, %add3A_940 : vector<16xf32>
      %mul3A_942 = arith.mulf %add3A_941, %mul3A_935 : vector<16xf32>
      %add3A_943 = arith.constant 2.75573188E-6 : f32
      %add3A_944 = vector.broadcast %add3A_943 : f32 to vector<16xf32>
      %add3A_945 = arith.addf %mul3A_942, %add3A_944 : vector<16xf32>
      %mul3A_946 = arith.mulf %add3A_945, %mul3A_935 : vector<16xf32>
      %add3A_947 = arith.constant -1.98412701E-4 : f32
      %add3A_948 = vector.broadcast %add3A_947 : f32 to vector<16xf32>
      %add3A_949 = arith.addf %mul3A_946, %add3A_948 : vector<16xf32>
      %mul3A_950 = arith.mulf %add3A_949, %mul3A_935 : vector<16xf32>
      %add3A_951 = arith.constant 0.00833333377 : f32
      %add3A_952 = vector.broadcast %add3A_951 : f32 to vector<16xf32>
      %add3A_953 = arith.addf %mul3A_950, %add3A_952 : vector<16xf32>
      %mul3A_954 = arith.mulf %add3A_953, %mul3A_935 : vector<16xf32>
      %add3A_955 = arith.constant -0.166666672 : f32
      %add3A_956 = vector.broadcast %add3A_955 : f32 to vector<16xf32>
      %add3A_957 = arith.addf %mul3A_954, %add3A_956 : vector<16xf32>
      %mul3A_958 = arith.mulf %select_n3A_934, %mul3A_935 : vector<16xf32>
      %mul3A_959 = arith.mulf %mul3A_958, %add3A_957 : vector<16xf32>
      %add3A_960 = arith.addf %select_n3A_934, %mul3A_959 : vector<16xf32>
      %exp3A_961 = math.exp %add3A_960 : vector<16xf32>
      %lt3A_962 = arith.constant 2 : i32
      %lt3A_963 = vector.broadcast %lt3A_962 : i32 to vector<16xi32>
      %lt3A_964 = arith.cmpi slt, %iota3A, %lt3A_963 : vector<16xi32>
      %jit3A_965 = arith.constant 0.000000e+00 : f32
      %broadcast_in_dim3A_966 = vector.broadcast %jit3A_965 : f32 to vector<16xf32>
      %select_n3A_967 = arith.select %lt3A_964, %exp3A_961, %broadcast_in_dim3A_966 : vector<16xi1>, vector<16xf32>
      %add3A_968 = arith.addf %exp3A, %exp3A_861 : vector<16xf32>
      %add3A_969 = arith.addf %add3A_968, %exp3A_911 : vector<16xf32>
      %add3A_970 = arith.addf %add3A_969, %select_n3A_967 : vector<16xf32>
      %iota3A_971 = tpu.iota {dimensions = array<i32: 0>} : vector<16xi32>
      %xor3A = arith.constant 8 : i32
      %xor3A_972 = vector.broadcast %xor3A : i32 to vector<16xi32>
      %xor3A_973 = arith.xori %iota3A_971, %xor3A_972 : vector<16xi32>
      %lt3A_974 = arith.constant 0 : i32
      %lt3A_975 = vector.broadcast %lt3A_974 : i32 to vector<16xi32>
      %lt3A_976 = arith.cmpi slt, %xor3A_973, %lt3A_975 : vector<16xi32>
      %add3A_977 = arith.constant 16 : i32
      %add3A_978 = vector.broadcast %add3A_977 : i32 to vector<16xi32>
      %add3A_979 = arith.addi %xor3A_973, %add3A_978 : vector<16xi32>
      %select_n3A_980 = arith.select %lt3A_976, %add3A_979, %xor3A_973 : vector<16xi1>, vector<16xi32>
      %broadcast_in_dim3A_981 = vector.shape_cast %select_n3A_980 : vector<16xi32> to vector<16x1xi32>
      %gather3A_982 = vector.shape_cast %broadcast_in_dim3A_981 : vector<16x1xi32> to vector<16xi32>
      %gather3A_983 = tpu.dynamic_gather %add3A_970[%gather3A_982] in [0] : vector<16xf32>, vector<16xi32> -> vector<16xf32>
      %add3A_984 = arith.addf %add3A_970, %gather3A_983 : vector<16xf32>
      %xor3A_985 = arith.constant 4 : i32
      %xor3A_986 = vector.broadcast %xor3A_985 : i32 to vector<16xi32>
      %xor3A_987 = arith.xori %iota3A_971, %xor3A_986 : vector<16xi32>
      %lt3A_988 = arith.constant 0 : i32
      %lt3A_989 = vector.broadcast %lt3A_988 : i32 to vector<16xi32>
      %lt3A_990 = arith.cmpi slt, %xor3A_987, %lt3A_989 : vector<16xi32>
      %add3A_991 = arith.constant 16 : i32
      %add3A_992 = vector.broadcast %add3A_991 : i32 to vector<16xi32>
      %add3A_993 = arith.addi %xor3A_987, %add3A_992 : vector<16xi32>
      %select_n3A_994 = arith.select %lt3A_990, %add3A_993, %xor3A_987 : vector<16xi1>, vector<16xi32>
      %broadcast_in_dim3A_995 = vector.shape_cast %select_n3A_994 : vector<16xi32> to vector<16x1xi32>
      %gather3A_996 = vector.shape_cast %broadcast_in_dim3A_995 : vector<16x1xi32> to vector<16xi32>
      %gather3A_997 = tpu.dynamic_gather %add3A_984[%gather3A_996] in [0] : vector<16xf32>, vector<16xi32> -> vector<16xf32>
      %add3A_998 = arith.addf %add3A_984, %gather3A_997 : vector<16xf32>
      %xor3A_999 = arith.constant 2 : i32
      %xor3A_1000 = vector.broadcast %xor3A_999 : i32 to vector<16xi32>
      %xor3A_1001 = arith.xori %iota3A_971, %xor3A_1000 : vector<16xi32>
      %lt3A_1002 = arith.constant 0 : i32
      %lt3A_1003 = vector.broadcast %lt3A_1002 : i32 to vector<16xi32>
      %lt3A_1004 = arith.cmpi slt, %xor3A_1001, %lt3A_1003 : vector<16xi32>
      %add3A_1005 = arith.constant 16 : i32
      %add3A_1006 = vector.broadcast %add3A_1005 : i32 to vector<16xi32>
      %add3A_1007 = arith.addi %xor3A_1001, %add3A_1006 : vector<16xi32>
      %select_n3A_1008 = arith.select %lt3A_1004, %add3A_1007, %xor3A_1001 : vector<16xi1>, vector<16xi32>
      %broadcast_in_dim3A_1009 = vector.shape_cast %select_n3A_1008 : vector<16xi32> to vector<16x1xi32>
      %gather3A_1010 = vector.shape_cast %broadcast_in_dim3A_1009 : vector<16x1xi32> to vector<16xi32>
      %gather3A_1011 = tpu.dynamic_gather %add3A_998[%gather3A_1010] in [0] : vector<16xf32>, vector<16xi32> -> vector<16xf32>
      %add3A_1012 = arith.addf %add3A_998, %gather3A_1011 : vector<16xf32>
      %xor3A_1013 = arith.constant 1 : i32
      %xor3A_1014 = vector.broadcast %xor3A_1013 : i32 to vector<16xi32>
      %xor3A_1015 = arith.xori %iota3A_971, %xor3A_1014 : vector<16xi32>
      %lt3A_1016 = arith.constant 0 : i32
      %lt3A_1017 = vector.broadcast %lt3A_1016 : i32 to vector<16xi32>
      %lt3A_1018 = arith.cmpi slt, %xor3A_1015, %lt3A_1017 : vector<16xi32>
      %add3A_1019 = arith.constant 16 : i32
      %add3A_1020 = vector.broadcast %add3A_1019 : i32 to vector<16xi32>
      %add3A_1021 = arith.addi %xor3A_1015, %add3A_1020 : vector<16xi32>
      %select_n3A_1022 = arith.select %lt3A_1018, %add3A_1021, %xor3A_1015 : vector<16xi1>, vector<16xi32>
      %broadcast_in_dim3A_1023 = vector.shape_cast %select_n3A_1022 : vector<16xi32> to vector<16x1xi32>
      %gather3A_1024 = vector.shape_cast %broadcast_in_dim3A_1023 : vector<16x1xi32> to vector<16xi32>
      %gather3A_1025 = tpu.dynamic_gather %add3A_1012[%gather3A_1024] in [0] : vector<16xf32>, vector<16xi32> -> vector<16xf32>
      %add3A_1026 = arith.addf %add3A_1012, %gather3A_1025 : vector<16xf32>
      %dma_wait3A_1027 = arith.constant 0 : i32
      %dma_wait3A_1028 = arith.constant 0 : i32
      %dma_wait3A_1029 = tpu.memref_slice %arg5[%dma_wait3A_1027, %min3A, %dma_wait3A_1028] : memref<50x101x30xf32, #tpu.memory_space<hbm>> -> memref<50x1x30xf32, #tpu.memory_space<hbm>>
      %dma_wait3A_1030 = tpu.memref_squeeze %dma_wait3A_1029 : memref<50x1x30xf32, #tpu.memory_space<hbm>> -> memref<50x30xf32, #tpu.memory_space<hbm>>
      %dma_wait3A_1031 = arith.constant 0 : i32
      %dma_wait3A_1032 = arith.constant 0 : i32
      %dma_wait3A_1033 = tpu.memref_slice %arg5[%dma_wait3A_1031, %min3A, %dma_wait3A_1032] : memref<50x101x30xf32, #tpu.memory_space<hbm>> -> memref<50x1x30xf32, #tpu.memory_space<hbm>>
      %dma_wait3A_1034 = tpu.memref_squeeze %dma_wait3A_1033 : memref<50x1x30xf32, #tpu.memory_space<hbm>> -> memref<50x30xf32, #tpu.memory_space<hbm>>
      tpu.wait_dma2 semaphore(%arg15 : memref<!tpu.dma_semaphore, #tpu.memory_space<semaphore_mem>>) src(%dma_wait3A_1034 : memref<50x30xf32, #tpu.memory_space<hbm>>) dst(%arg10 : memref<50x30xf32, #tpu.memory_space<vmem>>)
      %broadcast_in_dim3A_1035 = arith.constant 0.000000e+00 : f32
      %broadcast_in_dim3A_1036 = vector.broadcast %broadcast_in_dim3A_1035 : f32 to vector<16xf32>
      %broadcast_in_dim3A_1037 = arith.constant 0.000000e+00 : f32
      %broadcast_in_dim3A_1038 = vector.broadcast %broadcast_in_dim3A_1037 : f32 to vector<16xf32>
      %broadcast_in_dim3A_1039 = arith.constant 0 : i32
      %broadcast_in_dim3A_1040 = vector.broadcast %broadcast_in_dim3A_1039 : i32 to vector<16xi32>
      %lt3A_1041 = arith.constant 0 : i32
      %lt3A_1042 = vector.broadcast %lt3A_1041 : i32 to vector<16xi32>
      %lt3A_1043 = arith.cmpi slt, %broadcast_in_dim3A_1040, %lt3A_1042 : vector<16xi32>
      %add3A_1044 = arith.constant 16 : i32
      %add3A_1045 = vector.broadcast %add3A_1044 : i32 to vector<16xi32>
      %add3A_1046 = arith.addi %broadcast_in_dim3A_1040, %add3A_1045 : vector<16xi32>
      %select_n3A_1047 = arith.select %lt3A_1043, %add3A_1046, %broadcast_in_dim3A_1040 : vector<16xi1>, vector<16xi32>
      %broadcast_in_dim3A_1048 = vector.shape_cast %select_n3A_1047 : vector<16xi32> to vector<16x1xi32>
      %gather3A_1049 = vector.shape_cast %broadcast_in_dim3A_1048 : vector<16x1xi32> to vector<16xi32>
      %gather3A_1050 = tpu.dynamic_gather %exp3A[%gather3A_1049] in [0] : vector<16xf32>, vector<16xi32> -> vector<16xf32>
      %get3A_1051 = arith.constant 0 : i32
      %get3A_1052 = arith.index_cast %get3A_1051 : i32 to index
      %get3A_1053 = arith.constant 0 : index
      %get3A_1054 = tpu.vector_load %arg10[%get3A_1052, %get3A_1053] {strides = array<i32>} : memref<50x30xf32, #tpu.memory_space<vmem>>, vector<16xf32>,
      %mul3A_1055 = arith.mulf %gather3A_1050, %get3A_1054 : vector<16xf32>
      %add3A_1056 = arith.addf %broadcast_in_dim3A_1036, %mul3A_1055 : vector<16xf32>
      %get3A_1057 = arith.constant 0 : i32
      %get3A_1058 = arith.index_cast %get3A_1057 : i32 to index
      %get3A_1059 = arith.constant 14 : index
      %get3A_1060 = tpu.vector_load %arg10[%get3A_1058, %get3A_1059] {strides = array<i32>} : memref<50x30xf32, #tpu.memory_space<vmem>>, vector<16xf32>,
      %mul3A_1061 = arith.mulf %gather3A_1050, %get3A_1060 : vector<16xf32>
      %add3A_1062 = arith.addf %broadcast_in_dim3A_1038, %mul3A_1061 : vector<16xf32>
      %broadcast_in_dim3A_1063 = arith.constant 1 : i32
      %broadcast_in_dim3A_1064 = vector.broadcast %broadcast_in_dim3A_1063 : i32 to vector<16xi32>
      %lt3A_1065 = arith.constant 0 : i32
      %lt3A_1066 = vector.broadcast %lt3A_1065 : i32 to vector<16xi32>
      %lt3A_1067 = arith.cmpi slt, %broadcast_in_dim3A_1064, %lt3A_1066 : vector<16xi32>
      %add3A_1068 = arith.constant 16 : i32
      %add3A_1069 = vector.broadcast %add3A_1068 : i32 to vector<16xi32>
      %add3A_1070 = arith.addi %broadcast_in_dim3A_1064, %add3A_1069 : vector<16xi32>
      %select_n3A_1071 = arith.select %lt3A_1067, %add3A_1070, %broadcast_in_dim3A_1064 : vector<16xi1>, vector<16xi32>
      %broadcast_in_dim3A_1072 = vector.shape_cast %select_n3A_1071 : vector<16xi32> to vector<16x1xi32>
      %gather3A_1073 = vector.shape_cast %broadcast_in_dim3A_1072 : vector<16x1xi32> to vector<16xi32>
      %gather3A_1074 = tpu.dynamic_gather %exp3A[%gather3A_1073] in [0] : vector<16xf32>, vector<16xi32> -> vector<16xf32>
      %get3A_1075 = arith.constant 1 : i32
      %get3A_1076 = arith.index_cast %get3A_1075 : i32 to index
      %get3A_1077 = arith.constant 0 : index
      %get3A_1078 = tpu.vector_load %arg10[%get3A_1076, %get3A_1077] {strides = array<i32>} : memref<50x30xf32, #tpu.memory_space<vmem>>, vector<16xf32>,
      %mul3A_1079 = arith.mulf %gather3A_1074, %get3A_1078 : vector<16xf32>
      %add3A_1080 = arith.addf %add3A_1056, %mul3A_1079 : vector<16xf32>
      %get3A_1081 = arith.constant 1 : i32
      %get3A_1082 = arith.index_cast %get3A_1081 : i32 to index
      %get3A_1083 = arith.constant 14 : index
      %get3A_1084 = tpu.vector_load %arg10[%get3A_1082, %get3A_1083] {strides = array<i32>} : memref<50x30xf32, #tpu.memory_space<vmem>>, vector<16xf32>,
      %mul3A_1085 = arith.mulf %gather3A_1074, %get3A_1084 : vector<16xf32>
      %add3A_1086 = arith.addf %add3A_1062, %mul3A_1085 : vector<16xf32>
      %broadcast_in_dim3A_1087 = arith.constant 2 : i32
      %broadcast_in_dim3A_1088 = vector.broadcast %broadcast_in_dim3A_1087 : i32 to vector<16xi32>
      %lt3A_1089 = arith.constant 0 : i32
      %lt3A_1090 = vector.broadcast %lt3A_1089 : i32 to vector<16xi32>
      %lt3A_1091 = arith.cmpi slt, %broadcast_in_dim3A_1088, %lt3A_1090 : vector<16xi32>
      %add3A_1092 = arith.constant 16 : i32
      %add3A_1093 = vector.broadcast %add3A_1092 : i32 to vector<16xi32>
      %add3A_1094 = arith.addi %broadcast_in_dim3A_1088, %add3A_1093 : vector<16xi32>
      %select_n3A_1095 = arith.select %lt3A_1091, %add3A_1094, %broadcast_in_dim3A_1088 : vector<16xi1>, vector<16xi32>
      %broadcast_in_dim3A_1096 = vector.shape_cast %select_n3A_1095 : vector<16xi32> to vector<16x1xi32>
      %gather3A_1097 = vector.shape_cast %broadcast_in_dim3A_1096 : vector<16x1xi32> to vector<16xi32>
      %gather3A_1098 = tpu.dynamic_gather %exp3A[%gather3A_1097] in [0] : vector<16xf32>, vector<16xi32> -> vector<16xf32>
      %get3A_1099 = arith.constant 2 : i32
      %get3A_1100 = arith.index_cast %get3A_1099 : i32 to index
      %get3A_1101 = arith.constant 0 : index
      %get3A_1102 = tpu.vector_load %arg10[%get3A_1100, %get3A_1101] {strides = array<i32>} : memref<50x30xf32, #tpu.memory_space<vmem>>, vector<16xf32>,
      %mul3A_1103 = arith.mulf %gather3A_1098, %get3A_1102 : vector<16xf32>
      %add3A_1104 = arith.addf %add3A_1080, %mul3A_1103 : vector<16xf32>
      %get3A_1105 = arith.constant 2 : i32
      %get3A_1106 = arith.index_cast %get3A_1105 : i32 to index
      %get3A_1107 = arith.constant 14 : index
      %get3A_1108 = tpu.vector_load %arg10[%get3A_1106, %get3A_1107] {strides = array<i32>} : memref<50x30xf32, #tpu.memory_space<vmem>>, vector<16xf32>,
      %mul3A_1109 = arith.mulf %gather3A_1098, %get3A_1108 : vector<16xf32>
      %add3A_1110 = arith.addf %add3A_1086, %mul3A_1109 : vector<16xf32>
      %broadcast_in_dim3A_1111 = arith.constant 3 : i32
      %broadcast_in_dim3A_1112 = vector.broadcast %broadcast_in_dim3A_1111 : i32 to vector<16xi32>
      %lt3A_1113 = arith.constant 0 : i32
      %lt3A_1114 = vector.broadcast %lt3A_1113 : i32 to vector<16xi32>
      %lt3A_1115 = arith.cmpi slt, %broadcast_in_dim3A_1112, %lt3A_1114 : vector<16xi32>
      %add3A_1116 = arith.constant 16 : i32
      %add3A_1117 = vector.broadcast %add3A_1116 : i32 to vector<16xi32>
      %add3A_1118 = arith.addi %broadcast_in_dim3A_1112, %add3A_1117 : vector<16xi32>
      %select_n3A_1119 = arith.select %lt3A_1115, %add3A_1118, %broadcast_in_dim3A_1112 : vector<16xi1>, vector<16xi32>
      %broadcast_in_dim3A_1120 = vector.shape_cast %select_n3A_1119 : vector<16xi32> to vector<16x1xi32>
      %gather3A_1121 = vector.shape_cast %broadcast_in_dim3A_1120 : vector<16x1xi32> to vector<16xi32>
      %gather3A_1122 = tpu.dynamic_gather %exp3A[%gather3A_1121] in [0] : vector<16xf32>, vector<16xi32> -> vector<16xf32>
      %get3A_1123 = arith.constant 3 : i32
      %get3A_1124 = arith.index_cast %get3A_1123 : i32 to index
      %get3A_1125 = arith.constant 0 : index
      %get3A_1126 = tpu.vector_load %arg10[%get3A_1124, %get3A_1125] {strides = array<i32>} : memref<50x30xf32, #tpu.memory_space<vmem>>, vector<16xf32>,
      %mul3A_1127 = arith.mulf %gather3A_1122, %get3A_1126 : vector<16xf32>
      %add3A_1128 = arith.addf %add3A_1104, %mul3A_1127 : vector<16xf32>
      %get3A_1129 = arith.constant 3 : i32
      %get3A_1130 = arith.index_cast %get3A_1129 : i32 to index
      %get3A_1131 = arith.constant 14 : index
      %get3A_1132 = tpu.vector_load %arg10[%get3A_1130, %get3A_1131] {strides = array<i32>} : memref<50x30xf32, #tpu.memory_space<vmem>>, vector<16xf32>,
      %mul3A_1133 = arith.mulf %gather3A_1122, %get3A_1132 : vector<16xf32>
      %add3A_1134 = arith.addf %add3A_1110, %mul3A_1133 : vector<16xf32>
      %broadcast_in_dim3A_1135 = arith.constant 4 : i32
      %broadcast_in_dim3A_1136 = vector.broadcast %broadcast_in_dim3A_1135 : i32 to vector<16xi32>
      %lt3A_1137 = arith.constant 0 : i32
      %lt3A_1138 = vector.broadcast %lt3A_1137 : i32 to vector<16xi32>
      %lt3A_1139 = arith.cmpi slt, %broadcast_in_dim3A_1136, %lt3A_1138 : vector<16xi32>
      %add3A_1140 = arith.constant 16 : i32
      %add3A_1141 = vector.broadcast %add3A_1140 : i32 to vector<16xi32>
      %add3A_1142 = arith.addi %broadcast_in_dim3A_1136, %add3A_1141 : vector<16xi32>
      %select_n3A_1143 = arith.select %lt3A_1139, %add3A_1142, %broadcast_in_dim3A_1136 : vector<16xi1>, vector<16xi32>
      %broadcast_in_dim3A_1144 = vector.shape_cast %select_n3A_1143 : vector<16xi32> to vector<16x1xi32>
      %gather3A_1145 = vector.shape_cast %broadcast_in_dim3A_1144 : vector<16x1xi32> to vector<16xi32>
      %gather3A_1146 = tpu.dynamic_gather %exp3A[%gather3A_1145] in [0] : vector<16xf32>, vector<16xi32> -> vector<16xf32>
      %get3A_1147 = arith.constant 4 : i32
      %get3A_1148 = arith.index_cast %get3A_1147 : i32 to index
      %get3A_1149 = arith.constant 0 : index
      %get3A_1150 = tpu.vector_load %arg10[%get3A_1148, %get3A_1149] {strides = array<i32>} : memref<50x30xf32, #tpu.memory_space<vmem>>, vector<16xf32>,
      %mul3A_1151 = arith.mulf %gather3A_1146, %get3A_1150 : vector<16xf32>
      %add3A_1152 = arith.addf %add3A_1128, %mul3A_1151 : vector<16xf32>
      %get3A_1153 = arith.constant 4 : i32
      %get3A_1154 = arith.index_cast %get3A_1153 : i32 to index
      %get3A_1155 = arith.constant 14 : index
      %get3A_1156 = tpu.vector_load %arg10[%get3A_1154, %get3A_1155] {strides = array<i32>} : memref<50x30xf32, #tpu.memory_space<vmem>>, vector<16xf32>,
      %mul3A_1157 = arith.mulf %gather3A_1146, %get3A_1156 : vector<16xf32>
      %add3A_1158 = arith.addf %add3A_1134, %mul3A_1157 : vector<16xf32>
      %broadcast_in_dim3A_1159 = arith.constant 5 : i32
      %broadcast_in_dim3A_1160 = vector.broadcast %broadcast_in_dim3A_1159 : i32 to vector<16xi32>
      %lt3A_1161 = arith.constant 0 : i32
      %lt3A_1162 = vector.broadcast %lt3A_1161 : i32 to vector<16xi32>
      %lt3A_1163 = arith.cmpi slt, %broadcast_in_dim3A_1160, %lt3A_1162 : vector<16xi32>
      %add3A_1164 = arith.constant 16 : i32
      %add3A_1165 = vector.broadcast %add3A_1164 : i32 to vector<16xi32>
      %add3A_1166 = arith.addi %broadcast_in_dim3A_1160, %add3A_1165 : vector<16xi32>
      %select_n3A_1167 = arith.select %lt3A_1163, %add3A_1166, %broadcast_in_dim3A_1160 : vector<16xi1>, vector<16xi32>
      %broadcast_in_dim3A_1168 = vector.shape_cast %select_n3A_1167 : vector<16xi32> to vector<16x1xi32>
      %gather3A_1169 = vector.shape_cast %broadcast_in_dim3A_1168 : vector<16x1xi32> to vector<16xi32>
      %gather3A_1170 = tpu.dynamic_gather %exp3A[%gather3A_1169] in [0] : vector<16xf32>, vector<16xi32> -> vector<16xf32>
      %get3A_1171 = arith.constant 5 : i32
      %get3A_1172 = arith.index_cast %get3A_1171 : i32 to index
      %get3A_1173 = arith.constant 0 : index
      %get3A_1174 = tpu.vector_load %arg10[%get3A_1172, %get3A_1173] {strides = array<i32>} : memref<50x30xf32, #tpu.memory_space<vmem>>, vector<16xf32>,
      %mul3A_1175 = arith.mulf %gather3A_1170, %get3A_1174 : vector<16xf32>
      %add3A_1176 = arith.addf %add3A_1152, %mul3A_1175 : vector<16xf32>
      %get3A_1177 = arith.constant 5 : i32
      %get3A_1178 = arith.index_cast %get3A_1177 : i32 to index
      %get3A_1179 = arith.constant 14 : index
      %get3A_1180 = tpu.vector_load %arg10[%get3A_1178, %get3A_1179] {strides = array<i32>} : memref<50x30xf32, #tpu.memory_space<vmem>>, vector<16xf32>,
      %mul3A_1181 = arith.mulf %gather3A_1170, %get3A_1180 : vector<16xf32>
      %add3A_1182 = arith.addf %add3A_1158, %mul3A_1181 : vector<16xf32>
      %broadcast_in_dim3A_1183 = arith.constant 6 : i32
      %broadcast_in_dim3A_1184 = vector.broadcast %broadcast_in_dim3A_1183 : i32 to vector<16xi32>
      %lt3A_1185 = arith.constant 0 : i32
      %lt3A_1186 = vector.broadcast %lt3A_1185 : i32 to vector<16xi32>
      %lt3A_1187 = arith.cmpi slt, %broadcast_in_dim3A_1184, %lt3A_1186 : vector<16xi32>
      %add3A_1188 = arith.constant 16 : i32
      %add3A_1189 = vector.broadcast %add3A_1188 : i32 to vector<16xi32>
      %add3A_1190 = arith.addi %broadcast_in_dim3A_1184, %add3A_1189 : vector<16xi32>
      %select_n3A_1191 = arith.select %lt3A_1187, %add3A_1190, %broadcast_in_dim3A_1184 : vector<16xi1>, vector<16xi32>
      %broadcast_in_dim3A_1192 = vector.shape_cast %select_n3A_1191 : vector<16xi32> to vector<16x1xi32>
      %gather3A_1193 = vector.shape_cast %broadcast_in_dim3A_1192 : vector<16x1xi32> to vector<16xi32>
      %gather3A_1194 = tpu.dynamic_gather %exp3A[%gather3A_1193] in [0] : vector<16xf32>, vector<16xi32> -> vector<16xf32>
      %get3A_1195 = arith.constant 6 : i32
      %get3A_1196 = arith.index_cast %get3A_1195 : i32 to index
      %get3A_1197 = arith.constant 0 : index
      %get3A_1198 = tpu.vector_load %arg10[%get3A_1196, %get3A_1197] {strides = array<i32>} : memref<50x30xf32, #tpu.memory_space<vmem>>, vector<16xf32>,
      %mul3A_1199 = arith.mulf %gather3A_1194, %get3A_1198 : vector<16xf32>
      %add3A_1200 = arith.addf %add3A_1176, %mul3A_1199 : vector<16xf32>
      %get3A_1201 = arith.constant 6 : i32
      %get3A_1202 = arith.index_cast %get3A_1201 : i32 to index
      %get3A_1203 = arith.constant 14 : index
      %get3A_1204 = tpu.vector_load %arg10[%get3A_1202, %get3A_1203] {strides = array<i32>} : memref<50x30xf32, #tpu.memory_space<vmem>>, vector<16xf32>,
      %mul3A_1205 = arith.mulf %gather3A_1194, %get3A_1204 : vector<16xf32>
      %add3A_1206 = arith.addf %add3A_1182, %mul3A_1205 : vector<16xf32>
      %broadcast_in_dim3A_1207 = arith.constant 7 : i32
      %broadcast_in_dim3A_1208 = vector.broadcast %broadcast_in_dim3A_1207 : i32 to vector<16xi32>
      %lt3A_1209 = arith.constant 0 : i32
      %lt3A_1210 = vector.broadcast %lt3A_1209 : i32 to vector<16xi32>
      %lt3A_1211 = arith.cmpi slt, %broadcast_in_dim3A_1208, %lt3A_1210 : vector<16xi32>
      %add3A_1212 = arith.constant 16 : i32
      %add3A_1213 = vector.broadcast %add3A_1212 : i32 to vector<16xi32>
      %add3A_1214 = arith.addi %broadcast_in_dim3A_1208, %add3A_1213 : vector<16xi32>
      %select_n3A_1215 = arith.select %lt3A_1211, %add3A_1214, %broadcast_in_dim3A_1208 : vector<16xi1>, vector<16xi32>
      %broadcast_in_dim3A_1216 = vector.shape_cast %select_n3A_1215 : vector<16xi32> to vector<16x1xi32>
      %gather3A_1217 = vector.shape_cast %broadcast_in_dim3A_1216 : vector<16x1xi32> to vector<16xi32>
      %gather3A_1218 = tpu.dynamic_gather %exp3A[%gather3A_1217] in [0] : vector<16xf32>, vector<16xi32> -> vector<16xf32>
      %get3A_1219 = arith.constant 7 : i32
      %get3A_1220 = arith.index_cast %get3A_1219 : i32 to index
      %get3A_1221 = arith.constant 0 : index
      %get3A_1222 = tpu.vector_load %arg10[%get3A_1220, %get3A_1221] {strides = array<i32>} : memref<50x30xf32, #tpu.memory_space<vmem>>, vector<16xf32>,
      %mul3A_1223 = arith.mulf %gather3A_1218, %get3A_1222 : vector<16xf32>
      %add3A_1224 = arith.addf %add3A_1200, %mul3A_1223 : vector<16xf32>
      %get3A_1225 = arith.constant 7 : i32
      %get3A_1226 = arith.index_cast %get3A_1225 : i32 to index
      %get3A_1227 = arith.constant 14 : index
      %get3A_1228 = tpu.vector_load %arg10[%get3A_1226, %get3A_1227] {strides = array<i32>} : memref<50x30xf32, #tpu.memory_space<vmem>>, vector<16xf32>,
      %mul3A_1229 = arith.mulf %gather3A_1218, %get3A_1228 : vector<16xf32>
      %add3A_1230 = arith.addf %add3A_1206, %mul3A_1229 : vector<16xf32>
      %broadcast_in_dim3A_1231 = arith.constant 8 : i32
      %broadcast_in_dim3A_1232 = vector.broadcast %broadcast_in_dim3A_1231 : i32 to vector<16xi32>
      %lt3A_1233 = arith.constant 0 : i32
      %lt3A_1234 = vector.broadcast %lt3A_1233 : i32 to vector<16xi32>
      %lt3A_1235 = arith.cmpi slt, %broadcast_in_dim3A_1232, %lt3A_1234 : vector<16xi32>
      %add3A_1236 = arith.constant 16 : i32
      %add3A_1237 = vector.broadcast %add3A_1236 : i32 to vector<16xi32>
      %add3A_1238 = arith.addi %broadcast_in_dim3A_1232, %add3A_1237 : vector<16xi32>
      %select_n3A_1239 = arith.select %lt3A_1235, %add3A_1238, %broadcast_in_dim3A_1232 : vector<16xi1>, vector<16xi32>
      %broadcast_in_dim3A_1240 = vector.shape_cast %select_n3A_1239 : vector<16xi32> to vector<16x1xi32>
      %gather3A_1241 = vector.shape_cast %broadcast_in_dim3A_1240 : vector<16x1xi32> to vector<16xi32>
      %gather3A_1242 = tpu.dynamic_gather %exp3A[%gather3A_1241] in [0] : vector<16xf32>, vector<16xi32> -> vector<16xf32>
      %get3A_1243 = arith.constant 8 : i32
      %get3A_1244 = arith.index_cast %get3A_1243 : i32 to index
      %get3A_1245 = arith.constant 0 : index
      %get3A_1246 = tpu.vector_load %arg10[%get3A_1244, %get3A_1245] {strides = array<i32>} : memref<50x30xf32, #tpu.memory_space<vmem>>, vector<16xf32>,
      %mul3A_1247 = arith.mulf %gather3A_1242, %get3A_1246 : vector<16xf32>
      %add3A_1248 = arith.addf %add3A_1224, %mul3A_1247 : vector<16xf32>
      %get3A_1249 = arith.constant 8 : i32
      %get3A_1250 = arith.index_cast %get3A_1249 : i32 to index
      %get3A_1251 = arith.constant 14 : index
      %get3A_1252 = tpu.vector_load %arg10[%get3A_1250, %get3A_1251] {strides = array<i32>} : memref<50x30xf32, #tpu.memory_space<vmem>>, vector<16xf32>,
      %mul3A_1253 = arith.mulf %gather3A_1242, %get3A_1252 : vector<16xf32>
      %add3A_1254 = arith.addf %add3A_1230, %mul3A_1253 : vector<16xf32>
      %broadcast_in_dim3A_1255 = arith.constant 9 : i32
      %broadcast_in_dim3A_1256 = vector.broadcast %broadcast_in_dim3A_1255 : i32 to vector<16xi32>
      %lt3A_1257 = arith.constant 0 : i32
      %lt3A_1258 = vector.broadcast %lt3A_1257 : i32 to vector<16xi32>
      %lt3A_1259 = arith.cmpi slt, %broadcast_in_dim3A_1256, %lt3A_1258 : vector<16xi32>
      %add3A_1260 = arith.constant 16 : i32
      %add3A_1261 = vector.broadcast %add3A_1260 : i32 to vector<16xi32>
      %add3A_1262 = arith.addi %broadcast_in_dim3A_1256, %add3A_1261 : vector<16xi32>
      %select_n3A_1263 = arith.select %lt3A_1259, %add3A_1262, %broadcast_in_dim3A_1256 : vector<16xi1>, vector<16xi32>
      %broadcast_in_dim3A_1264 = vector.shape_cast %select_n3A_1263 : vector<16xi32> to vector<16x1xi32>
      %gather3A_1265 = vector.shape_cast %broadcast_in_dim3A_1264 : vector<16x1xi32> to vector<16xi32>
      %gather3A_1266 = tpu.dynamic_gather %exp3A[%gather3A_1265] in [0] : vector<16xf32>, vector<16xi32> -> vector<16xf32>
      %get3A_1267 = arith.constant 9 : i32
      %get3A_1268 = arith.index_cast %get3A_1267 : i32 to index
      %get3A_1269 = arith.constant 0 : index
      %get3A_1270 = tpu.vector_load %arg10[%get3A_1268, %get3A_1269] {strides = array<i32>} : memref<50x30xf32, #tpu.memory_space<vmem>>, vector<16xf32>,
      %mul3A_1271 = arith.mulf %gather3A_1266, %get3A_1270 : vector<16xf32>
      %add3A_1272 = arith.addf %add3A_1248, %mul3A_1271 : vector<16xf32>
      %get3A_1273 = arith.constant 9 : i32
      %get3A_1274 = arith.index_cast %get3A_1273 : i32 to index
      %get3A_1275 = arith.constant 14 : index
      %get3A_1276 = tpu.vector_load %arg10[%get3A_1274, %get3A_1275] {strides = array<i32>} : memref<50x30xf32, #tpu.memory_space<vmem>>, vector<16xf32>,
      %mul3A_1277 = arith.mulf %gather3A_1266, %get3A_1276 : vector<16xf32>
      %add3A_1278 = arith.addf %add3A_1254, %mul3A_1277 : vector<16xf32>
      %broadcast_in_dim3A_1279 = arith.constant 10 : i32
      %broadcast_in_dim3A_1280 = vector.broadcast %broadcast_in_dim3A_1279 : i32 to vector<16xi32>
      %lt3A_1281 = arith.constant 0 : i32
      %lt3A_1282 = vector.broadcast %lt3A_1281 : i32 to vector<16xi32>
      %lt3A_1283 = arith.cmpi slt, %broadcast_in_dim3A_1280, %lt3A_1282 : vector<16xi32>
      %add3A_1284 = arith.constant 16 : i32
      %add3A_1285 = vector.broadcast %add3A_1284 : i32 to vector<16xi32>
      %add3A_1286 = arith.addi %broadcast_in_dim3A_1280, %add3A_1285 : vector<16xi32>
      %select_n3A_1287 = arith.select %lt3A_1283, %add3A_1286, %broadcast_in_dim3A_1280 : vector<16xi1>, vector<16xi32>
      %broadcast_in_dim3A_1288 = vector.shape_cast %select_n3A_1287 : vector<16xi32> to vector<16x1xi32>
      %gather3A_1289 = vector.shape_cast %broadcast_in_dim3A_1288 : vector<16x1xi32> to vector<16xi32>
      %gather3A_1290 = tpu.dynamic_gather %exp3A[%gather3A_1289] in [0] : vector<16xf32>, vector<16xi32> -> vector<16xf32>
      %get3A_1291 = arith.constant 10 : i32
      %get3A_1292 = arith.index_cast %get3A_1291 : i32 to index
      %get3A_1293 = arith.constant 0 : index
      %get3A_1294 = tpu.vector_load %arg10[%get3A_1292, %get3A_1293] {strides = array<i32>} : memref<50x30xf32, #tpu.memory_space<vmem>>, vector<16xf32>,
      %mul3A_1295 = arith.mulf %gather3A_1290, %get3A_1294 : vector<16xf32>
      %add3A_1296 = arith.addf %add3A_1272, %mul3A_1295 : vector<16xf32>
      %get3A_1297 = arith.constant 10 : i32
      %get3A_1298 = arith.index_cast %get3A_1297 : i32 to index
      %get3A_1299 = arith.constant 14 : index
      %get3A_1300 = tpu.vector_load %arg10[%get3A_1298, %get3A_1299] {strides = array<i32>} : memref<50x30xf32, #tpu.memory_space<vmem>>, vector<16xf32>,
      %mul3A_1301 = arith.mulf %gather3A_1290, %get3A_1300 : vector<16xf32>
      %add3A_1302 = arith.addf %add3A_1278, %mul3A_1301 : vector<16xf32>
      %broadcast_in_dim3A_1303 = arith.constant 11 : i32
      %broadcast_in_dim3A_1304 = vector.broadcast %broadcast_in_dim3A_1303 : i32 to vector<16xi32>
      %lt3A_1305 = arith.constant 0 : i32
      %lt3A_1306 = vector.broadcast %lt3A_1305 : i32 to vector<16xi32>
      %lt3A_1307 = arith.cmpi slt, %broadcast_in_dim3A_1304, %lt3A_1306 : vector<16xi32>
      %add3A_1308 = arith.constant 16 : i32
      %add3A_1309 = vector.broadcast %add3A_1308 : i32 to vector<16xi32>
      %add3A_1310 = arith.addi %broadcast_in_dim3A_1304, %add3A_1309 : vector<16xi32>
      %select_n3A_1311 = arith.select %lt3A_1307, %add3A_1310, %broadcast_in_dim3A_1304 : vector<16xi1>, vector<16xi32>
      %broadcast_in_dim3A_1312 = vector.shape_cast %select_n3A_1311 : vector<16xi32> to vector<16x1xi32>
      %gather3A_1313 = vector.shape_cast %broadcast_in_dim3A_1312 : vector<16x1xi32> to vector<16xi32>
      %gather3A_1314 = tpu.dynamic_gather %exp3A[%gather3A_1313] in [0] : vector<16xf32>, vector<16xi32> -> vector<16xf32>
      %get3A_1315 = arith.constant 11 : i32
      %get3A_1316 = arith.index_cast %get3A_1315 : i32 to index
      %get3A_1317 = arith.constant 0 : index
      %get3A_1318 = tpu.vector_load %arg10[%get3A_1316, %get3A_1317] {strides = array<i32>} : memref<50x30xf32, #tpu.memory_space<vmem>>, vector<16xf32>,
      %mul3A_1319 = arith.mulf %gather3A_1314, %get3A_1318 : vector<16xf32>
      %add3A_1320 = arith.addf %add3A_1296, %mul3A_1319 : vector<16xf32>
      %get3A_1321 = arith.constant 11 : i32
      %get3A_1322 = arith.index_cast %get3A_1321 : i32 to index
      %get3A_1323 = arith.constant 14 : index
      %get3A_1324 = tpu.vector_load %arg10[%get3A_1322, %get3A_1323] {strides = array<i32>} : memref<50x30xf32, #tpu.memory_space<vmem>>, vector<16xf32>,
      %mul3A_1325 = arith.mulf %gather3A_1314, %get3A_1324 : vector<16xf32>
      %add3A_1326 = arith.addf %add3A_1302, %mul3A_1325 : vector<16xf32>
      %broadcast_in_dim3A_1327 = arith.constant 12 : i32
      %broadcast_in_dim3A_1328 = vector.broadcast %broadcast_in_dim3A_1327 : i32 to vector<16xi32>
      %lt3A_1329 = arith.constant 0 : i32
      %lt3A_1330 = vector.broadcast %lt3A_1329 : i32 to vector<16xi32>
      %lt3A_1331 = arith.cmpi slt, %broadcast_in_dim3A_1328, %lt3A_1330 : vector<16xi32>
      %add3A_1332 = arith.constant 16 : i32
      %add3A_1333 = vector.broadcast %add3A_1332 : i32 to vector<16xi32>
      %add3A_1334 = arith.addi %broadcast_in_dim3A_1328, %add3A_1333 : vector<16xi32>
      %select_n3A_1335 = arith.select %lt3A_1331, %add3A_1334, %broadcast_in_dim3A_1328 : vector<16xi1>, vector<16xi32>
      %broadcast_in_dim3A_1336 = vector.shape_cast %select_n3A_1335 : vector<16xi32> to vector<16x1xi32>
      %gather3A_1337 = vector.shape_cast %broadcast_in_dim3A_1336 : vector<16x1xi32> to vector<16xi32>
      %gather3A_1338 = tpu.dynamic_gather %exp3A[%gather3A_1337] in [0] : vector<16xf32>, vector<16xi32> -> vector<16xf32>
      %get3A_1339 = arith.constant 12 : i32
      %get3A_1340 = arith.index_cast %get3A_1339 : i32 to index
      %get3A_1341 = arith.constant 0 : index
      %get3A_1342 = tpu.vector_load %arg10[%get3A_1340, %get3A_1341] {strides = array<i32>} : memref<50x30xf32, #tpu.memory_space<vmem>>, vector<16xf32>,
      %mul3A_1343 = arith.mulf %gather3A_1338, %get3A_1342 : vector<16xf32>
      %add3A_1344 = arith.addf %add3A_1320, %mul3A_1343 : vector<16xf32>
      %get3A_1345 = arith.constant 12 : i32
      %get3A_1346 = arith.index_cast %get3A_1345 : i32 to index
      %get3A_1347 = arith.constant 14 : index
      %get3A_1348 = tpu.vector_load %arg10[%get3A_1346, %get3A_1347] {strides = array<i32>} : memref<50x30xf32, #tpu.memory_space<vmem>>, vector<16xf32>,
      %mul3A_1349 = arith.mulf %gather3A_1338, %get3A_1348 : vector<16xf32>
      %add3A_1350 = arith.addf %add3A_1326, %mul3A_1349 : vector<16xf32>
      %broadcast_in_dim3A_1351 = arith.constant 13 : i32
      %broadcast_in_dim3A_1352 = vector.broadcast %broadcast_in_dim3A_1351 : i32 to vector<16xi32>
      %lt3A_1353 = arith.constant 0 : i32
      %lt3A_1354 = vector.broadcast %lt3A_1353 : i32 to vector<16xi32>
      %lt3A_1355 = arith.cmpi slt, %broadcast_in_dim3A_1352, %lt3A_1354 : vector<16xi32>
      %add3A_1356 = arith.constant 16 : i32
      %add3A_1357 = vector.broadcast %add3A_1356 : i32 to vector<16xi32>
      %add3A_1358 = arith.addi %broadcast_in_dim3A_1352, %add3A_1357 : vector<16xi32>
      %select_n3A_1359 = arith.select %lt3A_1355, %add3A_1358, %broadcast_in_dim3A_1352 : vector<16xi1>, vector<16xi32>
      %broadcast_in_dim3A_1360 = vector.shape_cast %select_n3A_1359 : vector<16xi32> to vector<16x1xi32>
      %gather3A_1361 = vector.shape_cast %broadcast_in_dim3A_1360 : vector<16x1xi32> to vector<16xi32>
      %gather3A_1362 = tpu.dynamic_gather %exp3A[%gather3A_1361] in [0] : vector<16xf32>, vector<16xi32> -> vector<16xf32>
      %get3A_1363 = arith.constant 13 : i32
      %get3A_1364 = arith.index_cast %get3A_1363 : i32 to index
      %get3A_1365 = arith.constant 0 : index
      %get3A_1366 = tpu.vector_load %arg10[%get3A_1364, %get3A_1365] {strides = array<i32>} : memref<50x30xf32, #tpu.memory_space<vmem>>, vector<16xf32>,
      %mul3A_1367 = arith.mulf %gather3A_1362, %get3A_1366 : vector<16xf32>
      %add3A_1368 = arith.addf %add3A_1344, %mul3A_1367 : vector<16xf32>
      %get3A_1369 = arith.constant 13 : i32
      %get3A_1370 = arith.index_cast %get3A_1369 : i32 to index
      %get3A_1371 = arith.constant 14 : index
      %get3A_1372 = tpu.vector_load %arg10[%get3A_1370, %get3A_1371] {strides = array<i32>} : memref<50x30xf32, #tpu.memory_space<vmem>>, vector<16xf32>,
      %mul3A_1373 = arith.mulf %gather3A_1362, %get3A_1372 : vector<16xf32>
      %add3A_1374 = arith.addf %add3A_1350, %mul3A_1373 : vector<16xf32>
      %broadcast_in_dim3A_1375 = arith.constant 14 : i32
      %broadcast_in_dim3A_1376 = vector.broadcast %broadcast_in_dim3A_1375 : i32 to vector<16xi32>
      %lt3A_1377 = arith.constant 0 : i32
      %lt3A_1378 = vector.broadcast %lt3A_1377 : i32 to vector<16xi32>
      %lt3A_1379 = arith.cmpi slt, %broadcast_in_dim3A_1376, %lt3A_1378 : vector<16xi32>
      %add3A_1380 = arith.constant 16 : i32
      %add3A_1381 = vector.broadcast %add3A_1380 : i32 to vector<16xi32>
      %add3A_1382 = arith.addi %broadcast_in_dim3A_1376, %add3A_1381 : vector<16xi32>
      %select_n3A_1383 = arith.select %lt3A_1379, %add3A_1382, %broadcast_in_dim3A_1376 : vector<16xi1>, vector<16xi32>
      %broadcast_in_dim3A_1384 = vector.shape_cast %select_n3A_1383 : vector<16xi32> to vector<16x1xi32>
      %gather3A_1385 = vector.shape_cast %broadcast_in_dim3A_1384 : vector<16x1xi32> to vector<16xi32>
      %gather3A_1386 = tpu.dynamic_gather %exp3A[%gather3A_1385] in [0] : vector<16xf32>, vector<16xi32> -> vector<16xf32>
      %get3A_1387 = arith.constant 14 : i32
      %get3A_1388 = arith.index_cast %get3A_1387 : i32 to index
      %get3A_1389 = arith.constant 0 : index
      %get3A_1390 = tpu.vector_load %arg10[%get3A_1388, %get3A_1389] {strides = array<i32>} : memref<50x30xf32, #tpu.memory_space<vmem>>, vector<16xf32>,
      %mul3A_1391 = arith.mulf %gather3A_1386, %get3A_1390 : vector<16xf32>
      %add3A_1392 = arith.addf %add3A_1368, %mul3A_1391 : vector<16xf32>
      %get3A_1393 = arith.constant 14 : i32
      %get3A_1394 = arith.index_cast %get3A_1393 : i32 to index
      %get3A_1395 = arith.constant 14 : index
      %get3A_1396 = tpu.vector_load %arg10[%get3A_1394, %get3A_1395] {strides = array<i32>} : memref<50x30xf32, #tpu.memory_space<vmem>>, vector<16xf32>,
      %mul3A_1397 = arith.mulf %gather3A_1386, %get3A_1396 : vector<16xf32>
      %add3A_1398 = arith.addf %add3A_1374, %mul3A_1397 : vector<16xf32>
      %broadcast_in_dim3A_1399 = arith.constant 15 : i32
      %broadcast_in_dim3A_1400 = vector.broadcast %broadcast_in_dim3A_1399 : i32 to vector<16xi32>
      %lt3A_1401 = arith.constant 0 : i32
      %lt3A_1402 = vector.broadcast %lt3A_1401 : i32 to vector<16xi32>
      %lt3A_1403 = arith.cmpi slt, %broadcast_in_dim3A_1400, %lt3A_1402 : vector<16xi32>
      %add3A_1404 = arith.constant 16 : i32
      %add3A_1405 = vector.broadcast %add3A_1404 : i32 to vector<16xi32>
      %add3A_1406 = arith.addi %broadcast_in_dim3A_1400, %add3A_1405 : vector<16xi32>
      %select_n3A_1407 = arith.select %lt3A_1403, %add3A_1406, %broadcast_in_dim3A_1400 : vector<16xi1>, vector<16xi32>
      %broadcast_in_dim3A_1408 = vector.shape_cast %select_n3A_1407 : vector<16xi32> to vector<16x1xi32>
      %gather3A_1409 = vector.shape_cast %broadcast_in_dim3A_1408 : vector<16x1xi32> to vector<16xi32>
      %gather3A_1410 = tpu.dynamic_gather %exp3A[%gather3A_1409] in [0] : vector<16xf32>, vector<16xi32> -> vector<16xf32>
      %get3A_1411 = arith.constant 15 : i32
      %get3A_1412 = arith.index_cast %get3A_1411 : i32 to index
      %get3A_1413 = arith.constant 0 : index
      %get3A_1414 = tpu.vector_load %arg10[%get3A_1412, %get3A_1413] {strides = array<i32>} : memref<50x30xf32, #tpu.memory_space<vmem>>, vector<16xf32>,
      %mul3A_1415 = arith.mulf %gather3A_1410, %get3A_1414 : vector<16xf32>
      %add3A_1416 = arith.addf %add3A_1392, %mul3A_1415 : vector<16xf32>
      %get3A_1417 = arith.constant 15 : i32
      %get3A_1418 = arith.index_cast %get3A_1417 : i32 to index
      %get3A_1419 = arith.constant 14 : index
      %get3A_1420 = tpu.vector_load %arg10[%get3A_1418, %get3A_1419] {strides = array<i32>} : memref<50x30xf32, #tpu.memory_space<vmem>>, vector<16xf32>,
      %mul3A_1421 = arith.mulf %gather3A_1410, %get3A_1420 : vector<16xf32>
      %add3A_1422 = arith.addf %add3A_1398, %mul3A_1421 : vector<16xf32>
      %broadcast_in_dim3A_1423 = arith.constant 0 : i32
      %broadcast_in_dim3A_1424 = vector.broadcast %broadcast_in_dim3A_1423 : i32 to vector<16xi32>
      %lt3A_1425 = arith.constant 0 : i32
      %lt3A_1426 = vector.broadcast %lt3A_1425 : i32 to vector<16xi32>
      %lt3A_1427 = arith.cmpi slt, %broadcast_in_dim3A_1424, %lt3A_1426 : vector<16xi32>
      %add3A_1428 = arith.constant 16 : i32
      %add3A_1429 = vector.broadcast %add3A_1428 : i32 to vector<16xi32>
      %add3A_1430 = arith.addi %broadcast_in_dim3A_1424, %add3A_1429 : vector<16xi32>
      %select_n3A_1431 = arith.select %lt3A_1427, %add3A_1430, %broadcast_in_dim3A_1424 : vector<16xi1>, vector<16xi32>
      %broadcast_in_dim3A_1432 = vector.shape_cast %select_n3A_1431 : vector<16xi32> to vector<16x1xi32>
      %gather3A_1433 = vector.shape_cast %broadcast_in_dim3A_1432 : vector<16x1xi32> to vector<16xi32>
      %gather3A_1434 = tpu.dynamic_gather %exp3A_861[%gather3A_1433] in [0] : vector<16xf32>, vector<16xi32> -> vector<16xf32>
      %get3A_1435 = arith.constant 16 : i32
      %get3A_1436 = arith.index_cast %get3A_1435 : i32 to index
      %get3A_1437 = arith.constant 0 : index
      %get3A_1438 = tpu.vector_load %arg10[%get3A_1436, %get3A_1437] {strides = array<i32>} : memref<50x30xf32, #tpu.memory_space<vmem>>, vector<16xf32>,
      %mul3A_1439 = arith.mulf %gather3A_1434, %get3A_1438 : vector<16xf32>
      %add3A_1440 = arith.addf %add3A_1416, %mul3A_1439 : vector<16xf32>
      %get3A_1441 = arith.constant 16 : i32
      %get3A_1442 = arith.index_cast %get3A_1441 : i32 to index
      %get3A_1443 = arith.constant 14 : index
      %get3A_1444 = tpu.vector_load %arg10[%get3A_1442, %get3A_1443] {strides = array<i32>} : memref<50x30xf32, #tpu.memory_space<vmem>>, vector<16xf32>,
      %mul3A_1445 = arith.mulf %gather3A_1434, %get3A_1444 : vector<16xf32>
      %add3A_1446 = arith.addf %add3A_1422, %mul3A_1445 : vector<16xf32>
      %broadcast_in_dim3A_1447 = arith.constant 1 : i32
      %broadcast_in_dim3A_1448 = vector.broadcast %broadcast_in_dim3A_1447 : i32 to vector<16xi32>
      %lt3A_1449 = arith.constant 0 : i32
      %lt3A_1450 = vector.broadcast %lt3A_1449 : i32 to vector<16xi32>
      %lt3A_1451 = arith.cmpi slt, %broadcast_in_dim3A_1448, %lt3A_1450 : vector<16xi32>
      %add3A_1452 = arith.constant 16 : i32
      %add3A_1453 = vector.broadcast %add3A_1452 : i32 to vector<16xi32>
      %add3A_1454 = arith.addi %broadcast_in_dim3A_1448, %add3A_1453 : vector<16xi32>
      %select_n3A_1455 = arith.select %lt3A_1451, %add3A_1454, %broadcast_in_dim3A_1448 : vector<16xi1>, vector<16xi32>
      %broadcast_in_dim3A_1456 = vector.shape_cast %select_n3A_1455 : vector<16xi32> to vector<16x1xi32>
      %gather3A_1457 = vector.shape_cast %broadcast_in_dim3A_1456 : vector<16x1xi32> to vector<16xi32>
      %gather3A_1458 = tpu.dynamic_gather %exp3A_861[%gather3A_1457] in [0] : vector<16xf32>, vector<16xi32> -> vector<16xf32>
      %get3A_1459 = arith.constant 17 : i32
      %get3A_1460 = arith.index_cast %get3A_1459 : i32 to index
      %get3A_1461 = arith.constant 0 : index
      %get3A_1462 = tpu.vector_load %arg10[%get3A_1460, %get3A_1461] {strides = array<i32>} : memref<50x30xf32, #tpu.memory_space<vmem>>, vector<16xf32>,
      %mul3A_1463 = arith.mulf %gather3A_1458, %get3A_1462 : vector<16xf32>
      %add3A_1464 = arith.addf %add3A_1440, %mul3A_1463 : vector<16xf32>
      %get3A_1465 = arith.constant 17 : i32
      %get3A_1466 = arith.index_cast %get3A_1465 : i32 to index
      %get3A_1467 = arith.constant 14 : index
      %get3A_1468 = tpu.vector_load %arg10[%get3A_1466, %get3A_1467] {strides = array<i32>} : memref<50x30xf32, #tpu.memory_space<vmem>>, vector<16xf32>,
      %mul3A_1469 = arith.mulf %gather3A_1458, %get3A_1468 : vector<16xf32>
      %add3A_1470 = arith.addf %add3A_1446, %mul3A_1469 : vector<16xf32>
      %broadcast_in_dim3A_1471 = arith.constant 2 : i32
      %broadcast_in_dim3A_1472 = vector.broadcast %broadcast_in_dim3A_1471 : i32 to vector<16xi32>
      %lt3A_1473 = arith.constant 0 : i32
      %lt3A_1474 = vector.broadcast %lt3A_1473 : i32 to vector<16xi32>
      %lt3A_1475 = arith.cmpi slt, %broadcast_in_dim3A_1472, %lt3A_1474 : vector<16xi32>
      %add3A_1476 = arith.constant 16 : i32
      %add3A_1477 = vector.broadcast %add3A_1476 : i32 to vector<16xi32>
      %add3A_1478 = arith.addi %broadcast_in_dim3A_1472, %add3A_1477 : vector<16xi32>
      %select_n3A_1479 = arith.select %lt3A_1475, %add3A_1478, %broadcast_in_dim3A_1472 : vector<16xi1>, vector<16xi32>
      %broadcast_in_dim3A_1480 = vector.shape_cast %select_n3A_1479 : vector<16xi32> to vector<16x1xi32>
      %gather3A_1481 = vector.shape_cast %broadcast_in_dim3A_1480 : vector<16x1xi32> to vector<16xi32>
      %gather3A_1482 = tpu.dynamic_gather %exp3A_861[%gather3A_1481] in [0] : vector<16xf32>, vector<16xi32> -> vector<16xf32>
      %get3A_1483 = arith.constant 18 : i32
      %get3A_1484 = arith.index_cast %get3A_1483 : i32 to index
      %get3A_1485 = arith.constant 0 : index
      %get3A_1486 = tpu.vector_load %arg10[%get3A_1484, %get3A_1485] {strides = array<i32>} : memref<50x30xf32, #tpu.memory_space<vmem>>, vector<16xf32>,
      %mul3A_1487 = arith.mulf %gather3A_1482, %get3A_1486 : vector<16xf32>
      %add3A_1488 = arith.addf %add3A_1464, %mul3A_1487 : vector<16xf32>
      %get3A_1489 = arith.constant 18 : i32
      %get3A_1490 = arith.index_cast %get3A_1489 : i32 to index
      %get3A_1491 = arith.constant 14 : index
      %get3A_1492 = tpu.vector_load %arg10[%get3A_1490, %get3A_1491] {strides = array<i32>} : memref<50x30xf32, #tpu.memory_space<vmem>>, vector<16xf32>,
      %mul3A_1493 = arith.mulf %gather3A_1482, %get3A_1492 : vector<16xf32>
      %add3A_1494 = arith.addf %add3A_1470, %mul3A_1493 : vector<16xf32>
      %broadcast_in_dim3A_1495 = arith.constant 3 : i32
      %broadcast_in_dim3A_1496 = vector.broadcast %broadcast_in_dim3A_1495 : i32 to vector<16xi32>
      %lt3A_1497 = arith.constant 0 : i32
      %lt3A_1498 = vector.broadcast %lt3A_1497 : i32 to vector<16xi32>
      %lt3A_1499 = arith.cmpi slt, %broadcast_in_dim3A_1496, %lt3A_1498 : vector<16xi32>
      %add3A_1500 = arith.constant 16 : i32
      %add3A_1501 = vector.broadcast %add3A_1500 : i32 to vector<16xi32>
      %add3A_1502 = arith.addi %broadcast_in_dim3A_1496, %add3A_1501 : vector<16xi32>
      %select_n3A_1503 = arith.select %lt3A_1499, %add3A_1502, %broadcast_in_dim3A_1496 : vector<16xi1>, vector<16xi32>
      %broadcast_in_dim3A_1504 = vector.shape_cast %select_n3A_1503 : vector<16xi32> to vector<16x1xi32>
      %gather3A_1505 = vector.shape_cast %broadcast_in_dim3A_1504 : vector<16x1xi32> to vector<16xi32>
      %gather3A_1506 = tpu.dynamic_gather %exp3A_861[%gather3A_1505] in [0] : vector<16xf32>, vector<16xi32> -> vector<16xf32>
      %get3A_1507 = arith.constant 19 : i32
      %get3A_1508 = arith.index_cast %get3A_1507 : i32 to index
      %get3A_1509 = arith.constant 0 : index
      %get3A_1510 = tpu.vector_load %arg10[%get3A_1508, %get3A_1509] {strides = array<i32>} : memref<50x30xf32, #tpu.memory_space<vmem>>, vector<16xf32>,
      %mul3A_1511 = arith.mulf %gather3A_1506, %get3A_1510 : vector<16xf32>
      %add3A_1512 = arith.addf %add3A_1488, %mul3A_1511 : vector<16xf32>
      %get3A_1513 = arith.constant 19 : i32
      %get3A_1514 = arith.index_cast %get3A_1513 : i32 to index
      %get3A_1515 = arith.constant 14 : index
      %get3A_1516 = tpu.vector_load %arg10[%get3A_1514, %get3A_1515] {strides = array<i32>} : memref<50x30xf32, #tpu.memory_space<vmem>>, vector<16xf32>,
      %mul3A_1517 = arith.mulf %gather3A_1506, %get3A_1516 : vector<16xf32>
      %add3A_1518 = arith.addf %add3A_1494, %mul3A_1517 : vector<16xf32>
      %broadcast_in_dim3A_1519 = arith.constant 4 : i32
      %broadcast_in_dim3A_1520 = vector.broadcast %broadcast_in_dim3A_1519 : i32 to vector<16xi32>
      %lt3A_1521 = arith.constant 0 : i32
      %lt3A_1522 = vector.broadcast %lt3A_1521 : i32 to vector<16xi32>
      %lt3A_1523 = arith.cmpi slt, %broadcast_in_dim3A_1520, %lt3A_1522 : vector<16xi32>
      %add3A_1524 = arith.constant 16 : i32
      %add3A_1525 = vector.broadcast %add3A_1524 : i32 to vector<16xi32>
      %add3A_1526 = arith.addi %broadcast_in_dim3A_1520, %add3A_1525 : vector<16xi32>
      %select_n3A_1527 = arith.select %lt3A_1523, %add3A_1526, %broadcast_in_dim3A_1520 : vector<16xi1>, vector<16xi32>
      %broadcast_in_dim3A_1528 = vector.shape_cast %select_n3A_1527 : vector<16xi32> to vector<16x1xi32>
      %gather3A_1529 = vector.shape_cast %broadcast_in_dim3A_1528 : vector<16x1xi32> to vector<16xi32>
      %gather3A_1530 = tpu.dynamic_gather %exp3A_861[%gather3A_1529] in [0] : vector<16xf32>, vector<16xi32> -> vector<16xf32>
      %get3A_1531 = arith.constant 20 : i32
      %get3A_1532 = arith.index_cast %get3A_1531 : i32 to index
      %get3A_1533 = arith.constant 0 : index
      %get3A_1534 = tpu.vector_load %arg10[%get3A_1532, %get3A_1533] {strides = array<i32>} : memref<50x30xf32, #tpu.memory_space<vmem>>, vector<16xf32>,
      %mul3A_1535 = arith.mulf %gather3A_1530, %get3A_1534 : vector<16xf32>
      %add3A_1536 = arith.addf %add3A_1512, %mul3A_1535 : vector<16xf32>
      %get3A_1537 = arith.constant 20 : i32
      %get3A_1538 = arith.index_cast %get3A_1537 : i32 to index
      %get3A_1539 = arith.constant 14 : index
      %get3A_1540 = tpu.vector_load %arg10[%get3A_1538, %get3A_1539] {strides = array<i32>} : memref<50x30xf32, #tpu.memory_space<vmem>>, vector<16xf32>,
      %mul3A_1541 = arith.mulf %gather3A_1530, %get3A_1540 : vector<16xf32>
      %add3A_1542 = arith.addf %add3A_1518, %mul3A_1541 : vector<16xf32>
      %broadcast_in_dim3A_1543 = arith.constant 5 : i32
      %broadcast_in_dim3A_1544 = vector.broadcast %broadcast_in_dim3A_1543 : i32 to vector<16xi32>
      %lt3A_1545 = arith.constant 0 : i32
      %lt3A_1546 = vector.broadcast %lt3A_1545 : i32 to vector<16xi32>
      %lt3A_1547 = arith.cmpi slt, %broadcast_in_dim3A_1544, %lt3A_1546 : vector<16xi32>
      %add3A_1548 = arith.constant 16 : i32
      %add3A_1549 = vector.broadcast %add3A_1548 : i32 to vector<16xi32>
      %add3A_1550 = arith.addi %broadcast_in_dim3A_1544, %add3A_1549 : vector<16xi32>
      %select_n3A_1551 = arith.select %lt3A_1547, %add3A_1550, %broadcast_in_dim3A_1544 : vector<16xi1>, vector<16xi32>
      %broadcast_in_dim3A_1552 = vector.shape_cast %select_n3A_1551 : vector<16xi32> to vector<16x1xi32>
      %gather3A_1553 = vector.shape_cast %broadcast_in_dim3A_1552 : vector<16x1xi32> to vector<16xi32>
      %gather3A_1554 = tpu.dynamic_gather %exp3A_861[%gather3A_1553] in [0] : vector<16xf32>, vector<16xi32> -> vector<16xf32>
      %get3A_1555 = arith.constant 21 : i32
      %get3A_1556 = arith.index_cast %get3A_1555 : i32 to index
      %get3A_1557 = arith.constant 0 : index
      %get3A_1558 = tpu.vector_load %arg10[%get3A_1556, %get3A_1557] {strides = array<i32>} : memref<50x30xf32, #tpu.memory_space<vmem>>, vector<16xf32>,
      %mul3A_1559 = arith.mulf %gather3A_1554, %get3A_1558 : vector<16xf32>
      %add3A_1560 = arith.addf %add3A_1536, %mul3A_1559 : vector<16xf32>
      %get3A_1561 = arith.constant 21 : i32
      %get3A_1562 = arith.index_cast %get3A_1561 : i32 to index
      %get3A_1563 = arith.constant 14 : index
      %get3A_1564 = tpu.vector_load %arg10[%get3A_1562, %get3A_1563] {strides = array<i32>} : memref<50x30xf32, #tpu.memory_space<vmem>>, vector<16xf32>,
      %mul3A_1565 = arith.mulf %gather3A_1554, %get3A_1564 : vector<16xf32>
      %add3A_1566 = arith.addf %add3A_1542, %mul3A_1565 : vector<16xf32>
      %broadcast_in_dim3A_1567 = arith.constant 6 : i32
      %broadcast_in_dim3A_1568 = vector.broadcast %broadcast_in_dim3A_1567 : i32 to vector<16xi32>
      %lt3A_1569 = arith.constant 0 : i32
      %lt3A_1570 = vector.broadcast %lt3A_1569 : i32 to vector<16xi32>
      %lt3A_1571 = arith.cmpi slt, %broadcast_in_dim3A_1568, %lt3A_1570 : vector<16xi32>
      %add3A_1572 = arith.constant 16 : i32
      %add3A_1573 = vector.broadcast %add3A_1572 : i32 to vector<16xi32>
      %add3A_1574 = arith.addi %broadcast_in_dim3A_1568, %add3A_1573 : vector<16xi32>
      %select_n3A_1575 = arith.select %lt3A_1571, %add3A_1574, %broadcast_in_dim3A_1568 : vector<16xi1>, vector<16xi32>
      %broadcast_in_dim3A_1576 = vector.shape_cast %select_n3A_1575 : vector<16xi32> to vector<16x1xi32>
      %gather3A_1577 = vector.shape_cast %broadcast_in_dim3A_1576 : vector<16x1xi32> to vector<16xi32>
      %gather3A_1578 = tpu.dynamic_gather %exp3A_861[%gather3A_1577] in [0] : vector<16xf32>, vector<16xi32> -> vector<16xf32>
      %get3A_1579 = arith.constant 22 : i32
      %get3A_1580 = arith.index_cast %get3A_1579 : i32 to index
      %get3A_1581 = arith.constant 0 : index
      %get3A_1582 = tpu.vector_load %arg10[%get3A_1580, %get3A_1581] {strides = array<i32>} : memref<50x30xf32, #tpu.memory_space<vmem>>, vector<16xf32>,
      %mul3A_1583 = arith.mulf %gather3A_1578, %get3A_1582 : vector<16xf32>
      %add3A_1584 = arith.addf %add3A_1560, %mul3A_1583 : vector<16xf32>
      %get3A_1585 = arith.constant 22 : i32
      %get3A_1586 = arith.index_cast %get3A_1585 : i32 to index
      %get3A_1587 = arith.constant 14 : index
      %get3A_1588 = tpu.vector_load %arg10[%get3A_1586, %get3A_1587] {strides = array<i32>} : memref<50x30xf32, #tpu.memory_space<vmem>>, vector<16xf32>,
      %mul3A_1589 = arith.mulf %gather3A_1578, %get3A_1588 : vector<16xf32>
      %add3A_1590 = arith.addf %add3A_1566, %mul3A_1589 : vector<16xf32>
      %broadcast_in_dim3A_1591 = arith.constant 7 : i32
      %broadcast_in_dim3A_1592 = vector.broadcast %broadcast_in_dim3A_1591 : i32 to vector<16xi32>
      %lt3A_1593 = arith.constant 0 : i32
      %lt3A_1594 = vector.broadcast %lt3A_1593 : i32 to vector<16xi32>
      %lt3A_1595 = arith.cmpi slt, %broadcast_in_dim3A_1592, %lt3A_1594 : vector<16xi32>
      %add3A_1596 = arith.constant 16 : i32
      %add3A_1597 = vector.broadcast %add3A_1596 : i32 to vector<16xi32>
      %add3A_1598 = arith.addi %broadcast_in_dim3A_1592, %add3A_1597 : vector<16xi32>
      %select_n3A_1599 = arith.select %lt3A_1595, %add3A_1598, %broadcast_in_dim3A_1592 : vector<16xi1>, vector<16xi32>
      %broadcast_in_dim3A_1600 = vector.shape_cast %select_n3A_1599 : vector<16xi32> to vector<16x1xi32>
      %gather3A_1601 = vector.shape_cast %broadcast_in_dim3A_1600 : vector<16x1xi32> to vector<16xi32>
      %gather3A_1602 = tpu.dynamic_gather %exp3A_861[%gather3A_1601] in [0] : vector<16xf32>, vector<16xi32> -> vector<16xf32>
      %get3A_1603 = arith.constant 23 : i32
      %get3A_1604 = arith.index_cast %get3A_1603 : i32 to index
      %get3A_1605 = arith.constant 0 : index
      %get3A_1606 = tpu.vector_load %arg10[%get3A_1604, %get3A_1605] {strides = array<i32>} : memref<50x30xf32, #tpu.memory_space<vmem>>, vector<16xf32>,
      %mul3A_1607 = arith.mulf %gather3A_1602, %get3A_1606 : vector<16xf32>
      %add3A_1608 = arith.addf %add3A_1584, %mul3A_1607 : vector<16xf32>
      %get3A_1609 = arith.constant 23 : i32
      %get3A_1610 = arith.index_cast %get3A_1609 : i32 to index
      %get3A_1611 = arith.constant 14 : index
      %get3A_1612 = tpu.vector_load %arg10[%get3A_1610, %get3A_1611] {strides = array<i32>} : memref<50x30xf32, #tpu.memory_space<vmem>>, vector<16xf32>,
      %mul3A_1613 = arith.mulf %gather3A_1602, %get3A_1612 : vector<16xf32>
      %add3A_1614 = arith.addf %add3A_1590, %mul3A_1613 : vector<16xf32>
      %broadcast_in_dim3A_1615 = arith.constant 8 : i32
      %broadcast_in_dim3A_1616 = vector.broadcast %broadcast_in_dim3A_1615 : i32 to vector<16xi32>
      %lt3A_1617 = arith.constant 0 : i32
      %lt3A_1618 = vector.broadcast %lt3A_1617 : i32 to vector<16xi32>
      %lt3A_1619 = arith.cmpi slt, %broadcast_in_dim3A_1616, %lt3A_1618 : vector<16xi32>
      %add3A_1620 = arith.constant 16 : i32
      %add3A_1621 = vector.broadcast %add3A_1620 : i32 to vector<16xi32>
      %add3A_1622 = arith.addi %broadcast_in_dim3A_1616, %add3A_1621 : vector<16xi32>
      %select_n3A_1623 = arith.select %lt3A_1619, %add3A_1622, %broadcast_in_dim3A_1616 : vector<16xi1>, vector<16xi32>
      %broadcast_in_dim3A_1624 = vector.shape_cast %select_n3A_1623 : vector<16xi32> to vector<16x1xi32>
      %gather3A_1625 = vector.shape_cast %broadcast_in_dim3A_1624 : vector<16x1xi32> to vector<16xi32>
      %gather3A_1626 = tpu.dynamic_gather %exp3A_861[%gather3A_1625] in [0] : vector<16xf32>, vector<16xi32> -> vector<16xf32>
      %get3A_1627 = arith.constant 24 : i32
      %get3A_1628 = arith.index_cast %get3A_1627 : i32 to index
      %get3A_1629 = arith.constant 0 : index
      %get3A_1630 = tpu.vector_load %arg10[%get3A_1628, %get3A_1629] {strides = array<i32>} : memref<50x30xf32, #tpu.memory_space<vmem>>, vector<16xf32>,
      %mul3A_1631 = arith.mulf %gather3A_1626, %get3A_1630 : vector<16xf32>
      %add3A_1632 = arith.addf %add3A_1608, %mul3A_1631 : vector<16xf32>
      %get3A_1633 = arith.constant 24 : i32
      %get3A_1634 = arith.index_cast %get3A_1633 : i32 to index
      %get3A_1635 = arith.constant 14 : index
      %get3A_1636 = tpu.vector_load %arg10[%get3A_1634, %get3A_1635] {strides = array<i32>} : memref<50x30xf32, #tpu.memory_space<vmem>>, vector<16xf32>,
      %mul3A_1637 = arith.mulf %gather3A_1626, %get3A_1636 : vector<16xf32>
      %add3A_1638 = arith.addf %add3A_1614, %mul3A_1637 : vector<16xf32>
      %broadcast_in_dim3A_1639 = arith.constant 9 : i32
      %broadcast_in_dim3A_1640 = vector.broadcast %broadcast_in_dim3A_1639 : i32 to vector<16xi32>
      %lt3A_1641 = arith.constant 0 : i32
      %lt3A_1642 = vector.broadcast %lt3A_1641 : i32 to vector<16xi32>
      %lt3A_1643 = arith.cmpi slt, %broadcast_in_dim3A_1640, %lt3A_1642 : vector<16xi32>
      %add3A_1644 = arith.constant 16 : i32
      %add3A_1645 = vector.broadcast %add3A_1644 : i32 to vector<16xi32>
      %add3A_1646 = arith.addi %broadcast_in_dim3A_1640, %add3A_1645 : vector<16xi32>
      %select_n3A_1647 = arith.select %lt3A_1643, %add3A_1646, %broadcast_in_dim3A_1640 : vector<16xi1>, vector<16xi32>
      %broadcast_in_dim3A_1648 = vector.shape_cast %select_n3A_1647 : vector<16xi32> to vector<16x1xi32>
      %gather3A_1649 = vector.shape_cast %broadcast_in_dim3A_1648 : vector<16x1xi32> to vector<16xi32>
      %gather3A_1650 = tpu.dynamic_gather %exp3A_861[%gather3A_1649] in [0] : vector<16xf32>, vector<16xi32> -> vector<16xf32>
      %get3A_1651 = arith.constant 25 : i32
      %get3A_1652 = arith.index_cast %get3A_1651 : i32 to index
      %get3A_1653 = arith.constant 0 : index
      %get3A_1654 = tpu.vector_load %arg10[%get3A_1652, %get3A_1653] {strides = array<i32>} : memref<50x30xf32, #tpu.memory_space<vmem>>, vector<16xf32>,
      %mul3A_1655 = arith.mulf %gather3A_1650, %get3A_1654 : vector<16xf32>
      %add3A_1656 = arith.addf %add3A_1632, %mul3A_1655 : vector<16xf32>
      %get3A_1657 = arith.constant 25 : i32
      %get3A_1658 = arith.index_cast %get3A_1657 : i32 to index
      %get3A_1659 = arith.constant 14 : index
      %get3A_1660 = tpu.vector_load %arg10[%get3A_1658, %get3A_1659] {strides = array<i32>} : memref<50x30xf32, #tpu.memory_space<vmem>>, vector<16xf32>,
      %mul3A_1661 = arith.mulf %gather3A_1650, %get3A_1660 : vector<16xf32>
      %add3A_1662 = arith.addf %add3A_1638, %mul3A_1661 : vector<16xf32>
      %broadcast_in_dim3A_1663 = arith.constant 10 : i32
      %broadcast_in_dim3A_1664 = vector.broadcast %broadcast_in_dim3A_1663 : i32 to vector<16xi32>
      %lt3A_1665 = arith.constant 0 : i32
      %lt3A_1666 = vector.broadcast %lt3A_1665 : i32 to vector<16xi32>
      %lt3A_1667 = arith.cmpi slt, %broadcast_in_dim3A_1664, %lt3A_1666 : vector<16xi32>
      %add3A_1668 = arith.constant 16 : i32
      %add3A_1669 = vector.broadcast %add3A_1668 : i32 to vector<16xi32>
      %add3A_1670 = arith.addi %broadcast_in_dim3A_1664, %add3A_1669 : vector<16xi32>
      %select_n3A_1671 = arith.select %lt3A_1667, %add3A_1670, %broadcast_in_dim3A_1664 : vector<16xi1>, vector<16xi32>
      %broadcast_in_dim3A_1672 = vector.shape_cast %select_n3A_1671 : vector<16xi32> to vector<16x1xi32>
      %gather3A_1673 = vector.shape_cast %broadcast_in_dim3A_1672 : vector<16x1xi32> to vector<16xi32>
      %gather3A_1674 = tpu.dynamic_gather %exp3A_861[%gather3A_1673] in [0] : vector<16xf32>, vector<16xi32> -> vector<16xf32>
      %get3A_1675 = arith.constant 26 : i32
      %get3A_1676 = arith.index_cast %get3A_1675 : i32 to index
      %get3A_1677 = arith.constant 0 : index
      %get3A_1678 = tpu.vector_load %arg10[%get3A_1676, %get3A_1677] {strides = array<i32>} : memref<50x30xf32, #tpu.memory_space<vmem>>, vector<16xf32>,
      %mul3A_1679 = arith.mulf %gather3A_1674, %get3A_1678 : vector<16xf32>
      %add3A_1680 = arith.addf %add3A_1656, %mul3A_1679 : vector<16xf32>
      %get3A_1681 = arith.constant 26 : i32
      %get3A_1682 = arith.index_cast %get3A_1681 : i32 to index
      %get3A_1683 = arith.constant 14 : index
      %get3A_1684 = tpu.vector_load %arg10[%get3A_1682, %get3A_1683] {strides = array<i32>} : memref<50x30xf32, #tpu.memory_space<vmem>>, vector<16xf32>,
      %mul3A_1685 = arith.mulf %gather3A_1674, %get3A_1684 : vector<16xf32>
      %add3A_1686 = arith.addf %add3A_1662, %mul3A_1685 : vector<16xf32>
      %broadcast_in_dim3A_1687 = arith.constant 11 : i32
      %broadcast_in_dim3A_1688 = vector.broadcast %broadcast_in_dim3A_1687 : i32 to vector<16xi32>
      %lt3A_1689 = arith.constant 0 : i32
      %lt3A_1690 = vector.broadcast %lt3A_1689 : i32 to vector<16xi32>
      %lt3A_1691 = arith.cmpi slt, %broadcast_in_dim3A_1688, %lt3A_1690 : vector<16xi32>
      %add3A_1692 = arith.constant 16 : i32
      %add3A_1693 = vector.broadcast %add3A_1692 : i32 to vector<16xi32>
      %add3A_1694 = arith.addi %broadcast_in_dim3A_1688, %add3A_1693 : vector<16xi32>
      %select_n3A_1695 = arith.select %lt3A_1691, %add3A_1694, %broadcast_in_dim3A_1688 : vector<16xi1>, vector<16xi32>
      %broadcast_in_dim3A_1696 = vector.shape_cast %select_n3A_1695 : vector<16xi32> to vector<16x1xi32>
      %gather3A_1697 = vector.shape_cast %broadcast_in_dim3A_1696 : vector<16x1xi32> to vector<16xi32>
      %gather3A_1698 = tpu.dynamic_gather %exp3A_861[%gather3A_1697] in [0] : vector<16xf32>, vector<16xi32> -> vector<16xf32>
      %get3A_1699 = arith.constant 27 : i32
      %get3A_1700 = arith.index_cast %get3A_1699 : i32 to index
      %get3A_1701 = arith.constant 0 : index
      %get3A_1702 = tpu.vector_load %arg10[%get3A_1700, %get3A_1701] {strides = array<i32>} : memref<50x30xf32, #tpu.memory_space<vmem>>, vector<16xf32>,
      %mul3A_1703 = arith.mulf %gather3A_1698, %get3A_1702 : vector<16xf32>
      %add3A_1704 = arith.addf %add3A_1680, %mul3A_1703 : vector<16xf32>
      %get3A_1705 = arith.constant 27 : i32
      %get3A_1706 = arith.index_cast %get3A_1705 : i32 to index
      %get3A_1707 = arith.constant 14 : index
      %get3A_1708 = tpu.vector_load %arg10[%get3A_1706, %get3A_1707] {strides = array<i32>} : memref<50x30xf32, #tpu.memory_space<vmem>>, vector<16xf32>,
      %mul3A_1709 = arith.mulf %gather3A_1698, %get3A_1708 : vector<16xf32>
      %add3A_1710 = arith.addf %add3A_1686, %mul3A_1709 : vector<16xf32>
      %broadcast_in_dim3A_1711 = arith.constant 12 : i32
      %broadcast_in_dim3A_1712 = vector.broadcast %broadcast_in_dim3A_1711 : i32 to vector<16xi32>
      %lt3A_1713 = arith.constant 0 : i32
      %lt3A_1714 = vector.broadcast %lt3A_1713 : i32 to vector<16xi32>
      %lt3A_1715 = arith.cmpi slt, %broadcast_in_dim3A_1712, %lt3A_1714 : vector<16xi32>
      %add3A_1716 = arith.constant 16 : i32
      %add3A_1717 = vector.broadcast %add3A_1716 : i32 to vector<16xi32>
      %add3A_1718 = arith.addi %broadcast_in_dim3A_1712, %add3A_1717 : vector<16xi32>
      %select_n3A_1719 = arith.select %lt3A_1715, %add3A_1718, %broadcast_in_dim3A_1712 : vector<16xi1>, vector<16xi32>
      %broadcast_in_dim3A_1720 = vector.shape_cast %select_n3A_1719 : vector<16xi32> to vector<16x1xi32>
      %gather3A_1721 = vector.shape_cast %broadcast_in_dim3A_1720 : vector<16x1xi32> to vector<16xi32>
      %gather3A_1722 = tpu.dynamic_gather %exp3A_861[%gather3A_1721] in [0] : vector<16xf32>, vector<16xi32> -> vector<16xf32>
      %get3A_1723 = arith.constant 28 : i32
      %get3A_1724 = arith.index_cast %get3A_1723 : i32 to index
      %get3A_1725 = arith.constant 0 : index
      %get3A_1726 = tpu.vector_load %arg10[%get3A_1724, %get3A_1725] {strides = array<i32>} : memref<50x30xf32, #tpu.memory_space<vmem>>, vector<16xf32>,
      %mul3A_1727 = arith.mulf %gather3A_1722, %get3A_1726 : vector<16xf32>
      %add3A_1728 = arith.addf %add3A_1704, %mul3A_1727 : vector<16xf32>
      %get3A_1729 = arith.constant 28 : i32
      %get3A_1730 = arith.index_cast %get3A_1729 : i32 to index
      %get3A_1731 = arith.constant 14 : index
      %get3A_1732 = tpu.vector_load %arg10[%get3A_1730, %get3A_1731] {strides = array<i32>} : memref<50x30xf32, #tpu.memory_space<vmem>>, vector<16xf32>,
      %mul3A_1733 = arith.mulf %gather3A_1722, %get3A_1732 : vector<16xf32>
      %add3A_1734 = arith.addf %add3A_1710, %mul3A_1733 : vector<16xf32>
      %broadcast_in_dim3A_1735 = arith.constant 13 : i32
      %broadcast_in_dim3A_1736 = vector.broadcast %broadcast_in_dim3A_1735 : i32 to vector<16xi32>
      %lt3A_1737 = arith.constant 0 : i32
      %lt3A_1738 = vector.broadcast %lt3A_1737 : i32 to vector<16xi32>
      %lt3A_1739 = arith.cmpi slt, %broadcast_in_dim3A_1736, %lt3A_1738 : vector<16xi32>
      %add3A_1740 = arith.constant 16 : i32
      %add3A_1741 = vector.broadcast %add3A_1740 : i32 to vector<16xi32>
      %add3A_1742 = arith.addi %broadcast_in_dim3A_1736, %add3A_1741 : vector<16xi32>
      %select_n3A_1743 = arith.select %lt3A_1739, %add3A_1742, %broadcast_in_dim3A_1736 : vector<16xi1>, vector<16xi32>
      %broadcast_in_dim3A_1744 = vector.shape_cast %select_n3A_1743 : vector<16xi32> to vector<16x1xi32>
      %gather3A_1745 = vector.shape_cast %broadcast_in_dim3A_1744 : vector<16x1xi32> to vector<16xi32>
      %gather3A_1746 = tpu.dynamic_gather %exp3A_861[%gather3A_1745] in [0] : vector<16xf32>, vector<16xi32> -> vector<16xf32>
      %get3A_1747 = arith.constant 29 : i32
      %get3A_1748 = arith.index_cast %get3A_1747 : i32 to index
      %get3A_1749 = arith.constant 0 : index
      %get3A_1750 = tpu.vector_load %arg10[%get3A_1748, %get3A_1749] {strides = array<i32>} : memref<50x30xf32, #tpu.memory_space<vmem>>, vector<16xf32>,
      %mul3A_1751 = arith.mulf %gather3A_1746, %get3A_1750 : vector<16xf32>
      %add3A_1752 = arith.addf %add3A_1728, %mul3A_1751 : vector<16xf32>
      %get3A_1753 = arith.constant 29 : i32
      %get3A_1754 = arith.index_cast %get3A_1753 : i32 to index
      %get3A_1755 = arith.constant 14 : index
      %get3A_1756 = tpu.vector_load %arg10[%get3A_1754, %get3A_1755] {strides = array<i32>} : memref<50x30xf32, #tpu.memory_space<vmem>>, vector<16xf32>,
      %mul3A_1757 = arith.mulf %gather3A_1746, %get3A_1756 : vector<16xf32>
      %add3A_1758 = arith.addf %add3A_1734, %mul3A_1757 : vector<16xf32>
      %broadcast_in_dim3A_1759 = arith.constant 14 : i32
      %broadcast_in_dim3A_1760 = vector.broadcast %broadcast_in_dim3A_1759 : i32 to vector<16xi32>
      %lt3A_1761 = arith.constant 0 : i32
      %lt3A_1762 = vector.broadcast %lt3A_1761 : i32 to vector<16xi32>
      %lt3A_1763 = arith.cmpi slt, %broadcast_in_dim3A_1760, %lt3A_1762 : vector<16xi32>
      %add3A_1764 = arith.constant 16 : i32
      %add3A_1765 = vector.broadcast %add3A_1764 : i32 to vector<16xi32>
      %add3A_1766 = arith.addi %broadcast_in_dim3A_1760, %add3A_1765 : vector<16xi32>
      %select_n3A_1767 = arith.select %lt3A_1763, %add3A_1766, %broadcast_in_dim3A_1760 : vector<16xi1>, vector<16xi32>
      %broadcast_in_dim3A_1768 = vector.shape_cast %select_n3A_1767 : vector<16xi32> to vector<16x1xi32>
      %gather3A_1769 = vector.shape_cast %broadcast_in_dim3A_1768 : vector<16x1xi32> to vector<16xi32>
      %gather3A_1770 = tpu.dynamic_gather %exp3A_861[%gather3A_1769] in [0] : vector<16xf32>, vector<16xi32> -> vector<16xf32>
      %get3A_1771 = arith.constant 30 : i32
      %get3A_1772 = arith.index_cast %get3A_1771 : i32 to index
      %get3A_1773 = arith.constant 0 : index
      %get3A_1774 = tpu.vector_load %arg10[%get3A_1772, %get3A_1773] {strides = array<i32>} : memref<50x30xf32, #tpu.memory_space<vmem>>, vector<16xf32>,
      %mul3A_1775 = arith.mulf %gather3A_1770, %get3A_1774 : vector<16xf32>
      %add3A_1776 = arith.addf %add3A_1752, %mul3A_1775 : vector<16xf32>
      %get3A_1777 = arith.constant 30 : i32
      %get3A_1778 = arith.index_cast %get3A_1777 : i32 to index
      %get3A_1779 = arith.constant 14 : index
      %get3A_1780 = tpu.vector_load %arg10[%get3A_1778, %get3A_1779] {strides = array<i32>} : memref<50x30xf32, #tpu.memory_space<vmem>>, vector<16xf32>,
      %mul3A_1781 = arith.mulf %gather3A_1770, %get3A_1780 : vector<16xf32>
      %add3A_1782 = arith.addf %add3A_1758, %mul3A_1781 : vector<16xf32>
      %broadcast_in_dim3A_1783 = arith.constant 15 : i32
      %broadcast_in_dim3A_1784 = vector.broadcast %broadcast_in_dim3A_1783 : i32 to vector<16xi32>
      %lt3A_1785 = arith.constant 0 : i32
      %lt3A_1786 = vector.broadcast %lt3A_1785 : i32 to vector<16xi32>
      %lt3A_1787 = arith.cmpi slt, %broadcast_in_dim3A_1784, %lt3A_1786 : vector<16xi32>
      %add3A_1788 = arith.constant 16 : i32
      %add3A_1789 = vector.broadcast %add3A_1788 : i32 to vector<16xi32>
      %add3A_1790 = arith.addi %broadcast_in_dim3A_1784, %add3A_1789 : vector<16xi32>
      %select_n3A_1791 = arith.select %lt3A_1787, %add3A_1790, %broadcast_in_dim3A_1784 : vector<16xi1>, vector<16xi32>
      %broadcast_in_dim3A_1792 = vector.shape_cast %select_n3A_1791 : vector<16xi32> to vector<16x1xi32>
      %gather3A_1793 = vector.shape_cast %broadcast_in_dim3A_1792 : vector<16x1xi32> to vector<16xi32>
      %gather3A_1794 = tpu.dynamic_gather %exp3A_861[%gather3A_1793] in [0] : vector<16xf32>, vector<16xi32> -> vector<16xf32>
      %get3A_1795 = arith.constant 31 : i32
      %get3A_1796 = arith.index_cast %get3A_1795 : i32 to index
      %get3A_1797 = arith.constant 0 : index
      %get3A_1798 = tpu.vector_load %arg10[%get3A_1796, %get3A_1797] {strides = array<i32>} : memref<50x30xf32, #tpu.memory_space<vmem>>, vector<16xf32>,
      %mul3A_1799 = arith.mulf %gather3A_1794, %get3A_1798 : vector<16xf32>
      %add3A_1800 = arith.addf %add3A_1776, %mul3A_1799 : vector<16xf32>
      %get3A_1801 = arith.constant 31 : i32
      %get3A_1802 = arith.index_cast %get3A_1801 : i32 to index
      %get3A_1803 = arith.constant 14 : index
      %get3A_1804 = tpu.vector_load %arg10[%get3A_1802, %get3A_1803] {strides = array<i32>} : memref<50x30xf32, #tpu.memory_space<vmem>>, vector<16xf32>,
      %mul3A_1805 = arith.mulf %gather3A_1794, %get3A_1804 : vector<16xf32>
      %add3A_1806 = arith.addf %add3A_1782, %mul3A_1805 : vector<16xf32>
      %broadcast_in_dim3A_1807 = arith.constant 0 : i32
      %broadcast_in_dim3A_1808 = vector.broadcast %broadcast_in_dim3A_1807 : i32 to vector<16xi32>
      %lt3A_1809 = arith.constant 0 : i32
      %lt3A_1810 = vector.broadcast %lt3A_1809 : i32 to vector<16xi32>
      %lt3A_1811 = arith.cmpi slt, %broadcast_in_dim3A_1808, %lt3A_1810 : vector<16xi32>
      %add3A_1812 = arith.constant 16 : i32
      %add3A_1813 = vector.broadcast %add3A_1812 : i32 to vector<16xi32>
      %add3A_1814 = arith.addi %broadcast_in_dim3A_1808, %add3A_1813 : vector<16xi32>
      %select_n3A_1815 = arith.select %lt3A_1811, %add3A_1814, %broadcast_in_dim3A_1808 : vector<16xi1>, vector<16xi32>
      %broadcast_in_dim3A_1816 = vector.shape_cast %select_n3A_1815 : vector<16xi32> to vector<16x1xi32>
      %gather3A_1817 = vector.shape_cast %broadcast_in_dim3A_1816 : vector<16x1xi32> to vector<16xi32>
      %gather3A_1818 = tpu.dynamic_gather %exp3A_911[%gather3A_1817] in [0] : vector<16xf32>, vector<16xi32> -> vector<16xf32>
      %get3A_1819 = arith.constant 32 : i32
      %get3A_1820 = arith.index_cast %get3A_1819 : i32 to index
      %get3A_1821 = arith.constant 0 : index
      %get3A_1822 = tpu.vector_load %arg10[%get3A_1820, %get3A_1821] {strides = array<i32>} : memref<50x30xf32, #tpu.memory_space<vmem>>, vector<16xf32>,
      %mul3A_1823 = arith.mulf %gather3A_1818, %get3A_1822 : vector<16xf32>
      %add3A_1824 = arith.addf %add3A_1800, %mul3A_1823 : vector<16xf32>
      %get3A_1825 = arith.constant 32 : i32
      %get3A_1826 = arith.index_cast %get3A_1825 : i32 to index
      %get3A_1827 = arith.constant 14 : index
      %get3A_1828 = tpu.vector_load %arg10[%get3A_1826, %get3A_1827] {strides = array<i32>} : memref<50x30xf32, #tpu.memory_space<vmem>>, vector<16xf32>,
      %mul3A_1829 = arith.mulf %gather3A_1818, %get3A_1828 : vector<16xf32>
      %add3A_1830 = arith.addf %add3A_1806, %mul3A_1829 : vector<16xf32>
      %broadcast_in_dim3A_1831 = arith.constant 1 : i32
      %broadcast_in_dim3A_1832 = vector.broadcast %broadcast_in_dim3A_1831 : i32 to vector<16xi32>
      %lt3A_1833 = arith.constant 0 : i32
      %lt3A_1834 = vector.broadcast %lt3A_1833 : i32 to vector<16xi32>
      %lt3A_1835 = arith.cmpi slt, %broadcast_in_dim3A_1832, %lt3A_1834 : vector<16xi32>
      %add3A_1836 = arith.constant 16 : i32
      %add3A_1837 = vector.broadcast %add3A_1836 : i32 to vector<16xi32>
      %add3A_1838 = arith.addi %broadcast_in_dim3A_1832, %add3A_1837 : vector<16xi32>
      %select_n3A_1839 = arith.select %lt3A_1835, %add3A_1838, %broadcast_in_dim3A_1832 : vector<16xi1>, vector<16xi32>
      %broadcast_in_dim3A_1840 = vector.shape_cast %select_n3A_1839 : vector<16xi32> to vector<16x1xi32>
      %gather3A_1841 = vector.shape_cast %broadcast_in_dim3A_1840 : vector<16x1xi32> to vector<16xi32>
      %gather3A_1842 = tpu.dynamic_gather %exp3A_911[%gather3A_1841] in [0] : vector<16xf32>, vector<16xi32> -> vector<16xf32>
      %get3A_1843 = arith.constant 33 : i32
      %get3A_1844 = arith.index_cast %get3A_1843 : i32 to index
      %get3A_1845 = arith.constant 0 : index
      %get3A_1846 = tpu.vector_load %arg10[%get3A_1844, %get3A_1845] {strides = array<i32>} : memref<50x30xf32, #tpu.memory_space<vmem>>, vector<16xf32>,
      %mul3A_1847 = arith.mulf %gather3A_1842, %get3A_1846 : vector<16xf32>
      %add3A_1848 = arith.addf %add3A_1824, %mul3A_1847 : vector<16xf32>
      %get3A_1849 = arith.constant 33 : i32
      %get3A_1850 = arith.index_cast %get3A_1849 : i32 to index
      %get3A_1851 = arith.constant 14 : index
      %get3A_1852 = tpu.vector_load %arg10[%get3A_1850, %get3A_1851] {strides = array<i32>} : memref<50x30xf32, #tpu.memory_space<vmem>>, vector<16xf32>,
      %mul3A_1853 = arith.mulf %gather3A_1842, %get3A_1852 : vector<16xf32>
      %add3A_1854 = arith.addf %add3A_1830, %mul3A_1853 : vector<16xf32>
      %broadcast_in_dim3A_1855 = arith.constant 2 : i32
      %broadcast_in_dim3A_1856 = vector.broadcast %broadcast_in_dim3A_1855 : i32 to vector<16xi32>
      %lt3A_1857 = arith.constant 0 : i32
      %lt3A_1858 = vector.broadcast %lt3A_1857 : i32 to vector<16xi32>
      %lt3A_1859 = arith.cmpi slt, %broadcast_in_dim3A_1856, %lt3A_1858 : vector<16xi32>
      %add3A_1860 = arith.constant 16 : i32
      %add3A_1861 = vector.broadcast %add3A_1860 : i32 to vector<16xi32>
      %add3A_1862 = arith.addi %broadcast_in_dim3A_1856, %add3A_1861 : vector<16xi32>
      %select_n3A_1863 = arith.select %lt3A_1859, %add3A_1862, %broadcast_in_dim3A_1856 : vector<16xi1>, vector<16xi32>
      %broadcast_in_dim3A_1864 = vector.shape_cast %select_n3A_1863 : vector<16xi32> to vector<16x1xi32>
      %gather3A_1865 = vector.shape_cast %broadcast_in_dim3A_1864 : vector<16x1xi32> to vector<16xi32>
      %gather3A_1866 = tpu.dynamic_gather %exp3A_911[%gather3A_1865] in [0] : vector<16xf32>, vector<16xi32> -> vector<16xf32>
      %get3A_1867 = arith.constant 34 : i32
      %get3A_1868 = arith.index_cast %get3A_1867 : i32 to index
      %get3A_1869 = arith.constant 0 : index
      %get3A_1870 = tpu.vector_load %arg10[%get3A_1868, %get3A_1869] {strides = array<i32>} : memref<50x30xf32, #tpu.memory_space<vmem>>, vector<16xf32>,
      %mul3A_1871 = arith.mulf %gather3A_1866, %get3A_1870 : vector<16xf32>
      %add3A_1872 = arith.addf %add3A_1848, %mul3A_1871 : vector<16xf32>
      %get3A_1873 = arith.constant 34 : i32
      %get3A_1874 = arith.index_cast %get3A_1873 : i32 to index
      %get3A_1875 = arith.constant 14 : index
      %get3A_1876 = tpu.vector_load %arg10[%get3A_1874, %get3A_1875] {strides = array<i32>} : memref<50x30xf32, #tpu.memory_space<vmem>>, vector<16xf32>,
      %mul3A_1877 = arith.mulf %gather3A_1866, %get3A_1876 : vector<16xf32>
      %add3A_1878 = arith.addf %add3A_1854, %mul3A_1877 : vector<16xf32>
      %broadcast_in_dim3A_1879 = arith.constant 3 : i32
      %broadcast_in_dim3A_1880 = vector.broadcast %broadcast_in_dim3A_1879 : i32 to vector<16xi32>
      %lt3A_1881 = arith.constant 0 : i32
      %lt3A_1882 = vector.broadcast %lt3A_1881 : i32 to vector<16xi32>
      %lt3A_1883 = arith.cmpi slt, %broadcast_in_dim3A_1880, %lt3A_1882 : vector<16xi32>
      %add3A_1884 = arith.constant 16 : i32
      %add3A_1885 = vector.broadcast %add3A_1884 : i32 to vector<16xi32>
      %add3A_1886 = arith.addi %broadcast_in_dim3A_1880, %add3A_1885 : vector<16xi32>
      %select_n3A_1887 = arith.select %lt3A_1883, %add3A_1886, %broadcast_in_dim3A_1880 : vector<16xi1>, vector<16xi32>
      %broadcast_in_dim3A_1888 = vector.shape_cast %select_n3A_1887 : vector<16xi32> to vector<16x1xi32>
      %gather3A_1889 = vector.shape_cast %broadcast_in_dim3A_1888 : vector<16x1xi32> to vector<16xi32>
      %gather3A_1890 = tpu.dynamic_gather %exp3A_911[%gather3A_1889] in [0] : vector<16xf32>, vector<16xi32> -> vector<16xf32>
      %get3A_1891 = arith.constant 35 : i32
      %get3A_1892 = arith.index_cast %get3A_1891 : i32 to index
      %get3A_1893 = arith.constant 0 : index
      %get3A_1894 = tpu.vector_load %arg10[%get3A_1892, %get3A_1893] {strides = array<i32>} : memref<50x30xf32, #tpu.memory_space<vmem>>, vector<16xf32>,
      %mul3A_1895 = arith.mulf %gather3A_1890, %get3A_1894 : vector<16xf32>
      %add3A_1896 = arith.addf %add3A_1872, %mul3A_1895 : vector<16xf32>
      %get3A_1897 = arith.constant 35 : i32
      %get3A_1898 = arith.index_cast %get3A_1897 : i32 to index
      %get3A_1899 = arith.constant 14 : index
      %get3A_1900 = tpu.vector_load %arg10[%get3A_1898, %get3A_1899] {strides = array<i32>} : memref<50x30xf32, #tpu.memory_space<vmem>>, vector<16xf32>,
      %mul3A_1901 = arith.mulf %gather3A_1890, %get3A_1900 : vector<16xf32>
      %add3A_1902 = arith.addf %add3A_1878, %mul3A_1901 : vector<16xf32>
      %broadcast_in_dim3A_1903 = arith.constant 4 : i32
      %broadcast_in_dim3A_1904 = vector.broadcast %broadcast_in_dim3A_1903 : i32 to vector<16xi32>
      %lt3A_1905 = arith.constant 0 : i32
      %lt3A_1906 = vector.broadcast %lt3A_1905 : i32 to vector<16xi32>
      %lt3A_1907 = arith.cmpi slt, %broadcast_in_dim3A_1904, %lt3A_1906 : vector<16xi32>
      %add3A_1908 = arith.constant 16 : i32
      %add3A_1909 = vector.broadcast %add3A_1908 : i32 to vector<16xi32>
      %add3A_1910 = arith.addi %broadcast_in_dim3A_1904, %add3A_1909 : vector<16xi32>
      %select_n3A_1911 = arith.select %lt3A_1907, %add3A_1910, %broadcast_in_dim3A_1904 : vector<16xi1>, vector<16xi32>
      %broadcast_in_dim3A_1912 = vector.shape_cast %select_n3A_1911 : vector<16xi32> to vector<16x1xi32>
      %gather3A_1913 = vector.shape_cast %broadcast_in_dim3A_1912 : vector<16x1xi32> to vector<16xi32>
      %gather3A_1914 = tpu.dynamic_gather %exp3A_911[%gather3A_1913] in [0] : vector<16xf32>, vector<16xi32> -> vector<16xf32>
      %get3A_1915 = arith.constant 36 : i32
      %get3A_1916 = arith.index_cast %get3A_1915 : i32 to index
      %get3A_1917 = arith.constant 0 : index
      %get3A_1918 = tpu.vector_load %arg10[%get3A_1916, %get3A_1917] {strides = array<i32>} : memref<50x30xf32, #tpu.memory_space<vmem>>, vector<16xf32>,
      %mul3A_1919 = arith.mulf %gather3A_1914, %get3A_1918 : vector<16xf32>
      %add3A_1920 = arith.addf %add3A_1896, %mul3A_1919 : vector<16xf32>
      %get3A_1921 = arith.constant 36 : i32
      %get3A_1922 = arith.index_cast %get3A_1921 : i32 to index
      %get3A_1923 = arith.constant 14 : index
      %get3A_1924 = tpu.vector_load %arg10[%get3A_1922, %get3A_1923] {strides = array<i32>} : memref<50x30xf32, #tpu.memory_space<vmem>>, vector<16xf32>,
      %mul3A_1925 = arith.mulf %gather3A_1914, %get3A_1924 : vector<16xf32>
      %add3A_1926 = arith.addf %add3A_1902, %mul3A_1925 : vector<16xf32>
      %broadcast_in_dim3A_1927 = arith.constant 5 : i32
      %broadcast_in_dim3A_1928 = vector.broadcast %broadcast_in_dim3A_1927 : i32 to vector<16xi32>
      %lt3A_1929 = arith.constant 0 : i32
      %lt3A_1930 = vector.broadcast %lt3A_1929 : i32 to vector<16xi32>
      %lt3A_1931 = arith.cmpi slt, %broadcast_in_dim3A_1928, %lt3A_1930 : vector<16xi32>
      %add3A_1932 = arith.constant 16 : i32
      %add3A_1933 = vector.broadcast %add3A_1932 : i32 to vector<16xi32>
      %add3A_1934 = arith.addi %broadcast_in_dim3A_1928, %add3A_1933 : vector<16xi32>
      %select_n3A_1935 = arith.select %lt3A_1931, %add3A_1934, %broadcast_in_dim3A_1928 : vector<16xi1>, vector<16xi32>
      %broadcast_in_dim3A_1936 = vector.shape_cast %select_n3A_1935 : vector<16xi32> to vector<16x1xi32>
      %gather3A_1937 = vector.shape_cast %broadcast_in_dim3A_1936 : vector<16x1xi32> to vector<16xi32>
      %gather3A_1938 = tpu.dynamic_gather %exp3A_911[%gather3A_1937] in [0] : vector<16xf32>, vector<16xi32> -> vector<16xf32>
      %get3A_1939 = arith.constant 37 : i32
      %get3A_1940 = arith.index_cast %get3A_1939 : i32 to index
      %get3A_1941 = arith.constant 0 : index
      %get3A_1942 = tpu.vector_load %arg10[%get3A_1940, %get3A_1941] {strides = array<i32>} : memref<50x30xf32, #tpu.memory_space<vmem>>, vector<16xf32>,
      %mul3A_1943 = arith.mulf %gather3A_1938, %get3A_1942 : vector<16xf32>
      %add3A_1944 = arith.addf %add3A_1920, %mul3A_1943 : vector<16xf32>
      %get3A_1945 = arith.constant 37 : i32
      %get3A_1946 = arith.index_cast %get3A_1945 : i32 to index
      %get3A_1947 = arith.constant 14 : index
      %get3A_1948 = tpu.vector_load %arg10[%get3A_1946, %get3A_1947] {strides = array<i32>} : memref<50x30xf32, #tpu.memory_space<vmem>>, vector<16xf32>,
      %mul3A_1949 = arith.mulf %gather3A_1938, %get3A_1948 : vector<16xf32>
      %add3A_1950 = arith.addf %add3A_1926, %mul3A_1949 : vector<16xf32>
      %broadcast_in_dim3A_1951 = arith.constant 6 : i32
      %broadcast_in_dim3A_1952 = vector.broadcast %broadcast_in_dim3A_1951 : i32 to vector<16xi32>
      %lt3A_1953 = arith.constant 0 : i32
      %lt3A_1954 = vector.broadcast %lt3A_1953 : i32 to vector<16xi32>
      %lt3A_1955 = arith.cmpi slt, %broadcast_in_dim3A_1952, %lt3A_1954 : vector<16xi32>
      %add3A_1956 = arith.constant 16 : i32
      %add3A_1957 = vector.broadcast %add3A_1956 : i32 to vector<16xi32>
      %add3A_1958 = arith.addi %broadcast_in_dim3A_1952, %add3A_1957 : vector<16xi32>
      %select_n3A_1959 = arith.select %lt3A_1955, %add3A_1958, %broadcast_in_dim3A_1952 : vector<16xi1>, vector<16xi32>
      %broadcast_in_dim3A_1960 = vector.shape_cast %select_n3A_1959 : vector<16xi32> to vector<16x1xi32>
      %gather3A_1961 = vector.shape_cast %broadcast_in_dim3A_1960 : vector<16x1xi32> to vector<16xi32>
      %gather3A_1962 = tpu.dynamic_gather %exp3A_911[%gather3A_1961] in [0] : vector<16xf32>, vector<16xi32> -> vector<16xf32>
      %get3A_1963 = arith.constant 38 : i32
      %get3A_1964 = arith.index_cast %get3A_1963 : i32 to index
      %get3A_1965 = arith.constant 0 : index
      %get3A_1966 = tpu.vector_load %arg10[%get3A_1964, %get3A_1965] {strides = array<i32>} : memref<50x30xf32, #tpu.memory_space<vmem>>, vector<16xf32>,
      %mul3A_1967 = arith.mulf %gather3A_1962, %get3A_1966 : vector<16xf32>
      %add3A_1968 = arith.addf %add3A_1944, %mul3A_1967 : vector<16xf32>
      %get3A_1969 = arith.constant 38 : i32
      %get3A_1970 = arith.index_cast %get3A_1969 : i32 to index
      %get3A_1971 = arith.constant 14 : index
      %get3A_1972 = tpu.vector_load %arg10[%get3A_1970, %get3A_1971] {strides = array<i32>} : memref<50x30xf32, #tpu.memory_space<vmem>>, vector<16xf32>,
      %mul3A_1973 = arith.mulf %gather3A_1962, %get3A_1972 : vector<16xf32>
      %add3A_1974 = arith.addf %add3A_1950, %mul3A_1973 : vector<16xf32>
      %broadcast_in_dim3A_1975 = arith.constant 7 : i32
      %broadcast_in_dim3A_1976 = vector.broadcast %broadcast_in_dim3A_1975 : i32 to vector<16xi32>
      %lt3A_1977 = arith.constant 0 : i32
      %lt3A_1978 = vector.broadcast %lt3A_1977 : i32 to vector<16xi32>
      %lt3A_1979 = arith.cmpi slt, %broadcast_in_dim3A_1976, %lt3A_1978 : vector<16xi32>
      %add3A_1980 = arith.constant 16 : i32
      %add3A_1981 = vector.broadcast %add3A_1980 : i32 to vector<16xi32>
      %add3A_1982 = arith.addi %broadcast_in_dim3A_1976, %add3A_1981 : vector<16xi32>
      %select_n3A_1983 = arith.select %lt3A_1979, %add3A_1982, %broadcast_in_dim3A_1976 : vector<16xi1>, vector<16xi32>
      %broadcast_in_dim3A_1984 = vector.shape_cast %select_n3A_1983 : vector<16xi32> to vector<16x1xi32>
      %gather3A_1985 = vector.shape_cast %broadcast_in_dim3A_1984 : vector<16x1xi32> to vector<16xi32>
      %gather3A_1986 = tpu.dynamic_gather %exp3A_911[%gather3A_1985] in [0] : vector<16xf32>, vector<16xi32> -> vector<16xf32>
      %get3A_1987 = arith.constant 39 : i32
      %get3A_1988 = arith.index_cast %get3A_1987 : i32 to index
      %get3A_1989 = arith.constant 0 : index
      %get3A_1990 = tpu.vector_load %arg10[%get3A_1988, %get3A_1989] {strides = array<i32>} : memref<50x30xf32, #tpu.memory_space<vmem>>, vector<16xf32>,
      %mul3A_1991 = arith.mulf %gather3A_1986, %get3A_1990 : vector<16xf32>
      %add3A_1992 = arith.addf %add3A_1968, %mul3A_1991 : vector<16xf32>
      %get3A_1993 = arith.constant 39 : i32
      %get3A_1994 = arith.index_cast %get3A_1993 : i32 to index
      %get3A_1995 = arith.constant 14 : index
      %get3A_1996 = tpu.vector_load %arg10[%get3A_1994, %get3A_1995] {strides = array<i32>} : memref<50x30xf32, #tpu.memory_space<vmem>>, vector<16xf32>,
      %mul3A_1997 = arith.mulf %gather3A_1986, %get3A_1996 : vector<16xf32>
      %add3A_1998 = arith.addf %add3A_1974, %mul3A_1997 : vector<16xf32>
      %broadcast_in_dim3A_1999 = arith.constant 8 : i32
      %broadcast_in_dim3A_2000 = vector.broadcast %broadcast_in_dim3A_1999 : i32 to vector<16xi32>
      %lt3A_2001 = arith.constant 0 : i32
      %lt3A_2002 = vector.broadcast %lt3A_2001 : i32 to vector<16xi32>
      %lt3A_2003 = arith.cmpi slt, %broadcast_in_dim3A_2000, %lt3A_2002 : vector<16xi32>
      %add3A_2004 = arith.constant 16 : i32
      %add3A_2005 = vector.broadcast %add3A_2004 : i32 to vector<16xi32>
      %add3A_2006 = arith.addi %broadcast_in_dim3A_2000, %add3A_2005 : vector<16xi32>
      %select_n3A_2007 = arith.select %lt3A_2003, %add3A_2006, %broadcast_in_dim3A_2000 : vector<16xi1>, vector<16xi32>
      %broadcast_in_dim3A_2008 = vector.shape_cast %select_n3A_2007 : vector<16xi32> to vector<16x1xi32>
      %gather3A_2009 = vector.shape_cast %broadcast_in_dim3A_2008 : vector<16x1xi32> to vector<16xi32>
      %gather3A_2010 = tpu.dynamic_gather %exp3A_911[%gather3A_2009] in [0] : vector<16xf32>, vector<16xi32> -> vector<16xf32>
      %get3A_2011 = arith.constant 40 : i32
      %get3A_2012 = arith.index_cast %get3A_2011 : i32 to index
      %get3A_2013 = arith.constant 0 : index
      %get3A_2014 = tpu.vector_load %arg10[%get3A_2012, %get3A_2013] {strides = array<i32>} : memref<50x30xf32, #tpu.memory_space<vmem>>, vector<16xf32>,
      %mul3A_2015 = arith.mulf %gather3A_2010, %get3A_2014 : vector<16xf32>
      %add3A_2016 = arith.addf %add3A_1992, %mul3A_2015 : vector<16xf32>
      %get3A_2017 = arith.constant 40 : i32
      %get3A_2018 = arith.index_cast %get3A_2017 : i32 to index
      %get3A_2019 = arith.constant 14 : index
      %get3A_2020 = tpu.vector_load %arg10[%get3A_2018, %get3A_2019] {strides = array<i32>} : memref<50x30xf32, #tpu.memory_space<vmem>>, vector<16xf32>,
      %mul3A_2021 = arith.mulf %gather3A_2010, %get3A_2020 : vector<16xf32>
      %add3A_2022 = arith.addf %add3A_1998, %mul3A_2021 : vector<16xf32>
      %broadcast_in_dim3A_2023 = arith.constant 9 : i32
      %broadcast_in_dim3A_2024 = vector.broadcast %broadcast_in_dim3A_2023 : i32 to vector<16xi32>
      %lt3A_2025 = arith.constant 0 : i32
      %lt3A_2026 = vector.broadcast %lt3A_2025 : i32 to vector<16xi32>
      %lt3A_2027 = arith.cmpi slt, %broadcast_in_dim3A_2024, %lt3A_2026 : vector<16xi32>
      %add3A_2028 = arith.constant 16 : i32
      %add3A_2029 = vector.broadcast %add3A_2028 : i32 to vector<16xi32>
      %add3A_2030 = arith.addi %broadcast_in_dim3A_2024, %add3A_2029 : vector<16xi32>
      %select_n3A_2031 = arith.select %lt3A_2027, %add3A_2030, %broadcast_in_dim3A_2024 : vector<16xi1>, vector<16xi32>
      %broadcast_in_dim3A_2032 = vector.shape_cast %select_n3A_2031 : vector<16xi32> to vector<16x1xi32>
      %gather3A_2033 = vector.shape_cast %broadcast_in_dim3A_2032 : vector<16x1xi32> to vector<16xi32>
      %gather3A_2034 = tpu.dynamic_gather %exp3A_911[%gather3A_2033] in [0] : vector<16xf32>, vector<16xi32> -> vector<16xf32>
      %get3A_2035 = arith.constant 41 : i32
      %get3A_2036 = arith.index_cast %get3A_2035 : i32 to index
      %get3A_2037 = arith.constant 0 : index
      %get3A_2038 = tpu.vector_load %arg10[%get3A_2036, %get3A_2037] {strides = array<i32>} : memref<50x30xf32, #tpu.memory_space<vmem>>, vector<16xf32>,
      %mul3A_2039 = arith.mulf %gather3A_2034, %get3A_2038 : vector<16xf32>
      %add3A_2040 = arith.addf %add3A_2016, %mul3A_2039 : vector<16xf32>
      %get3A_2041 = arith.constant 41 : i32
      %get3A_2042 = arith.index_cast %get3A_2041 : i32 to index
      %get3A_2043 = arith.constant 14 : index
      %get3A_2044 = tpu.vector_load %arg10[%get3A_2042, %get3A_2043] {strides = array<i32>} : memref<50x30xf32, #tpu.memory_space<vmem>>, vector<16xf32>,
      %mul3A_2045 = arith.mulf %gather3A_2034, %get3A_2044 : vector<16xf32>
      %add3A_2046 = arith.addf %add3A_2022, %mul3A_2045 : vector<16xf32>
      %broadcast_in_dim3A_2047 = arith.constant 10 : i32
      %broadcast_in_dim3A_2048 = vector.broadcast %broadcast_in_dim3A_2047 : i32 to vector<16xi32>
      %lt3A_2049 = arith.constant 0 : i32
      %lt3A_2050 = vector.broadcast %lt3A_2049 : i32 to vector<16xi32>
      %lt3A_2051 = arith.cmpi slt, %broadcast_in_dim3A_2048, %lt3A_2050 : vector<16xi32>
      %add3A_2052 = arith.constant 16 : i32
      %add3A_2053 = vector.broadcast %add3A_2052 : i32 to vector<16xi32>
      %add3A_2054 = arith.addi %broadcast_in_dim3A_2048, %add3A_2053 : vector<16xi32>
      %select_n3A_2055 = arith.select %lt3A_2051, %add3A_2054, %broadcast_in_dim3A_2048 : vector<16xi1>, vector<16xi32>
      %broadcast_in_dim3A_2056 = vector.shape_cast %select_n3A_2055 : vector<16xi32> to vector<16x1xi32>
      %gather3A_2057 = vector.shape_cast %broadcast_in_dim3A_2056 : vector<16x1xi32> to vector<16xi32>
      %gather3A_2058 = tpu.dynamic_gather %exp3A_911[%gather3A_2057] in [0] : vector<16xf32>, vector<16xi32> -> vector<16xf32>
      %get3A_2059 = arith.constant 42 : i32
      %get3A_2060 = arith.index_cast %get3A_2059 : i32 to index
      %get3A_2061 = arith.constant 0 : index
      %get3A_2062 = tpu.vector_load %arg10[%get3A_2060, %get3A_2061] {strides = array<i32>} : memref<50x30xf32, #tpu.memory_space<vmem>>, vector<16xf32>,
      %mul3A_2063 = arith.mulf %gather3A_2058, %get3A_2062 : vector<16xf32>
      %add3A_2064 = arith.addf %add3A_2040, %mul3A_2063 : vector<16xf32>
      %get3A_2065 = arith.constant 42 : i32
      %get3A_2066 = arith.index_cast %get3A_2065 : i32 to index
      %get3A_2067 = arith.constant 14 : index
      %get3A_2068 = tpu.vector_load %arg10[%get3A_2066, %get3A_2067] {strides = array<i32>} : memref<50x30xf32, #tpu.memory_space<vmem>>, vector<16xf32>,
      %mul3A_2069 = arith.mulf %gather3A_2058, %get3A_2068 : vector<16xf32>
      %add3A_2070 = arith.addf %add3A_2046, %mul3A_2069 : vector<16xf32>
      %broadcast_in_dim3A_2071 = arith.constant 11 : i32
      %broadcast_in_dim3A_2072 = vector.broadcast %broadcast_in_dim3A_2071 : i32 to vector<16xi32>
      %lt3A_2073 = arith.constant 0 : i32
      %lt3A_2074 = vector.broadcast %lt3A_2073 : i32 to vector<16xi32>
      %lt3A_2075 = arith.cmpi slt, %broadcast_in_dim3A_2072, %lt3A_2074 : vector<16xi32>
      %add3A_2076 = arith.constant 16 : i32
      %add3A_2077 = vector.broadcast %add3A_2076 : i32 to vector<16xi32>
      %add3A_2078 = arith.addi %broadcast_in_dim3A_2072, %add3A_2077 : vector<16xi32>
      %select_n3A_2079 = arith.select %lt3A_2075, %add3A_2078, %broadcast_in_dim3A_2072 : vector<16xi1>, vector<16xi32>
      %broadcast_in_dim3A_2080 = vector.shape_cast %select_n3A_2079 : vector<16xi32> to vector<16x1xi32>
      %gather3A_2081 = vector.shape_cast %broadcast_in_dim3A_2080 : vector<16x1xi32> to vector<16xi32>
      %gather3A_2082 = tpu.dynamic_gather %exp3A_911[%gather3A_2081] in [0] : vector<16xf32>, vector<16xi32> -> vector<16xf32>
      %get3A_2083 = arith.constant 43 : i32
      %get3A_2084 = arith.index_cast %get3A_2083 : i32 to index
      %get3A_2085 = arith.constant 0 : index
      %get3A_2086 = tpu.vector_load %arg10[%get3A_2084, %get3A_2085] {strides = array<i32>} : memref<50x30xf32, #tpu.memory_space<vmem>>, vector<16xf32>,
      %mul3A_2087 = arith.mulf %gather3A_2082, %get3A_2086 : vector<16xf32>
      %add3A_2088 = arith.addf %add3A_2064, %mul3A_2087 : vector<16xf32>
      %get3A_2089 = arith.constant 43 : i32
      %get3A_2090 = arith.index_cast %get3A_2089 : i32 to index
      %get3A_2091 = arith.constant 14 : index
      %get3A_2092 = tpu.vector_load %arg10[%get3A_2090, %get3A_2091] {strides = array<i32>} : memref<50x30xf32, #tpu.memory_space<vmem>>, vector<16xf32>,
      %mul3A_2093 = arith.mulf %gather3A_2082, %get3A_2092 : vector<16xf32>
      %add3A_2094 = arith.addf %add3A_2070, %mul3A_2093 : vector<16xf32>
      %broadcast_in_dim3A_2095 = arith.constant 12 : i32
      %broadcast_in_dim3A_2096 = vector.broadcast %broadcast_in_dim3A_2095 : i32 to vector<16xi32>
      %lt3A_2097 = arith.constant 0 : i32
      %lt3A_2098 = vector.broadcast %lt3A_2097 : i32 to vector<16xi32>
      %lt3A_2099 = arith.cmpi slt, %broadcast_in_dim3A_2096, %lt3A_2098 : vector<16xi32>
      %add3A_2100 = arith.constant 16 : i32
      %add3A_2101 = vector.broadcast %add3A_2100 : i32 to vector<16xi32>
      %add3A_2102 = arith.addi %broadcast_in_dim3A_2096, %add3A_2101 : vector<16xi32>
      %select_n3A_2103 = arith.select %lt3A_2099, %add3A_2102, %broadcast_in_dim3A_2096 : vector<16xi1>, vector<16xi32>
      %broadcast_in_dim3A_2104 = vector.shape_cast %select_n3A_2103 : vector<16xi32> to vector<16x1xi32>
      %gather3A_2105 = vector.shape_cast %broadcast_in_dim3A_2104 : vector<16x1xi32> to vector<16xi32>
      %gather3A_2106 = tpu.dynamic_gather %exp3A_911[%gather3A_2105] in [0] : vector<16xf32>, vector<16xi32> -> vector<16xf32>
      %get3A_2107 = arith.constant 44 : i32
      %get3A_2108 = arith.index_cast %get3A_2107 : i32 to index
      %get3A_2109 = arith.constant 0 : index
      %get3A_2110 = tpu.vector_load %arg10[%get3A_2108, %get3A_2109] {strides = array<i32>} : memref<50x30xf32, #tpu.memory_space<vmem>>, vector<16xf32>,
      %mul3A_2111 = arith.mulf %gather3A_2106, %get3A_2110 : vector<16xf32>
      %add3A_2112 = arith.addf %add3A_2088, %mul3A_2111 : vector<16xf32>
      %get3A_2113 = arith.constant 44 : i32
      %get3A_2114 = arith.index_cast %get3A_2113 : i32 to index
      %get3A_2115 = arith.constant 14 : index
      %get3A_2116 = tpu.vector_load %arg10[%get3A_2114, %get3A_2115] {strides = array<i32>} : memref<50x30xf32, #tpu.memory_space<vmem>>, vector<16xf32>,
      %mul3A_2117 = arith.mulf %gather3A_2106, %get3A_2116 : vector<16xf32>
      %add3A_2118 = arith.addf %add3A_2094, %mul3A_2117 : vector<16xf32>
      %broadcast_in_dim3A_2119 = arith.constant 13 : i32
      %broadcast_in_dim3A_2120 = vector.broadcast %broadcast_in_dim3A_2119 : i32 to vector<16xi32>
      %lt3A_2121 = arith.constant 0 : i32
      %lt3A_2122 = vector.broadcast %lt3A_2121 : i32 to vector<16xi32>
      %lt3A_2123 = arith.cmpi slt, %broadcast_in_dim3A_2120, %lt3A_2122 : vector<16xi32>
      %add3A_2124 = arith.constant 16 : i32
      %add3A_2125 = vector.broadcast %add3A_2124 : i32 to vector<16xi32>
      %add3A_2126 = arith.addi %broadcast_in_dim3A_2120, %add3A_2125 : vector<16xi32>
      %select_n3A_2127 = arith.select %lt3A_2123, %add3A_2126, %broadcast_in_dim3A_2120 : vector<16xi1>, vector<16xi32>
      %broadcast_in_dim3A_2128 = vector.shape_cast %select_n3A_2127 : vector<16xi32> to vector<16x1xi32>
      %gather3A_2129 = vector.shape_cast %broadcast_in_dim3A_2128 : vector<16x1xi32> to vector<16xi32>
      %gather3A_2130 = tpu.dynamic_gather %exp3A_911[%gather3A_2129] in [0] : vector<16xf32>, vector<16xi32> -> vector<16xf32>
      %get3A_2131 = arith.constant 45 : i32
      %get3A_2132 = arith.index_cast %get3A_2131 : i32 to index
      %get3A_2133 = arith.constant 0 : index
      %get3A_2134 = tpu.vector_load %arg10[%get3A_2132, %get3A_2133] {strides = array<i32>} : memref<50x30xf32, #tpu.memory_space<vmem>>, vector<16xf32>,
      %mul3A_2135 = arith.mulf %gather3A_2130, %get3A_2134 : vector<16xf32>
      %add3A_2136 = arith.addf %add3A_2112, %mul3A_2135 : vector<16xf32>
      %get3A_2137 = arith.constant 45 : i32
      %get3A_2138 = arith.index_cast %get3A_2137 : i32 to index
      %get3A_2139 = arith.constant 14 : index
      %get3A_2140 = tpu.vector_load %arg10[%get3A_2138, %get3A_2139] {strides = array<i32>} : memref<50x30xf32, #tpu.memory_space<vmem>>, vector<16xf32>,
      %mul3A_2141 = arith.mulf %gather3A_2130, %get3A_2140 : vector<16xf32>
      %add3A_2142 = arith.addf %add3A_2118, %mul3A_2141 : vector<16xf32>
      %broadcast_in_dim3A_2143 = arith.constant 14 : i32
      %broadcast_in_dim3A_2144 = vector.broadcast %broadcast_in_dim3A_2143 : i32 to vector<16xi32>
      %lt3A_2145 = arith.constant 0 : i32
      %lt3A_2146 = vector.broadcast %lt3A_2145 : i32 to vector<16xi32>
      %lt3A_2147 = arith.cmpi slt, %broadcast_in_dim3A_2144, %lt3A_2146 : vector<16xi32>
      %add3A_2148 = arith.constant 16 : i32
      %add3A_2149 = vector.broadcast %add3A_2148 : i32 to vector<16xi32>
      %add3A_2150 = arith.addi %broadcast_in_dim3A_2144, %add3A_2149 : vector<16xi32>
      %select_n3A_2151 = arith.select %lt3A_2147, %add3A_2150, %broadcast_in_dim3A_2144 : vector<16xi1>, vector<16xi32>
      %broadcast_in_dim3A_2152 = vector.shape_cast %select_n3A_2151 : vector<16xi32> to vector<16x1xi32>
      %gather3A_2153 = vector.shape_cast %broadcast_in_dim3A_2152 : vector<16x1xi32> to vector<16xi32>
      %gather3A_2154 = tpu.dynamic_gather %exp3A_911[%gather3A_2153] in [0] : vector<16xf32>, vector<16xi32> -> vector<16xf32>
      %get3A_2155 = arith.constant 46 : i32
      %get3A_2156 = arith.index_cast %get3A_2155 : i32 to index
      %get3A_2157 = arith.constant 0 : index
      %get3A_2158 = tpu.vector_load %arg10[%get3A_2156, %get3A_2157] {strides = array<i32>} : memref<50x30xf32, #tpu.memory_space<vmem>>, vector<16xf32>,
      %mul3A_2159 = arith.mulf %gather3A_2154, %get3A_2158 : vector<16xf32>
      %add3A_2160 = arith.addf %add3A_2136, %mul3A_2159 : vector<16xf32>
      %get3A_2161 = arith.constant 46 : i32
      %get3A_2162 = arith.index_cast %get3A_2161 : i32 to index
      %get3A_2163 = arith.constant 14 : index
      %get3A_2164 = tpu.vector_load %arg10[%get3A_2162, %get3A_2163] {strides = array<i32>} : memref<50x30xf32, #tpu.memory_space<vmem>>, vector<16xf32>,
      %mul3A_2165 = arith.mulf %gather3A_2154, %get3A_2164 : vector<16xf32>
      %add3A_2166 = arith.addf %add3A_2142, %mul3A_2165 : vector<16xf32>
      %broadcast_in_dim3A_2167 = arith.constant 15 : i32
      %broadcast_in_dim3A_2168 = vector.broadcast %broadcast_in_dim3A_2167 : i32 to vector<16xi32>
      %lt3A_2169 = arith.constant 0 : i32
      %lt3A_2170 = vector.broadcast %lt3A_2169 : i32 to vector<16xi32>
      %lt3A_2171 = arith.cmpi slt, %broadcast_in_dim3A_2168, %lt3A_2170 : vector<16xi32>
      %add3A_2172 = arith.constant 16 : i32
      %add3A_2173 = vector.broadcast %add3A_2172 : i32 to vector<16xi32>
      %add3A_2174 = arith.addi %broadcast_in_dim3A_2168, %add3A_2173 : vector<16xi32>
      %select_n3A_2175 = arith.select %lt3A_2171, %add3A_2174, %broadcast_in_dim3A_2168 : vector<16xi1>, vector<16xi32>
      %broadcast_in_dim3A_2176 = vector.shape_cast %select_n3A_2175 : vector<16xi32> to vector<16x1xi32>
      %gather3A_2177 = vector.shape_cast %broadcast_in_dim3A_2176 : vector<16x1xi32> to vector<16xi32>
      %gather3A_2178 = tpu.dynamic_gather %exp3A_911[%gather3A_2177] in [0] : vector<16xf32>, vector<16xi32> -> vector<16xf32>
      %get3A_2179 = arith.constant 47 : i32
      %get3A_2180 = arith.index_cast %get3A_2179 : i32 to index
      %get3A_2181 = arith.constant 0 : index
      %get3A_2182 = tpu.vector_load %arg10[%get3A_2180, %get3A_2181] {strides = array<i32>} : memref<50x30xf32, #tpu.memory_space<vmem>>, vector<16xf32>,
      %mul3A_2183 = arith.mulf %gather3A_2178, %get3A_2182 : vector<16xf32>
      %add3A_2184 = arith.addf %add3A_2160, %mul3A_2183 : vector<16xf32>
      %get3A_2185 = arith.constant 47 : i32
      %get3A_2186 = arith.index_cast %get3A_2185 : i32 to index
      %get3A_2187 = arith.constant 14 : index
      %get3A_2188 = tpu.vector_load %arg10[%get3A_2186, %get3A_2187] {strides = array<i32>} : memref<50x30xf32, #tpu.memory_space<vmem>>, vector<16xf32>,
      %mul3A_2189 = arith.mulf %gather3A_2178, %get3A_2188 : vector<16xf32>
      %add3A_2190 = arith.addf %add3A_2166, %mul3A_2189 : vector<16xf32>
      %broadcast_in_dim3A_2191 = arith.constant 0 : i32
      %broadcast_in_dim3A_2192 = vector.broadcast %broadcast_in_dim3A_2191 : i32 to vector<16xi32>
      %lt3A_2193 = arith.constant 0 : i32
      %lt3A_2194 = vector.broadcast %lt3A_2193 : i32 to vector<16xi32>
      %lt3A_2195 = arith.cmpi slt, %broadcast_in_dim3A_2192, %lt3A_2194 : vector<16xi32>
      %add3A_2196 = arith.constant 16 : i32
      %add3A_2197 = vector.broadcast %add3A_2196 : i32 to vector<16xi32>
      %add3A_2198 = arith.addi %broadcast_in_dim3A_2192, %add3A_2197 : vector<16xi32>
      %select_n3A_2199 = arith.select %lt3A_2195, %add3A_2198, %broadcast_in_dim3A_2192 : vector<16xi1>, vector<16xi32>
      %broadcast_in_dim3A_2200 = vector.shape_cast %select_n3A_2199 : vector<16xi32> to vector<16x1xi32>
      %gather3A_2201 = vector.shape_cast %broadcast_in_dim3A_2200 : vector<16x1xi32> to vector<16xi32>
      %gather3A_2202 = tpu.dynamic_gather %select_n3A_967[%gather3A_2201] in [0] : vector<16xf32>, vector<16xi32> -> vector<16xf32>
      %get3A_2203 = arith.constant 48 : i32
      %get3A_2204 = arith.index_cast %get3A_2203 : i32 to index
      %get3A_2205 = arith.constant 0 : index
      %get3A_2206 = tpu.vector_load %arg10[%get3A_2204, %get3A_2205] {strides = array<i32>} : memref<50x30xf32, #tpu.memory_space<vmem>>, vector<16xf32>,
      %mul3A_2207 = arith.mulf %gather3A_2202, %get3A_2206 : vector<16xf32>
      %add3A_2208 = arith.addf %add3A_2184, %mul3A_2207 : vector<16xf32>
      %get3A_2209 = arith.constant 48 : i32
      %get3A_2210 = arith.index_cast %get3A_2209 : i32 to index
      %get3A_2211 = arith.constant 14 : index
      %get3A_2212 = tpu.vector_load %arg10[%get3A_2210, %get3A_2211] {strides = array<i32>} : memref<50x30xf32, #tpu.memory_space<vmem>>, vector<16xf32>,
      %mul3A_2213 = arith.mulf %gather3A_2202, %get3A_2212 : vector<16xf32>
      %add3A_2214 = arith.addf %add3A_2190, %mul3A_2213 : vector<16xf32>
      %broadcast_in_dim3A_2215 = arith.constant 1 : i32
      %broadcast_in_dim3A_2216 = vector.broadcast %broadcast_in_dim3A_2215 : i32 to vector<16xi32>
      %lt3A_2217 = arith.constant 0 : i32
      %lt3A_2218 = vector.broadcast %lt3A_2217 : i32 to vector<16xi32>
      %lt3A_2219 = arith.cmpi slt, %broadcast_in_dim3A_2216, %lt3A_2218 : vector<16xi32>
      %add3A_2220 = arith.constant 16 : i32
      %add3A_2221 = vector.broadcast %add3A_2220 : i32 to vector<16xi32>
      %add3A_2222 = arith.addi %broadcast_in_dim3A_2216, %add3A_2221 : vector<16xi32>
      %select_n3A_2223 = arith.select %lt3A_2219, %add3A_2222, %broadcast_in_dim3A_2216 : vector<16xi1>, vector<16xi32>
      %broadcast_in_dim3A_2224 = vector.shape_cast %select_n3A_2223 : vector<16xi32> to vector<16x1xi32>
      %gather3A_2225 = vector.shape_cast %broadcast_in_dim3A_2224 : vector<16x1xi32> to vector<16xi32>
      %gather3A_2226 = tpu.dynamic_gather %select_n3A_967[%gather3A_2225] in [0] : vector<16xf32>, vector<16xi32> -> vector<16xf32>
      %get3A_2227 = arith.constant 49 : i32
      %get3A_2228 = arith.index_cast %get3A_2227 : i32 to index
      %get3A_2229 = arith.constant 0 : index
      %get3A_2230 = tpu.vector_load %arg10[%get3A_2228, %get3A_2229] {strides = array<i32>} : memref<50x30xf32, #tpu.memory_space<vmem>>, vector<16xf32>,
      %mul3A_2231 = arith.mulf %gather3A_2226, %get3A_2230 : vector<16xf32>
      %add3A_2232 = arith.addf %add3A_2208, %mul3A_2231 : vector<16xf32>
      %get3A_2233 = arith.constant 49 : i32
      %get3A_2234 = arith.index_cast %get3A_2233 : i32 to index
      %get3A_2235 = arith.constant 14 : index
      %get3A_2236 = tpu.vector_load %arg10[%get3A_2234, %get3A_2235] {strides = array<i32>} : memref<50x30xf32, #tpu.memory_space<vmem>>, vector<16xf32>,
      %mul3A_2237 = arith.mulf %gather3A_2226, %get3A_2236 : vector<16xf32>
      %add3A_2238 = arith.addf %add3A_2214, %mul3A_2237 : vector<16xf32>
      %div3A = arith.constant 1.000000e+00 : f32
      %div3A_2239 = vector.broadcast %div3A : f32 to vector<16xf32>
      %div3A_2240 = arith.divf %div3A_2239, %add3A_1026 : vector<16xf32>
      %add3A_2241 = arith.constant 14 : i32
      %add3A_2242 = vector.broadcast %add3A_2241 : i32 to vector<16xi32>
      %add3A_2243 = arith.addi %iota3A, %add3A_2242 : vector<16xi32>
      %jit3A_2244 = arith.constant 5 : i32
      %div3A_2245 = vector.broadcast %jit3A_2244 : i32 to vector<16xi32>
      %div3A_2246 = arith.divsi %iota3A, %div3A_2245 : vector<16xi32>
      %sign3A = arith.constant 0 : i32
      %sign3A_2247 = vector.broadcast %sign3A : i32 to vector<16xi32>
      %sign3A_2248 = arith.cmpi sgt, %iota3A, %sign3A_2247 : vector<16xi32>
      %sign3A_2249 = arith.extui %sign3A_2248 : vector<16xi1> to vector<16xi32>
      %sign3A_2250 = arith.constant 0 : i32
      %sign3A_2251 = vector.broadcast %sign3A_2250 : i32 to vector<16xi32>
      %sign3A_2252 = arith.cmpi slt, %iota3A, %sign3A_2251 : vector<16xi32>
      %sign3A_2253 = arith.extui %sign3A_2252 : vector<16xi1> to vector<16xi32>
      %sign3A_2254 = arith.subi %sign3A_2249, %sign3A_2253 : vector<16xi32>
      %sign3A_2255 = arith.constant 0 : i32
      %sign3A_2256 = arith.cmpi sgt, %jit3A_2244, %sign3A_2255 : i32
      %sign3A_2257 = arith.extui %sign3A_2256 : i1 to i32
      %sign3A_2258 = arith.constant 0 : i32
      %sign3A_2259 = arith.cmpi slt, %jit3A_2244, %sign3A_2258 : i32
      %sign3A_2260 = arith.extui %sign3A_2259 : i1 to i32
      %sign3A_2261 = arith.subi %sign3A_2257, %sign3A_2260 : i32
      %ne3A = vector.broadcast %sign3A_2261 : i32 to vector<16xi32>
      %ne3A_2262 = arith.cmpi ne, %sign3A_2254, %ne3A : vector<16xi32>
      %rem3A = vector.broadcast %jit3A_2244 : i32 to vector<16xi32>
      %rem3A_2263 = arith.remsi %iota3A, %rem3A : vector<16xi32>
      %ne3A_2264 = arith.constant 0 : i32
      %ne3A_2265 = vector.broadcast %ne3A_2264 : i32 to vector<16xi32>
      %ne3A_2266 = arith.cmpi ne, %rem3A_2263, %ne3A_2265 : vector<16xi32>
      %and3A_2267 = arith.andi %ne3A_2262, %ne3A_2266 : vector<16xi1>
      %sub3A_2268 = arith.constant 1 : i32
      %sub3A_2269 = vector.broadcast %sub3A_2268 : i32 to vector<16xi32>
      %sub3A_2270 = arith.subi %div3A_2246, %sub3A_2269 : vector<16xi32>
      %select_n3A_2271 = arith.select %and3A_2267, %sub3A_2270, %div3A_2246 : vector<16xi1>, vector<16xi32>
      %jit3A_2272 = arith.constant 5 : i32
      %eq3A_2273 = arith.constant 0 : i32
      %eq3A_2274 = arith.cmpi eq, %jit3A_2272, %eq3A_2273 : i32
      %jit3A_2275 = arith.constant 1 : i32
      %select_n3A_2276 = arith.select %eq3A_2274, %jit3A_2275, %jit3A_2272 : i32
      %rem3A_2277 = vector.broadcast %select_n3A_2276 : i32 to vector<16xi32>
      %rem3A_2278 = arith.remsi %iota3A, %rem3A_2277 : vector<16xi32>
      %ne3A_2279 = arith.constant 0 : i32
      %ne3A_2280 = vector.broadcast %ne3A_2279 : i32 to vector<16xi32>
      %ne3A_2281 = arith.cmpi ne, %rem3A_2278, %ne3A_2280 : vector<16xi32>
      %lt3A_2282 = arith.constant 0 : i32
      %lt3A_2283 = vector.broadcast %lt3A_2282 : i32 to vector<16xi32>
      %lt3A_2284 = arith.cmpi slt, %rem3A_2278, %lt3A_2283 : vector<16xi32>
      %lt3A_2285 = arith.constant 0 : i32
      %lt3A_2286 = arith.cmpi slt, %select_n3A_2276, %lt3A_2285 : i32
      %ne3A_2287 = vector.broadcast %lt3A_2286 : i1 to vector<16xi1>
      %ne3A_2288 = vector.broadcast %ne3A_2287 : vector<16xi1> to vector<16xi1>
      %ne3A_2289 = arith.xori %lt3A_2284, %ne3A_2288 : vector<16xi1>
      %and3A_2290 = arith.andi %ne3A_2289, %ne3A_2281 : vector<16xi1>
      %add3A_2291 = vector.broadcast %select_n3A_2276 : i32 to vector<16xi32>
      %add3A_2292 = arith.addi %rem3A_2278, %add3A_2291 : vector<16xi32>
      %select_n3A_2293 = arith.select %and3A_2290, %add3A_2292, %rem3A_2278 : vector<16xi1>, vector<16xi32>
      %mul3A_2294 = arith.mulf %add3A_2232, %div3A_2240 : vector<16xf32>
      tpu.vector_store_idx %arg11[%select_n3A_2271, %select_n3A_2293], %mul3A_2294 : memref<6x5xf32, #tpu.memory_space<vmem>>[vector<16xi32>, vector<16xi32>], vector<16xf32>,
      %jit3A_2295 = arith.constant 5 : i32
      %div3A_2296 = vector.broadcast %jit3A_2295 : i32 to vector<16xi32>
      %div3A_2297 = arith.divsi %add3A_2243, %div3A_2296 : vector<16xi32>
      %sign3A_2298 = arith.constant 0 : i32
      %sign3A_2299 = vector.broadcast %sign3A_2298 : i32 to vector<16xi32>
      %sign3A_2300 = arith.cmpi sgt, %add3A_2243, %sign3A_2299 : vector<16xi32>
      %sign3A_2301 = arith.extui %sign3A_2300 : vector<16xi1> to vector<16xi32>
      %sign3A_2302 = arith.constant 0 : i32
      %sign3A_2303 = vector.broadcast %sign3A_2302 : i32 to vector<16xi32>
      %sign3A_2304 = arith.cmpi slt, %add3A_2243, %sign3A_2303 : vector<16xi32>
      %sign3A_2305 = arith.extui %sign3A_2304 : vector<16xi1> to vector<16xi32>
      %sign3A_2306 = arith.subi %sign3A_2301, %sign3A_2305 : vector<16xi32>
      %sign3A_2307 = arith.constant 0 : i32
      %sign3A_2308 = arith.cmpi sgt, %jit3A_2295, %sign3A_2307 : i32
      %sign3A_2309 = arith.extui %sign3A_2308 : i1 to i32
      %sign3A_2310 = arith.constant 0 : i32
      %sign3A_2311 = arith.cmpi slt, %jit3A_2295, %sign3A_2310 : i32
      %sign3A_2312 = arith.extui %sign3A_2311 : i1 to i32
      %sign3A_2313 = arith.subi %sign3A_2309, %sign3A_2312 : i32
      %ne3A_2314 = vector.broadcast %sign3A_2313 : i32 to vector<16xi32>
      %ne3A_2315 = arith.cmpi ne, %sign3A_2306, %ne3A_2314 : vector<16xi32>
      %rem3A_2316 = vector.broadcast %jit3A_2295 : i32 to vector<16xi32>
      %rem3A_2317 = arith.remsi %add3A_2243, %rem3A_2316 : vector<16xi32>
      %ne3A_2318 = arith.constant 0 : i32
      %ne3A_2319 = vector.broadcast %ne3A_2318 : i32 to vector<16xi32>
      %ne3A_2320 = arith.cmpi ne, %rem3A_2317, %ne3A_2319 : vector<16xi32>
      %and3A_2321 = arith.andi %ne3A_2315, %ne3A_2320 : vector<16xi1>
      %sub3A_2322 = arith.constant 1 : i32
      %sub3A_2323 = vector.broadcast %sub3A_2322 : i32 to vector<16xi32>
      %sub3A_2324 = arith.subi %div3A_2297, %sub3A_2323 : vector<16xi32>
      %select_n3A_2325 = arith.select %and3A_2321, %sub3A_2324, %div3A_2297 : vector<16xi1>, vector<16xi32>
      %jit3A_2326 = arith.constant 5 : i32
      %eq3A_2327 = arith.constant 0 : i32
      %eq3A_2328 = arith.cmpi eq, %jit3A_2326, %eq3A_2327 : i32
      %jit3A_2329 = arith.constant 1 : i32
      %select_n3A_2330 = arith.select %eq3A_2328, %jit3A_2329, %jit3A_2326 : i32
      %rem3A_2331 = vector.broadcast %select_n3A_2330 : i32 to vector<16xi32>
      %rem3A_2332 = arith.remsi %add3A_2243, %rem3A_2331 : vector<16xi32>
      %ne3A_2333 = arith.constant 0 : i32
      %ne3A_2334 = vector.broadcast %ne3A_2333 : i32 to vector<16xi32>
      %ne3A_2335 = arith.cmpi ne, %rem3A_2332, %ne3A_2334 : vector<16xi32>
      %lt3A_2336 = arith.constant 0 : i32
      %lt3A_2337 = vector.broadcast %lt3A_2336 : i32 to vector<16xi32>
      %lt3A_2338 = arith.cmpi slt, %rem3A_2332, %lt3A_2337 : vector<16xi32>
      %lt3A_2339 = arith.constant 0 : i32
      %lt3A_2340 = arith.cmpi slt, %select_n3A_2330, %lt3A_2339 : i32
      %ne3A_2341 = vector.broadcast %lt3A_2340 : i1 to vector<16xi1>
      %ne3A_2342 = vector.broadcast %ne3A_2341 : vector<16xi1> to vector<16xi1>
      %ne3A_2343 = arith.xori %lt3A_2338, %ne3A_2342 : vector<16xi1>
      %and3A_2344 = arith.andi %ne3A_2343, %ne3A_2335 : vector<16xi1>
      %add3A_2345 = vector.broadcast %select_n3A_2330 : i32 to vector<16xi32>
      %add3A_2346 = arith.addi %rem3A_2332, %add3A_2345 : vector<16xi32>
      %select_n3A_2347 = arith.select %and3A_2344, %add3A_2346, %rem3A_2332 : vector<16xi1>, vector<16xi32>
      %mul3A_2348 = arith.mulf %add3A_2238, %div3A_2240 : vector<16xf32>
      tpu.vector_store_idx %arg11[%select_n3A_2325, %select_n3A_2347], %mul3A_2348 : memref<6x5xf32, #tpu.memory_space<vmem>>[vector<16xi32>, vector<16xi32>], vector<16xf32>,
      "tpu.region"() ({
        %run_scoped3A = tpu.sem_alloc : memref<!tpu.dma_semaphore, #tpu.memory_space<semaphore_mem>>
        tpu.enqueue_dma source(%arg11 : memref<6x5xf32, #tpu.memory_space<vmem>>) target(%arg6 : memref<6x5xf32, #tpu.memory_space<hbm>>) target_semaphore(%run_scoped3A : memref<!tpu.dma_semaphore, #tpu.memory_space<semaphore_mem>>)
        tpu.wait_dma2 semaphore(%run_scoped3A : memref<!tpu.dma_semaphore, #tpu.memory_space<semaphore_mem>>) src(%arg11 : memref<6x5xf32, #tpu.memory_space<vmem>>) dst(%arg6 : memref<6x5xf32, #tpu.memory_space<hbm>>)
        tpu.yield
      }) : () -> ()
    } else {
    }
    return
  }
}

</mosaic_0001>

<sc_bundles>
// kernel: kernel.3.cloned.1.call-start
scs
__scs_entry_jumppad:
0x0: {  	(pc) =	sbr.rel $0x88, $3  }
0x1: {  	(tag) =	ssettag $0x0;
	lr =	simm.s32 $0x1  }
0x2: {  	[smem:$0x3F9D] =	sst lr;
	_ =	strace $0xD0000000  }
0x3: {  	_ = 	snop  }
0x4: {  	_ = 	snop  }
0x5: {  	_ = 	snop  }
0x6: {  	_ = 	snop  }
0x7: {  	_ = 	snop  }
__scs_overlays_trampoline_lowered:
0x8: {  	[smem:$0x3FAC] =	sst s0  }
0x9: {  	[smem:$0x3FAD] =	sst s1  }
0xa: {  	[smem:$0x3FAE] =	sst s2  }
0xb: {  	[smem:$0x3FAF] =	sst s3  }
0xc: {  	[smem:$0x3FB0] =	sst s4  }
0xd: {  	[smem:$0x3FB1] =	sst s5  }
0xe: {  	[smem:$0x3FB2] =	sst s6  }
0xf: {  	[smem:$0x3FB3] =	sst s7  }
0x10: {  	[smem:$0x3FB4] =	sst s8  }
0x11: {  	[smem:$0x3FB5] =	sst s9;
	s0 =	simm.s32 @!p0 $0x0  }
0x12: {  	s1 =	sld [smem:$0x3F9B];
	s0 =	simm.s32 @p0 $0x1  }
0x13: {  	[smem:$0x3FB6] =	sst s0;
	s0 =	simm.s32 @!p1 $0x0  }
0x14: {  	s2 =	sld [smem:$0x3F9A];
	s0 =	simm.s32 @p1 $0x1  }
0x15: {  	[smem:$0x3FB7] =	sst s0;
	s0 =	simm.s32 @!p2 $0x0  }
0x16: {  	s3 =	sld [smem:$0x3FDB];
	s0 =	simm.s32 @p2 $0x1  }
0x17: {  	s4 =	simm.s32 $0x1BF5;
	[smem:$0x3FB9] =	sst s0  }
0x18: {  	s0 =	sld [smem:$0x3F9C];
	_ =	swait.ge [sflag:s4], $0x0  }
0x19: {  	s7 =	sld [smem:$0x3F9D]  }
0x1a: {  	s8 =	sadd.s32 $0xFFFFE003, lr  }
0x1b: {  	s9 =	sadd.s32 $0xFFFFFEF7, lr;
	s5 =	simm.s32 $0xFFFFFFFF;
	p2 =	slt.u32 s8, $0xFFFFF086  }
0x1c: {  	p1 =	slt.u32 s9, $0xF7A;
	s5 =	simm.s32 @!p2 $0x0  }
0x1d: {  	s5 =	simm.s32 @p1 $0x1;
	p0 =	seq.s32 s7, s2  }
0x1e: {  	s7 =	smul.u32 @!p0 $0xF7A, s2;
	p2 =	seq.s32 @!p0 s5, $0x0  }
0x1f: {  	s9 =	smul.u32 $0xF7A, s1;
	s8 =	simm.s32 @!p0 $0x1BF5;
	p2 =	por !p2, p0  }
0x20: {  	[sflag:s8] =	ssyncset.s32 @!p0 $0xFFFFF086;
	s6 =	sadd.s32 @!p0 s3, s7;
	s7 =	simm.s32 @!p0 $0x108  }
0x21: {  	s3 =	sadd.s32 s3, s9;
	s6 =	sadd.s32 @!p0 $0x88, s6;
	s7 =	simm.s32 @p2 $0x1082  }
0x22: {  	[simem:s7], [sflag:s8] =	dma.local @!p0 [hbm:s6], $0xF7A  }
0x23: {  	s9 =	sor.u32 $0xD0000000, s2;
	s6 =	simm.s32 $0x108;
	_ =	swait.ge @!p0 [sflag:s8], $0x0  }
0x24: {  	s3 =	sadd.s32 $0x88, s3;
	s6 =	simm.s32 @!p1 $0x1082;
	[sflag:s4] =	ssyncset.s32 $0xFFFFF086  }
0x25: {  	[simem:s6], [sflag:s4] =	dma.local [hbm:s3], $0xF7A  }
0x26: {  	[smem:$0x3F9D] =	sst s1;
	(tag) =	ssettag s2;
	_ =	strace s9  }
0x27: {  	s1 =	sld [smem:$0x3FAD]  }
0x28: {  	s2 =	sld [smem:$0x3FAE]  }
0x29: {  	s4 =	sld [smem:$0x3FB0]  }
0x2a: {  	p0 =	seq.s32 s5, $0x0;
	s5 =	sld [smem:$0x3FB1]  }
0x2b: {  	s6 =	sld [smem:$0x3FB2]  }
0x2c: {  	s7 =	sld [smem:$0x3FB3]  }
0x2d: {  	s3 =	simm.s32 $0x108;
	s8 =	sld [smem:$0x3FB4]  }
0x2e: {  	s3 =	simm.s32 @!p0 $0x1082;
	s9 =	sld [smem:$0x3FB5]  }
0x2f: {  	lr =	sadd.s32 s0, s3;
	s0 =	sld [smem:$0x3FAC]  }
0x30: {  	s3 =	sld [smem:$0x3FAF]  }
0x31: {  	[smem:$0x3FB8] =	sst s10  }
0x32: {  	s10 =	sld [smem:$0x3FB6];
	_ =	sdelay $0x3  }
0x33: {  	p0 =	seq.s32 s10, $0x1;
	s10 =	sld [smem:$0x3FB8];
	_ =	sdelay $0x3  }
0x34: {  	[smem:$0x3FB8] =	sst s10  }
0x35: {  	s10 =	sld [smem:$0x3FB7];
	_ =	sdelay $0x3  }
0x36: {  	p1 =	seq.s32 s10, $0x1;
	s10 =	sld [smem:$0x3FB8];
	_ =	sdelay $0x3  }
0x37: {  	[smem:$0x3FB8] =	sst s10  }
0x38: {  	s10 =	sld [smem:$0x3FB9]  }
0x39: {  	_ = 	snop;
	(pc) =	sbr.ind lr, $3  }
0x3a: {  	_ = 	snop  }
0x3b: {  	_ = 	snop  }
0x3c: {  	p2 =	seq.s32 s10, $0x1;
	s10 =	sld [smem:$0x3FB8]  }
0x3d: {  	_ =	shalt  }
0x3e: {  	_ =	shalt  }
0x3f: {  	_ =	shalt  }
0x40: {  	_ =	shalt  }
0x41: {  	_ =	shalt  }
0x42: {  	_ =	shalt  }
0x43: {  	_ =	shalt  }
0x44: {  	_ =	shalt  }
0x45: {  	_ =	shalt  }
0x46: {  	_ =	shalt  }
0x47: {  	_ =	shalt  }
0x48: {  	_ =	shalt  }
0x49: {  	_ =	shalt  }
0x4a: {  	_ =	shalt  }
0x4b: {  	_ =	shalt  }
0x4c: {  	_ =	shalt  }
0x4d: {  	_ =	shalt  }
0x4e: {  	_ =	shalt  }
0x4f: {  	_ =	shalt  }
0x50: {  	_ =	shalt  }
0x51: {  	_ =	shalt  }
0x52: {  	_ =	shalt  }
0x53: {  	_ =	shalt  }
0x54: {  	_ =	shalt  }
0x55: {  	_ =	shalt  }
0x56: {  	_ =	shalt  }
0x57: {  	_ =	shalt  }
0x58: {  	_ =	shalt  }
0x59: {  	_ =	shalt  }
0x5a: {  	_ =	shalt  }
0x5b: {  	_ =	shalt  }
0x5c: {  	_ =	shalt  }
0x5d: {  	_ =	shalt  }
0x5e: {  	_ =	shalt  }
0x5f: {  	_ =	shalt  }
0x60: {  	_ =	shalt  }
0x61: {  	_ =	shalt  }
0x62: {  	_ =	shalt  }
0x63: {  	_ =	shalt  }
0x64: {  	_ =	shalt  }
0x65: {  	_ =	shalt  }
0x66: {  	_ =	shalt  }
0x67: {  	_ =	shalt  }
0x68: {  	_ =	shalt  }
0x69: {  	_ =	shalt  }
0x6a: {  	_ =	shalt  }
0x6b: {  	_ =	shalt  }
0x6c: {  	_ =	shalt  }
0x6d: {  	_ =	shalt  }
0x6e: {  	_ =	shalt  }
0x6f: {  	_ =	shalt  }
0x70: {  	_ =	shalt  }
0x71: {  	_ =	shalt  }
0x72: {  	_ =	shalt  }
0x73: {  	_ =	shalt  }
0x74: {  	_ =	shalt  }
0x75: {  	_ =	shalt  }
0x76: {  	_ =	shalt  }
0x77: {  	_ =	shalt  }
0x78: {  	_ =	shalt  }
0x79: {  	_ =	shalt  }
0x7a: {  	_ =	shalt  }
0x7b: {  	_ =	shalt  }
0x7c: {  	_ =	shalt  }
0x7d: {  	_ =	shalt  }
0x7e: {  	_ =	shalt  }
0x7f: {  	_ =	shalt  }
0x80: {  	_ =	shalt  }
0x81: {  	_ =	shalt  }
0x82: {  	_ =	shalt  }
0x83: {  	_ =	shalt  }
0x84: {  	_ =	shalt  }
0x85: {  	_ =	shalt  }
0x86: {  	_ =	shalt  }
0x87: {  	_ =	shalt  }
.Lfunc_end0:
.L_simem_size_0:
called_computation_lowered:
.L_overlay_start_0:
0x88: {  	s0 =	sld [smem:$0x3FD9]  }
0x89: {  	s1 =	sld [smem:$0x3FFE];
	_ =	sdelay $0x3  }
0x8a: {  	s0 =	sadd.s32 s1, s0  }
0x8b: {  	[smem:$0x3FC4] =	sst s0  }
0x8c: {  	_ = 	snop  }
0x8d: {  	s0 =	sld [smem:$0x3FC8]  }
0x8e: {  	s16 =	sld [smem:$0x3FD0];
	(tm) =	ssettm $0x1  }
0x8f: {  	s2 =	sld [smem:$0x3FFB];
	_ =	sdelay $0x3  }
0x90: {  	_ =	strace s2  }
0x91: {  	s2 =	sld [smem:$0x3FFC];
	_ =	sdelay $0x3  }
0x92: {  	_ =	strace s2  }
0x93: {  	s2 =	sld [smem:$0x3FFD];
	_ =	sdelay $0x3  }
0x94: {  	_ =	strace s2  }
0x95: {  	_ =	strace $0x8FFFFFFF  }
0x96: {  	s17 =	sld [smem:$0x3FDB];
	_ =	sdelay $0x1  }
0x97: {  	s3 =	simm.s32 $_scs_section_size  }
0x98: {  	s4 =	simm.s32 $_size__tile_overlayer_lowered;
	s5 =	simm.s32 $_tile_overlayer_lowered  }
0x99: {  	s20 =	simm.s32 $0x1BFF;
	s19 =	sshll.u32 s5, $0x1;
	s2 =	sadd.s32 s3, s17  }
0x9a: {  	s6 =	simm.s32 $0x0;
	s18 =	sshll.u32 s4, $0x1;
	s4 =	sadd.s32 s19, s2  }
0x9b: {  	[timem:s6], [sflag:s20] =	dma.local [hbm:s4], s18  }
0x9c: {  	_ =	swait.ge [sflag:s20], s18  }
0x9d: {  	s3 =	ssub.s32 $0x0, s18;
	[sflag:s20] =	ssyncset.done $0x0  }
0x9e: {  	[sflag:s20] =	ssyncadd.s32 s3;
	_ =	sdelay $0x1  }
0x9f: {  	s21 =	simm.s32 $0x1B8B  }
0xa0: {  	_ =	swait.ge [sflag:s21], $0x1  }
0xa1: {  	[sflag:s21] =	ssyncset.done $0x0  }
0xa2: {  	s23 =	simm.s32 $0x1B8E;
	s22 =	sld [smem:$0x3FFE];
	[sflag:s21] =	ssyncadd.s32 $0xFFFFFFFF  }
0xa3: {  	s24 =	simm.s32 $execute0_lowered;
	[smem:$0x3FD2] =	sst s23  }
0xa4: {  	s4 =	sshll.u32 s24, $0x1;
	_ =	strace $0x80000046;
	[dreg:$0x1] =	wrdreg $0xFFFFFFFF  }
0xa5: {  	s25 =	simm.s32 $_size_execute0_lowered;
	s2 =	sadd.s32 s2, s4;
	[dreg:$0x0] =	wrdreg $0x0  }
0xa6: {  	s4 =	sshll.u32 s25, $0x1;
	[dreg:$0x2] =	wrdreg s2  }
0xa7: {  	[dreg:$0x3] =	wrdreg s4  }
0xa8: {  	[dreg:$0x4] =	wrdreg $0xC0  }
0xa9: {  	_ =	task [dreg:s6], $0x5FFFF  }
0xaa: {  	[dreg:$0x1] =	wrdreg $0xFFFFFFFF  }
0xab: {  	[dreg:$0x0] =	wrdreg $0x60  }
0xac: {  	[dreg:$0x2] =	wrdreg s22  }
0xad: {  	[dreg:$0x3] =	wrdreg s0  }
0xae: {  	[dreg:$0x4] =	wrdreg s16  }
0xaf: {  	[dreg:$0x5] =	wrdreg $0x9  }
0xb0: {  	_ =	task.clear_ibuf [dreg:s6], $0x6FFFF;
	_ =	strace $0x90000046  }
0xb1: {  	s26 =	simm.s32 $0x9;
	_ =	strace $0x80000048  }
0xb2: {  	_ =	swait.ge [sflag:s26], $0x1  }
0xb3: {  	[sflag:s26] =	ssyncadd.s32 $0xFFFFFFFF  }
0xb4: {  	_ =	strace $0x90000048  }
0xb5: {  	_ =	sfence  }
0xb6: {  	s28 =	sld [smem:$0x0];
	_ =	sdelay $0x1  }
0xb7: {  	s29 =	srdreg.scid  }
0xb8: {  	s30 =	sshll.u32 s29, $0xD;
	s31 =	sshrl.u32 s29, $0x2  }
0xb9: {  	s1 =	sand.u32 $0x1, s29;
	s2 =	sand.u32 $0x4000, s30;
	s0 =	sadd.s32 s31, s28  }
0xba: {  	s1 =	sor.u32 s2, s1;
	s0 =	sshll.u32 s0, $0x11  }
0xbb: {  	s0 =	sor.u32 s0, s1  }
0xbc: {  	s0 =	sadd.s32 $0x8F2B, s0  }
0xbd: {  	[sflag:s0] =	ssyncadd.remote.s32 $0x1  }
0xbe: {  	_ =	sfence.sel $0xFFFF  }
0xbf: {  	[dreg:$0x0] =	wrdreg $0xFFFFFFFF;
	(pc) =	sbr.abs _section_cstart, $3  }
0xc0: {  	[dreg:$0x1] =	wrdreg $0xFFFFFFFF  }
0xc1: {  	_ =	task.clear_ibuf [dreg:s6], $0x2FFFF;
	_ =	strace $0x9FFFFFFF  }
0xc2: {  	(tm) =	ssettm $0x7FFFFFFF  }
0xc3: {  	_ =	shalt  }
tec
execute0_lowered:
.L_overlay_start_1:
0x0: {  	(tag) =	ssettag $0x1  }
0x1: {  	s1 =	rddreg [dreg:$0x0]  }
0x2: {  	s3 =	rddreg [dreg:$0x1]  }
0x3: {  	s4 =	rddreg [dreg:$0x2];
	s2 =	simm.s32 $0x0  }
0x4: {  	s5 =	stileid.u32;
	[smem:$0x7FF] =	sst s2  }
0x5: {  	s0 =	rddreg [dreg:$0x3];
	p0 =	sne.s32 s5, $0x0;
	_ =	strace $0x80000047  }
0x6: {  	_ =	sfence.sel @p0 $0x180000  }
0x7: {  	[bflag:$0x0] =	sbarrier.arrive @p0 $0xFFFF  }
0x8: {  	_ =	strace @p0 $0x90000047  }
0x9: {  	[bflag:$0x2] =	sbarrier.arrive @p0 $0xFFFF  }
0xa: {  	_ =	shalt @p0  }
.LBB2_1:
0xb: {  	s5 =	sadd.s32 $0x5600, s1  }
0xc: {  	[tilespmem:s2], [sflag:$0x1] =	stream.linear.gather [hbm4b:s5+s2], $0x1, $0x38;
	[tilespmem:$0x9B0] =	vst v63  }
0xd: {  	s19 =	simm.s32 $0x10  }
0xe: {  	[tilespmem:s19], [sflag:$0x2] =	stream.linear.gather [hbm4b:s3+s2], $0xA, $0x38;
	[tilespmem:$0x9B0] =	vst v63  }
0xf: {  	s20 =	simm.s32 $0x20;
	s21 =	simm.s32 $0x1  }
0x10: {  	[tilespmem:s20], [sflag:$0x3] =	stream.linear.gather [hbm4b:s4+s2], $0x320, $0x38;
	[tilespmem:$0x9B0] =	vst v63  }
0x11: {  	_ =	swait.ge [sflag:s21], $0x1  }
0x12: {  	[sflag:s21] =	ssyncset.done $0x0  }
0x13: {  	[sflag:s21] =	ssyncadd.s32 $0xFFFFFFFF  }
0x14: {  	v0 =	vld [tilespmem:$0x0];
	_ =	sdelay $0x4  }
0x15: {  	(v2sf) =	vpush v0, $0x0;
	_ =	sdelay $0xe  }
0x16: {  	s22 =	spop (v2sf)  }
0x17: {  	s4 =	smul.f32 $1.000000000e+02, s22;
	_ =	sdelay $0x1  }
0x18: {  	s4 =	scvt.f32.s32 s4;
	_ =	sdelay $0x1  }
0x19: {  	p0 =	sgt.s32 s4, $0x0  }
0x1a: {  	s4 =	simm.s32 @!p0 $0x0  }
0x1b: {  	s4 =	smin.u32 s4, $0x64  }
0x1c: {  	s23 =	sadd.s32 $0x600, s1;
	s24 =	simm.s32 $0xCA0;
	s4 =	sshll.u32 s4, $0x2  }
0x1d: {  	s6 =	simm.s32 $0x340;
	s25 =	simm.s32 $0x2;
	s4 =	sadd.s32 s23, s4  }
0x1e: {  	[tilespmem:s6], [sflag:$0x4] =	stream.strided.gather [hbm4b:s4+s20], $0x640, s24, s20, $0x38;
	[tilespmem:$0x9B0] =	vst v63  }
0x1f: {  	v45 =	vlaneseq.u32;
	_ =	swait.ge [sflag:s25], $0xA  }
0x20: {  	v11 =	vmul.u32 $0x10, v45;
	[sflag:s25] =	ssyncset.done $0x0  }
0x21: {  	s26 =	simm.s32 $0x3;
	[sflag:s25] =	ssyncadd.s32 $0xFFFFFFF6  }
0x22: {  	v0 =	vor.u32 $0x1, v11;
	_ =	swait.ge [sflag:s26], $0x320  }
0x23: {  	v3 =	vor.u32 $0x2, v11;
	[sflag:s26] =	ssyncset.done $0x0  }
0x24: {  	v5 =	vor.u32 $0x3, v11;
	[sflag:s26] =	ssyncadd.s32 $0xFFFFFCE0  }
0x25: {  	v7 =	vor.u32 $0x4, v11;
	v10 =	vld [tilespmem:$0x10]  }
0x26: {  	v1 =	vimm.s32 $0x0;
	v8 =	vimm.s32 $0x2;
	v14 =	vor.u32 $0x5, v11;
	v2 =	vld.idx.msk [tilespmem:v11+s20+$0x0], $0xffff  }
0x27: {  	v6 =	vimm.s32 $0x3;
	v31 =	vimm.s32 $0x310;
	v17 =	vor.u32 $0x100, v11;
	v4 =	vld.idx.msk [tilespmem:v0+s20+$0x0], $0xffff  }
0x28: {  	vm0 =	vcmask $0x300;
	v33 =	vimm.s32 $0x311;
	v48 =	vor.u32 $0x101, v11;
	v3 =	vld.idx.msk [tilespmem:v3+s20+$0x0], $0xffff  }
0x29: {  	v60 =	vimm.s32 $0x312;
	v34 =	vimm.s32 $0x313;
	v20 =	vor.u32 $0x102, v11;
	v5 =	vld.idx.msk [tilespmem:v5+s20+$0x0], $0xffff  }
0x2a: {  	v35 =	vimm.s32 $0x314;
	v53 =	vsel vm0, $0x300, v31;
	v23 =	vor.u32 $0x103, v11;
	v7 =	vld.idx.msk [tilespmem:v7+s20+$0x0], $0xffff  }
0x2b: {  	v57 =	vsel vm0, $0x301, v33;
	v62 =	vsel vm0, $0x302, v60;
	v25 =	vor.u32 $0x104, v11;
	v47 =	vld.idx.msk [tilespmem:v14+s20+$0x0], $0xffff  }
0x2c: {  	v38 =	vsel vm0, $0x303, v34;
	v42 =	vsel vm0, $0x304, v35;
	v28 =	vor.u32 $0x200, v11;
	v17 =	vld.idx.msk [tilespmem:v17+s20+$0x0], $0xffff  }
0x2d: {  	v45 =	vimm.s32 $0x315;
	v16 =	vor.u32 $0x6, v11;
	v51 =	vor.u32 $0x201, v11;
	v14 =	vld.idx.msk [tilespmem:v48+s20+$0x0], $0xffff  }
0x2e: {  	v19 =	vor.u32 $0x7, v11;
	v24 =	vor.u32 $0x8, v11;
	v27 =	vor.u32 $0x105, v11;
	v20 =	vld.idx.msk [tilespmem:v20+s20+$0x0], $0xffff  }
0x2f: {  	v29 =	vor.u32 $0x106, v11;
	v30 =	vor.u32 $0x9, v11;
	v54 =	vor.u32 $0x202, v11;
	v23 =	vld.idx.msk [tilespmem:v23+s20+$0x0], $0xffff  }
0x30: {  	v58 =	vor.u32 $0x107, v11;
	v59 =	vor.u32 $0x203, v11;
	v50 =	vld.idx.msk [tilespmem:v25+s20+$0x0], $0xffff;
	v9 =	vperm.xlane v10, v1  }
0x31: {  	v63 =	vor.u32 $0x108, v11;
	v39 =	vor.u32 $0x204, v11;
	v0 =	vimm.s32 $0x1;
	v28 =	vld.idx.msk [tilespmem:v28+s20+$0x0], $0xffff  }
0x32: {  	v40 =	vor.u32 $0x109, v11;
	v25 =	vld.idx.msk [tilespmem:v51+s20+$0x0], $0xffff;
	v12 =	vperm.xlane v10, v0;
	v2 =	vmul.f32 v9, v2  }
0x33: {  	v44 =	vor.u32 $0x205, v11;
	v61 =	vld.idx.msk [tilespmem:v53+s20+$0x0], $0xffff;
	v13 =	vperm.xlane v10, v8;
	v15 =	vperm.xlane v10, v6  }
0x34: {  	v31 =	vld.idx.msk [tilespmem:v54+s20+$0x0], $0xffff;
	v54 =	vimm.s32 $0x317;
	v4 =	vmul.f32 v12, v4;
	v2 =	vadd.f32 $0.0e+00, v2  }
0x35: {  	v52 =	vld.idx.msk [tilespmem:v27+s20+$0x0], $0xffff;
	v27 =	vsel vm0, $0x307, v54;
	v3 =	vmul.f32 v13, v3;
	v46 =	vmul.f32 v15, v5  }
0x36: {  	v37 =	vld.idx.msk [tilespmem:v57+s20+$0x0], $0xffff;
	v17 =	vmul.f32 v17, v9;
	v14 =	vmul.f32 v14, v12;
	v2 =	vadd.f32 v4, v2  }
0x37: {  	v49 =	vmul.f32 v20, v13;
	v23 =	vmul.f32 v23, v15;
	v4 =	vimm.s32 $0x4  }
0x38: {  	v28 =	vmul.f32 v28, v9;
	v18 =	vperm.xlane v10, v4;
	v2 =	vadd.f32 v3, v2  }
0x39: {  	v25 =	vmul.f32 v25, v12;
	v9 =	vmul.f32 v61, v9;
	v3 =	vimm.s32 $0x5  }
0x3a: {  	v16 =	vld.idx.msk [tilespmem:v16+s20+$0x0], $0xffff;
	v7 =	vmul.f32 v18, v7;
	v21 =	vperm.xlane v10, v3;
	v2 =	vadd.f32 v46, v2  }
0x3b: {  	v41 =	vld.idx.msk [tilespmem:v62+s20+$0x0], $0xffff;
	v31 =	vmul.f32 v31, v13;
	v12 =	vmul.f32 v37, v12;
	v17 =	vadd.f32 $0.0e+00, v17  }
0x3c: {  	v19 =	vld.idx.msk [tilespmem:v19+s20+$0x0], $0xffff;
	v5 =	vmul.f32 v21, v47;
	v7 =	vadd.f32 v7, v2;
	v2 =	vimm.s32 $0x6  }
0x3d: {  	v28 =	vadd.f32 $0.0e+00, v28;
	v9 =	vadd.f32 $0.0e+00, v9;
	v22 =	vperm.xlane v10, v2  }
0x3e: {  	v24 =	vld.idx.msk [tilespmem:v24+s20+$0x0], $0xffff;
	v14 =	vadd.f32 v14, v17;
	v7 =	vadd.f32 v5, v7;
	v5 =	vimm.s32 $0x7  }
0x3f: {  	v56 =	vld.idx.msk [tilespmem:v29+s20+$0x0], $0xffff;
	v25 =	vadd.f32 v25, v28;
	v16 =	vmul.f32 v22, v16;
	v26 =	vperm.xlane v10, v5  }
0x40: {  	v48 =	vld.idx.msk [tilespmem:v39+s20+$0x0], $0xffff;
	v13 =	vmul.f32 v41, v13;
	v9 =	vadd.f32 v12, v9;
	v14 =	vadd.f32 v49, v14  }
0x41: {  	v43 =	vld.idx.msk [tilespmem:v63+s20+$0x0], $0xffff;
	v25 =	vadd.f32 v31, v25;
	v16 =	vadd.f32 v16, v7;
	v19 =	vmul.f32 v26, v19  }
0x42: {  	v53 =	vld.idx.msk [tilespmem:v42+s20+$0x0], $0xffff;
	v49 =	vor.u32 $0x206, v11;
	v13 =	vadd.f32 v13, v9;
	v20 =	vmul.f32 v50, v18  }
0x43: {  	v50 =	vimm.s32 $0x316;
	v7 =	vimm.s32 $0x8;
	v16 =	vadd.f32 v19, v16;
	v19 =	vld.idx.msk [tilespmem:v30+s20+$0x0], $0xffff  }
0x44: {  	v14 =	vadd.f32 v23, v14;
	v47 =	vsel vm0, $0x305, v45;
	v32 =	vperm.xlane v10, v7;
	v30 =	vld.idx.msk [tilespmem:v59+s20+$0x0], $0xffff  }
0x45: {  	v9 =	vimm.s32 $0x9;
	v31 =	vmul.f32 v48, v18;
	v46 =	vld.idx.msk [tilespmem:v38+s20+$0x0], $0xffff;
	v51 =	vsel vm0, $0x306, v50  }
0x46: {  	v23 =	vld.idx.msk [tilespmem:v58+s20+$0x0], $0xffff;
	v17 =	vmul.f32 v52, v21;
	v14 =	vadd.f32 v20, v14;
	v55 =	vmul.f32 v32, v24  }
0x47: {  	v18 =	vmul.f32 v53, v18;
	v58 =	vimm.s32 $0x318;
	v52 =	vor.u32 $0x207, v11;
	v34 =	vld.idx.msk [tilespmem:v49+s20+$0x0], $0xffff  }
0x48: {  	v14 =	vadd.f32 v17, v14;
	v36 =	vmul.f32 v56, v22;
	v16 =	vadd.f32 v55, v16;
	v55 =	vld.idx.msk [tilespmem:v44+s20+$0x0], $0xffff  }
0x49: {  	v29 =	vsel vm0, $0x308, v58;
	v56 =	vor.u32 $0x208, v11;
	v57 =	vld.idx.msk [tilespmem:v47+s20+$0x0], $0xffff;
	v30 =	vmul.f32 v30, v15  }
0x4a: {  	v11 =	vor.u32 $0x209, v11;
	v12 =	vld.idx.msk [tilespmem:v51+s20+$0x0], $0xffff;
	v14 =	vadd.f32 v36, v14;
	v15 =	vmul.f32 v46, v15  }
0x4b: {  	v17 =	vld.idx.msk [tilespmem:v40+s20+$0x0], $0xffff;
	v23 =	vmul.f32 v23, v26;
	v59 =	vimm.s32 $0x319;
	v25 =	vadd.f32 v30, v25  }
0x4c: {  	v60 =	vld.idx.msk [tilespmem:v52+s20+$0x0], $0xffff;
	v10 =	vperm.xlane v10, v9;
	v13 =	vadd.f32 v15, v13;
	v15 =	vsel vm0, $0x309, v59  }
0x4d: {  	v27 =	vld.idx.msk [tilespmem:v27+s20+$0x0], $0xffff;
	v33 =	vmul.f32 v34, v22;
	v30 =	vmul.f32 v55, v21;
	v25 =	vadd.f32 v31, v25  }
0x4e: {  	v14 =	vadd.f32 v23, v14;
	v62 =	vld.idx.msk [tilespmem:v56+s20+$0x0], $0xffff;
	v21 =	vmul.f32 v57, v21;
	v13 =	vadd.f32 v18, v13  }
0x4f: {  	v34 =	vld.idx.msk [tilespmem:v29+s20+$0x0], $0xffff;
	v28 =	vmul.f32 v43, v32;
	v12 =	vmul.f32 v12, v22;
	v63 =	vadd.f32 v30, v25  }
0x50: {  	v11 =	vld.idx.msk [tilespmem:v11+s20+$0x0], $0xffff;
	v17 =	vmul.f32 v17, v10;
	v61 =	vmul.f32 v10, v19;
	v13 =	vadd.f32 v21, v13  }
0x51: {  	v20 =	vmul.f32 v60, v26;
	v14 =	vadd.f32 v28, v14;
	v15 =	vld.idx.msk [tilespmem:v15+s20+$0x0], $0xffff;
	v35 =	vadd.f32 v33, v63  }
0x52: {  	v36 =	vmul.f32 v27, v26;
	v16 =	vadd.f32 v61, v16;
	v12 =	vadd.f32 v12, v13  }
0x53: {  	v14 =	vadd.f32 v17, v14;
	v19 =	vmul.f32 v62, v32;
	v18 =	vadd.f32 v20, v35  }
0x54: {  	v37 =	vmul.f32 v34, v32;
	v16 =	vmul.f32 $3.162277640e-01, v16;
	v12 =	vadd.f32 v36, v12  }
0x55: {  	v11 =	vmul.f32 v11, v10;
	v14 =	vmul.f32 $3.162277640e-01, v14;
	v38 =	vadd.f32 v19, v18  }
0x56: {  	v39 =	vmul.f32 $3.183098730e-01, v16;
	v12 =	vadd.f32 v37, v12;
	v10 =	vmul.f32 v15, v10  }
0x57: {  	v41 =	vmul.f32 $3.183098730e-01, v14;
	v11 =	vadd.f32 v11, v38  }
0x58: {  	v40 =	vtrunc.f32 v39;
	v10 =	vadd.f32 v10, v12  }
0x59: {  	v13 =	vtrunc.f32 v41;
	v11 =	vmul.f32 $3.162277640e-01, v11  }
0x5a: {  	v13 =	vcvt.f32.s32 v13;
	v10 =	vmul.f32 $3.162277640e-01, v10  }
0x5b: {  	v12 =	vcvt.f32.s32 v40;
	v43 =	vmul.f32 $3.183098730e-01, v11  }
0x5c: {  	v46 =	vcvt.s32.f32 v13;
	v45 =	vmul.f32 $3.183098730e-01, v10  }
0x5d: {  	v42 =	vcvt.s32.f32 v12;
	v17 =	vtrunc.f32 v43  }
0x5e: {  	v19 =	vtrunc.f32 v45;
	v17 =	vcvt.f32.s32 v17  }
0x5f: {  	v13 =	vand.u32 $0x1, v13;
	v48 =	vmul.f32 $3.140625000e+00, v46;
	v47 =	vcvt.f32.s32 v19  }
0x60: {  	vm11 =	veq.s32 v13, $0x0;
	v44 =	vmul.f32 $3.140625000e+00, v42;
	v49 =	vcvt.s32.f32 v17  }
0x61: {  	v51 =	vmul.f32 $9.676535840e-04, v46;
	v14 =	vsub.f32 v14, v48;
	v50 =	vcvt.s32.f32 v47  }
0x62: {  	v15 =	vmul.f32 $9.676535840e-04, v42;
	v16 =	vsub.f32 v16, v44;
	v52 =	vmul.f32 $3.140625000e+00, v49  }
0x63: {  	v12 =	vand.u32 $0x1, v12;
	v14 =	vsub.f32 v14, v51;
	v54 =	vmul.f32 $3.140625000e+00, v50  }
0x64: {  	v15 =	vsub.f32 v16, v15;
	v55 =	vmul.f32 $9.676535840e-04, v49;
	v11 =	vsub.f32 v11, v52  }
0x65: {  	v57 =	vsub.f32 $0.0e+00, v14;
	v56 =	vmul.f32 $9.676535840e-04, v50;
	v10 =	vsub.f32 v10, v54  }
0x66: {  	vm10 =	veq.s32 v12, $0x0;
	v53 =	vsub.f32 $0.0e+00, v15;
	v11 =	vsub.f32 v11, v55  }
0x67: {  	v13 =	vsel vm11, v14, v57;
	v59 =	vand.u32 $0x1, v17;
	v10 =	vsub.f32 v10, v56  }
0x68: {  	v61 =	vand.u32 $0x1, v47;
	v12 =	vsel vm10, v15, v53;
	v60 =	vsub.f32 $0.0e+00, v11  }
0x69: {  	vm12 =	veq.s32 v59, $0x0;
	v58 =	vmul.f32 v12, v12;
	v62 =	vsub.f32 $0.0e+00, v10  }
0x6a: {  	v63 =	vmul.f32 v13, v13;
	vm13 =	veq.s32 v61, $0x0;
	v11 =	vsel vm12, v11, v60  }
0x6b: {  	v23 =	vmul.f32 $1.605904440e-10, v58;
	v10 =	vsel vm13, v10, v62;
	v15 =	vmul.f32 v11, v11  }
0x6c: {  	v24 =	vmul.f32 $1.605904440e-10, v63;
	v25 =	vmul.f32 v10, v10  }
0x6d: {  	v14 =	vadd.f32 $-2.505210790e-08, v23;
	v26 =	vmul.f32 $1.605904440e-10, v15  }
0x6e: {  	v16 =	vadd.f32 $-2.505210790e-08, v24;
	v27 =	vmul.f32 $1.605904440e-10, v25  }
0x6f: {  	v14 =	vmul.f32 v14, v58;
	v20 =	vadd.f32 $-2.505210790e-08, v26  }
0x70: {  	v16 =	vmul.f32 v16, v63;
	v21 =	vadd.f32 $-2.505210790e-08, v27  }
0x71: {  	v14 =	vadd.f32 $2.755731880e-06, v14;
	v20 =	vmul.f32 v20, v15  }
0x72: {  	v16 =	vadd.f32 $2.755731880e-06, v16;
	v21 =	vmul.f32 v21, v25  }
0x73: {  	v14 =	vmul.f32 v14, v58;
	v20 =	vadd.f32 $2.755731880e-06, v20  }
0x74: {  	v16 =	vmul.f32 v16, v63;
	v21 =	vadd.f32 $2.755731880e-06, v21  }
0x75: {  	v14 =	vadd.f32 $-1.984127010e-04, v14;
	v20 =	vmul.f32 v20, v15  }
0x76: {  	v16 =	vadd.f32 $-1.984127010e-04, v16;
	v21 =	vmul.f32 v21, v25  }
0x77: {  	v14 =	vmul.f32 v14, v58;
	v20 =	vadd.f32 $-1.984127010e-04, v20  }
0x78: {  	v16 =	vmul.f32 v16, v63;
	v21 =	vadd.f32 $-1.984127010e-04, v21  }
0x79: {  	v14 =	vadd.f32 $8.333333770e-03, v14;
	v20 =	vmul.f32 v20, v15  }
0x7a: {  	v16 =	vadd.f32 $8.333333770e-03, v16;
	v21 =	vmul.f32 v21, v25  }
0x7b: {  	v14 =	vmul.f32 v14, v58;
	v20 =	vadd.f32 $8.333333770e-03, v20  }
0x7c: {  	v16 =	vmul.f32 v16, v63;
	v21 =	vadd.f32 $8.333333770e-03, v21  }
0x7d: {  	v19 =	vmul.f32 v58, v12;
	v14 =	vadd.f32 $-1.666666720e-01, v14;
	v20 =	vmul.f32 v20, v15  }
0x7e: {  	v17 =	vmul.f32 v63, v13;
	v16 =	vadd.f32 $-1.666666720e-01, v16;
	v21 =	vmul.f32 v21, v25  }
0x7f: {  	v14 =	vmul.f32 v14, v19;
	v15 =	vmul.f32 v15, v11;
	v28 =	vadd.f32 $-1.666666720e-01, v20  }
0x80: {  	v18 =	vmul.f32 v25, v10;
	v16 =	vmul.f32 v16, v17;
	v29 =	vadd.f32 $-1.666666720e-01, v21  }
0x81: {  	v12 =	vadd.f32 v14, v12;
	v30 =	vmul.f32 v28, v15  }
0x82: {  	v13 =	vadd.f32 v16, v13;
	v31 =	vmul.f32 v29, v18  }
0x83: {  	v12 =	vmul.f32 $1.442695020e+00, v12;
	v11 =	vadd.f32 v30, v11  }
0x84: {  	v13 =	vmul.f32 $1.442695020e+00, v13;
	v10 =	vadd.f32 v31, v10  }
0x85: {  	(erf) = vpow2.f32 v12;
	v11 =	vmul.f32 $1.442695020e+00, v11  }
0x86: {  	(erf) = vpow2.f32 v13;
	v10 =	vmul.f32 $1.442695020e+00, v10  }
0x87: {  	(erf) = vpow2.f32 v11  }
0x88: {  	(erf) = vpow2.f32 v10;
	_ =	sdelay $0x5  }
0x89: {  	v19 =	vpop (erf)  }
0x8a: {  	v17 =	vpop (erf)  }
0x8b: {  	v10 =	vpop (erf)  }
0x8c: {  	s28 =	simm.s32 $0x4;
	v18 =	vpop (erf)  }
0x8d: {  	_ =	swait.ge [sflag:s28], $0x640  }
0x8e: {  	[sflag:s28] =	ssyncset.done $0x0  }
0x8f: {  	[sflag:s28] =	ssyncadd.s32 $0xFFFFF9C0  }
0x90: {  	v32 =	vld [tilespmem:$0x340]  }
0x91: {  	v33 =	vld [tilespmem:$0x34E]  }
0x92: {  	v34 =	vld [tilespmem:$0x360]  }
0x93: {  	v36 =	vld [tilespmem:$0x36E]  }
0x94: {  	v37 =	vld [tilespmem:$0x380]  }
0x95: {  	v39 =	vld [tilespmem:$0x38E]  }
0x96: {  	v35 =	vperm.xlane v19, v1;
	v40 =	vld [tilespmem:$0x3A0]  }
0x97: {  	v38 =	vperm.xlane v19, v0;
	v41 =	vperm.xlane v19, v8;
	v42 =	vld [tilespmem:$0x3AE]  }
0x98: {  	v45 =	vperm.xlane v19, v6;
	v50 =	vperm.xlane v19, v4;
	v43 =	vld [tilespmem:$0x3C0]  }
0x99: {  	v55 =	vperm.xlane v19, v3;
	v59 =	vperm.xlane v19, v2;
	v46 =	vld [tilespmem:$0x3CE]  }
0x9a: {  	v48 =	vld [tilespmem:$0x3E0];
	v11 =	vmul.f32 v32, v35;
	v12 =	vmul.f32 v33, v35  }
0x9b: {  	v29 =	vperm.xlane v19, v5;
	v51 =	vld [tilespmem:$0x3EE];
	v13 =	vmul.f32 v34, v38  }
0x9c: {  	v53 =	vld [tilespmem:$0x400];
	v15 =	vmul.f32 v36, v38;
	v11 =	vadd.f32 $0.0e+00, v11;
	v12 =	vadd.f32 $0.0e+00, v12  }
0x9d: {  	v56 =	vld [tilespmem:$0x40E];
	v44 =	vmul.f32 v37, v41;
	v47 =	vmul.f32 v39, v41  }
0x9e: {  	v57 =	vld [tilespmem:$0x420];
	v49 =	vmul.f32 v40, v45;
	v11 =	vadd.f32 v13, v11;
	v12 =	vadd.f32 v15, v12  }
0x9f: {  	v52 =	vmul.f32 v42, v45;
	v54 =	vmul.f32 v43, v50  }
0xa0: {  	v60 =	vld [tilespmem:$0x42E];
	v14 =	vmul.f32 v46, v50;
	v11 =	vadd.f32 v44, v11;
	v12 =	vadd.f32 v47, v12  }
0xa1: {  	v61 =	vimm.s32 $0x76543210;
	v63 =	vld [tilespmem:$0x440];
	v58 =	vmul.f32 v48, v55;
	v62 =	vmul.f32 v51, v55  }
0xa2: {  	v28 =	vmul.f32 v53, v59;
	v32 =	vld [tilespmem:$0x460];
	v11 =	vadd.f32 v49, v11;
	v12 =	vadd.f32 v52, v12  }
0xa3: {  	v25 =	vunpack.c.l.s4.s8 v61;
	v30 =	vld [tilespmem:$0x44E];
	v31 =	vmul.f32 v56, v59;
	v33 =	vmul.f32 v57, v29  }
0xa4: {  	v34 =	vperm.xlane v19, v7;
	v35 =	vld [tilespmem:$0x46E];
	v11 =	vadd.f32 v54, v11;
	v12 =	vadd.f32 v14, v12  }
0xa5: {  	v25 =	vunpack.c.0.s8.s32 v25;
	v36 =	vmul.f32 v60, v29;
	v38 =	vperm.xlane v19, v9  }
0xa6: {  	v11 =	vadd.f32 v58, v11;
	v12 =	vadd.f32 v62, v12;
	v62 =	vimm.s32 $0xFEDCBA98  }
0xa7: {  	v61 =	vld [tilespmem:$0x54E];
	v20 =	vmul.f32 v63, v34;
	v42 =	vmul.f32 v32, v38;
	v32 =	vunpack.c.l.s4.s8 v62  }
0xa8: {  	v37 =	vld [tilespmem:$0x480];
	v40 =	vmul.f32 v30, v34;
	v11 =	vadd.f32 v28, v11;
	v12 =	vadd.f32 v31, v12  }
0xa9: {  	v39 =	vld [tilespmem:$0x48E];
	v23 =	vmul.f32 v35, v38;
	v62 =	vperm.xlane v17, v3;
	v32 =	vunpack.c.0.s8.s32 v32  }
0xaa: {  	v41 =	vld [tilespmem:$0x4A0];
	v13 =	vadd.f32 v33, v11;
	v12 =	vadd.f32 v36, v12;
	v11 =	vimm.s32 $0xA  }
0xab: {  	v44 =	vld [tilespmem:$0x4AE];
	v3 =	vperm.xlane v10, v3;
	v43 =	vperm.xlane v19, v11;
	v32 =	vand.u32 $0xF, v32  }
0xac: {  	v58 =	vld [tilespmem:$0x540];
	v14 =	vadd.f32 v40, v12;
	v12 =	vimm.s32 $0xB;
	v25 =	vcombine.low v32, v25  }
0xad: {  	v36 =	vld [tilespmem:$0x560];
	v13 =	vadd.f32 v20, v13;
	v16 =	vmul.f32 v37, v43;
	v46 =	vperm.xlane v19, v12  }
0xae: {  	v21 =	vmul.f32 v39, v43;
	v37 =	vperm.xlane v17, v1  }
0xaf: {  	v45 =	vld [tilespmem:$0x4C0];
	v20 =	vadd.f32 v42, v13;
	v13 =	vimm.s32 $0xC;
	v42 =	vperm.xlane v17, v0  }
0xb0: {  	v47 =	vld [tilespmem:$0x4CE];
	v14 =	vadd.f32 v23, v14;
	v15 =	vmul.f32 v41, v46;
	v49 =	vperm.xlane v19, v13  }
0xb1: {  	v38 =	vld [tilespmem:$0x56E];
	v22 =	vmul.f32 v44, v46;
	v41 =	vmul.f32 v58, v37  }
0xb2: {  	v48 =	vld [tilespmem:$0x4E0];
	v44 =	vmul.f32 v61, v37;
	v21 =	vadd.f32 v21, v14;
	v46 =	vmul.f32 v36, v42  }
0xb3: {  	v50 =	vld [tilespmem:$0x4EE];
	v14 =	vimm.s32 $0xD;
	v36 =	vperm.xlane v17, v2;
	v2 =	vperm.xlane v10, v2  }
0xb4: {  	v51 =	vld [tilespmem:$0x500];
	v24 =	vmul.f32 v45, v49;
	v52 =	vperm.xlane v19, v14  }
0xb5: {  	v53 =	vld [tilespmem:$0x50E];
	v16 =	vadd.f32 v16, v20;
	v20 =	vmul.f32 v47, v49;
	v47 =	vperm.xlane v17, v8  }
0xb6: {  	vm14 =	vmmov $0x3;
	v56 =	vld [tilespmem:$0x52E];
	v49 =	vmul.f32 v38, v42;
	v8 =	vperm.xlane v10, v8  }
0xb7: {  	v58 =	vld [tilespmem:$0x5EE];
	v30 =	vperm.xlane v10, v14;
	v16 =	vadd.f32 v15, v16;
	v15 =	vimm.s32 $0xE  }
0xb8: {  	v54 =	vld [tilespmem:$0x520];
	v21 =	vadd.f32 v22, v21;
	v23 =	vmul.f32 v48, v52;
	v55 =	vperm.xlane v19, v15  }
0xb9: {  	v40 =	vld [tilespmem:$0x580];
	v57 =	vmul.f32 v50, v52;
	v52 =	vperm.xlane v17, v6;
	v24 =	vadd.f32 v24, v16  }
0xba: {  	v43 =	vld [tilespmem:$0x58E];
	v6 =	vperm.xlane v10, v6;
	v20 =	vadd.f32 v20, v21;
	v16 =	vimm.s32 $0xF  }
0xbb: {  	v45 =	vld [tilespmem:$0x5A0];
	v59 =	vmul.f32 v51, v55;
	v60 =	vperm.xlane v19, v16;
	v23 =	vadd.f32 v23, v24  }
0xbc: {  	v18 =	vnsel vm14, $0x0, v18;
	v48 =	vld [tilespmem:$0x5AE];
	v38 =	vmul.f32 v58, v62;
	v63 =	vmul.f32 v53, v55  }
0xbd: {  	v50 =	vld [tilespmem:$0x5C0];
	v20 =	vadd.f32 v57, v20;
	v22 =	vmul.f32 v54, v60;
	v23 =	vadd.f32 v59, v23  }
0xbe: {  	v51 =	vmul.f32 v40, v47;
	v53 =	vld [tilespmem:$0x5CE];
	v19 =	vadd.f32 v17, v19;
	v57 =	vperm.xlane v17, v4  }
0xbf: {  	v55 =	vld [tilespmem:$0x5E0];
	v39 =	vmul.f32 v56, v60;
	v20 =	vadd.f32 v63, v20;
	v22 =	vadd.f32 v22, v23  }
0xc0: {  	v4 =	vperm.xlane v10, v4;
	v54 =	vmul.f32 v43, v47;
	v60 =	vld [tilespmem:$0x600];
	v19 =	vadd.f32 v10, v19  }
0xc1: {  	v56 =	vmul.f32 v45, v52;
	v20 =	vadd.f32 v39, v20;
	v22 =	vadd.f32 v41, v22  }
0xc2: {  	v59 =	vmul.f32 v48, v52;
	v61 =	vmul.f32 v50, v57;
	v63 =	vld [tilespmem:$0x60E];
	v19 =	vadd.f32 v18, v19  }
0xc3: {  	v34 =	vld [tilespmem:$0x620];
	v33 =	vmul.f32 v53, v57;
	v20 =	vadd.f32 v44, v20;
	v22 =	vadd.f32 v46, v22  }
0xc4: {  	v35 =	vmul.f32 v55, v62;
	v25 =	vperm.xlane v19, v25  }
0xc5: {  	v37 =	vld [tilespmem:$0x62E];
	v40 =	vmul.f32 v60, v36;
	v20 =	vadd.f32 v49, v20;
	v22 =	vadd.f32 v51, v22  }
0xc6: {  	v42 =	vld [tilespmem:$0x64E];
	v41 =	vperm.xlane v17, v5;
	v5 =	vperm.xlane v10, v5  }
0xc7: {  	v39 =	vld [tilespmem:$0x640];
	v43 =	vmul.f32 v63, v36;
	v20 =	vadd.f32 v54, v20;
	v22 =	vadd.f32 v56, v22  }
0xc8: {  	v47 =	vld [tilespmem:$0x66E];
	v36 =	vperm.xlane v17, v13;
	v45 =	vmul.f32 v34, v41  }
0xc9: {  	v52 =	vld [tilespmem:$0x68E];
	v46 =	vperm.xlane v17, v7;
	v20 =	vadd.f32 v59, v20;
	v22 =	vadd.f32 v61, v22  }
0xca: {  	v44 =	vld [tilespmem:$0x660];
	v48 =	vmul.f32 v37, v41;
	v41 =	vperm.xlane v17, v14  }
0xcb: {  	v57 =	vld [tilespmem:$0x6AE];
	v7 =	vperm.xlane v10, v7;
	v20 =	vadd.f32 v33, v20;
	v22 =	vadd.f32 v35, v22  }
0xcc: {  	v37 =	vld [tilespmem:$0x6EE];
	v50 =	vmul.f32 v39, v46;
	v51 =	vperm.xlane v17, v9  }
0xcd: {  	v49 =	vld [tilespmem:$0x680];
	v53 =	vmul.f32 v42, v46;
	v20 =	vadd.f32 v38, v20;
	v22 =	vadd.f32 v40, v22  }
0xce: {  	vm15 =	vcmask $0x1F10;
	v62 =	vld [tilespmem:$0x6CE];
	v46 =	vperm.xlane v17, v15;
	v9 =	vperm.xlane v10, v9  }
0xcf: {  	v42 =	vld [tilespmem:$0x70E];
	v55 =	vmul.f32 v44, v51;
	v20 =	vadd.f32 v43, v20;
	v22 =	vadd.f32 v45, v22  }
0xd0: {  	v19 =	vadd.f32 v19, v25;
	v54 =	vld [tilespmem:$0x6A0];
	v56 =	vperm.xlane v17, v11;
	v58 =	vmul.f32 v47, v51  }
0xd1: {  	v44 =	vld [tilespmem:$0x720];
	v25 =	vmul.f32 v37, v41;
	v20 =	vadd.f32 v48, v20;
	v22 =	vadd.f32 v50, v22  }
0xd2: {  	v26 =	vimm.s32 $0x67452301;
	v59 =	vld [tilespmem:$0x6C0];
	v60 =	vmul.f32 v49, v56;
	v61 =	vperm.xlane v17, v12  }
0xd3: {  	v47 =	vld [tilespmem:$0x72E];
	v33 =	vmul.f32 v52, v56;
	v20 =	vadd.f32 v53, v20;
	v22 =	vadd.f32 v55, v22  }
0xd4: {  	v63 =	vimm.s32 $0xBA98FEDC;
	v34 =	vld [tilespmem:$0x6E0];
	v17 =	vperm.xlane v17, v16;
	v52 =	vmul.f32 v42, v46  }
0xd5: {  	v39 =	vld [tilespmem:$0x700];
	v35 =	vmul.f32 v54, v61;
	v20 =	vadd.f32 v58, v20;
	v22 =	vadd.f32 v60, v22  }
0xd6: {  	v29 =	vunpack.c.l.s4.s8 v63;
	v56 =	vld [tilespmem:$0x76E];
	v38 =	vmul.f32 v57, v61;
	v54 =	vmul.f32 v44, v17  }
0xd7: {  	v57 =	vld [tilespmem:$0x780];
	v40 =	vmul.f32 v59, v36;
	v20 =	vadd.f32 v33, v20;
	v22 =	vadd.f32 v35, v22  }
0xd8: {  	v63 =	vld [tilespmem:$0x7A0];
	v29 =	vunpack.c.0.s8.s32 v29;
	v17 =	vmul.f32 v47, v17;
	v43 =	vmul.f32 v62, v36  }
0xd9: {  	v51 =	vld [tilespmem:$0x74E];
	v45 =	vmul.f32 v34, v41;
	v20 =	vadd.f32 v38, v20;
	v22 =	vadd.f32 v40, v22  }
0xda: {  	v49 =	vld [tilespmem:$0x740];
	v59 =	vperm.xlane v10, v0;
	v0 =	vperm.xlane v18, v0;
	v48 =	vimm.s32 $0x32107654  }
0xdb: {  	v42 =	vld [tilespmem:$0x820];
	v50 =	vmul.f32 v39, v46;
	v20 =	vadd.f32 v43, v20;
	v22 =	vadd.f32 v45, v22  }
0xdc: {  	v28 =	vmul.f32 v56, v59;
	v21 =	vunpack.c.l.s4.s8 v48;
	v31 =	vmul.f32 v57, v8;
	v53 =	vld [tilespmem:$0x760]  }
0xdd: {  	v44 =	vld [tilespmem:$0x82E];
	v55 =	vperm.xlane v10, v1;
	v20 =	vadd.f32 v25, v20;
	v22 =	vadd.f32 v50, v22  }
0xde: {  	v47 =	vld [tilespmem:$0x84E];
	v57 =	vperm.xlane v10, v11;
	v21 =	vunpack.c.0.s8.s32 v21;
	v1 =	vperm.xlane v18, v1  }
0xdf: {  	v39 =	vld [tilespmem:$0x800];
	v58 =	vmul.f32 v49, v55;
	v20 =	vadd.f32 v52, v20;
	v22 =	vadd.f32 v54, v22  }
0xe0: {  	v37 =	vimm.s32 $0x54761032;
	v21 =	vcombine.low v21, v29;
	v60 =	vld [tilespmem:$0x78E];
	v61 =	vmul.f32 v51, v55  }
0xe1: {  	v29 =	vld [tilespmem:$0x7AE];
	v62 =	vmul.f32 v53, v59;
	v17 =	vadd.f32 v17, v20;
	v22 =	vadd.f32 v58, v22  }
0xe2: {  	v32 =	vld [tilespmem:$0x7C0];
	v24 =	vunpack.c.l.s4.s8 v37;
	v49 =	vmul.f32 v42, v5;
	v51 =	vmul.f32 v44, v5  }
0xe3: {  	v41 =	vld [tilespmem:$0x80E];
	v55 =	vmul.f32 v47, v7;
	v17 =	vadd.f32 v61, v17;
	v22 =	vadd.f32 v62, v22  }
0xe4: {  	v24 =	vunpack.c.0.s8.s32 v24;
	v36 =	vld [tilespmem:$0x7E0];
	v21 =	vperm.xlane v19, v21;
	v35 =	vmul.f32 v63, v6  }
0xe5: {  	v8 =	vmul.f32 v60, v8;
	v17 =	vadd.f32 v28, v17;
	v22 =	vadd.f32 v31, v22  }
0xe6: {  	v34 =	vld [tilespmem:$0x7CE];
	v33 =	vimm.s32 $0xDCFE98BA;
	v46 =	vmul.f32 v39, v2;
	v6 =	vmul.f32 v29, v6  }
0xe7: {  	v40 =	vmul.f32 v32, v4;
	v8 =	vadd.f32 v8, v17;
	v17 =	vadd.f32 v35, v22  }
0xe8: {  	v2 =	vmul.f32 v41, v2;
	v38 =	vld [tilespmem:$0x7EE];
	v19 =	vadd.f32 v19, v21;
	v21 =	vunpack.c.l.s4.s8 v33  }
0xe9: {  	v43 =	vmul.f32 v36, v3;
	v60 =	vld [tilespmem:$0x8C0];
	v6 =	vadd.f32 v6, v8;
	v8 =	vadd.f32 v40, v17  }
0xea: {  	v41 =	vperm.xlane v10, v16;
	v32 =	vunpack.c.l.s4.s8 v26;
	v21 =	vunpack.c.0.s8.s32 v21;
	v45 =	vld [tilespmem:$0x840]  }
0xeb: {  	v4 =	vmul.f32 v34, v4;
	v36 =	vperm.xlane v10, v15;
	v25 =	vld [tilespmem:$0x8EE];
	v8 =	vadd.f32 v43, v8  }
0xec: {  	v48 =	vld [tilespmem:$0x860];
	v14 =	vunpack.c.0.s8.s32 v32;
	v21 =	vcombine.low v24, v21;
	v24 =	vperm.xlane v10, v13  }
0xed: {  	v3 =	vmul.f32 v38, v3;
	v50 =	vld [tilespmem:$0x86E];
	v4 =	vadd.f32 v4, v6;
	v8 =	vadd.f32 v46, v8  }
0xee: {  	v52 =	vld [tilespmem:$0x880];
	v21 =	vperm.xlane v19, v21;
	v54 =	vimm.s32 $0xEFCDAB89;
	v29 =	vmul.f32 v60, v24  }
0xef: {  	v53 =	vld [tilespmem:$0x88E];
	v6 =	vmul.f32 v45, v7;
	v3 =	vadd.f32 v3, v4;
	v8 =	vadd.f32 v49, v8  }
0xf0: {  	v56 =	vld [tilespmem:$0x8A0];
	v19 =	vadd.f32 v19, v21;
	v21 =	vunpack.c.l.s4.s8 v54;
	v38 =	vmul.f32 v25, v30  }
0xf1: {  	v58 =	vld [tilespmem:$0x8AE];
	v4 =	vmul.f32 v48, v9;
	v2 =	vadd.f32 v2, v3;
	v6 =	vadd.f32 v6, v8  }
0xf2: {  	v54 =	vimm.s32 $0x18141312;
	v61 =	vperm.xlane v10, v12;
	v59 =	vmul.f32 v50, v9;
	v62 =	vld [tilespmem:$0x8CE]  }
0xf3: {  	v5 =	vmul.f32 v52, v57;
	v28 =	vld [tilespmem:$0x900];
	v2 =	vadd.f32 v51, v2;
	v4 =	vadd.f32 v4, v6  }
0xf4: {  	v63 =	vunpack.c.0.s8.s32 v21;
	v21 =	vmul.f32 v53, v57;
	v57 =	vimm.s32 $0x2C2B2A29;
	v22 =	vld [tilespmem:$0x8E0]  }
0xf5: {  	v34 =	vld [tilespmem:$0x920];
	v23 =	vmul.f32 v56, v61;
	v2 =	vadd.f32 v55, v2;
	v4 =	vadd.f32 v5, v4  }
0xf6: {  	v37 =	vld [tilespmem:$0x92E];
	v53 =	vimm.s32 $0x11100C0B;
	v10 =	vunpack.c.0.s8.s32 v57;
	v42 =	vcombine.low v14, v63  }
0xf7: {  	v31 =	vld [tilespmem:$0x90E];
	v27 =	vmul.f32 v58, v61;
	v2 =	vadd.f32 v59, v2;
	v4 =	vadd.f32 v23, v4  }
0xf8: {  	v39 =	vld [tilespmem:$0x940];
	v58 =	vimm.s32 $0x1A191814;
	v33 =	vmul.f32 v62, v24;
	v40 =	vmul.f32 v28, v36  }
0xf9: {  	v35 =	vmul.f32 v22, v30;
	v2 =	vadd.f32 v21, v2;
	v4 =	vadd.f32 v29, v4  }
0xfa: {  	v11 =	vunpack.c.0.s8.s32 v58;
	v45 =	vmul.f32 v34, v41;
	v46 =	vperm.xlane v19, v42  }
0xfb: {  	v44 =	vld [tilespmem:$0x94E];
	v7 =	vunpack.c.0.s8.s32 v54;
	v2 =	vadd.f32 v27, v2;
	v4 =	vadd.f32 v35, v4  }
0xfc: {  	v43 =	vmul.f32 v31, v36;
	v48 =	vmul.f32 v37, v41;
	v50 =	vadd.f32 v19, v46  }
0xfd: {  	v52 =	vld [tilespmem:$0x960];
	v49 =	vmul.f32 v39, v1;
	v2 =	vadd.f32 v33, v2;
	v4 =	vadd.f32 v40, v4  }
0xfe: {  	v51 =	vimm.s32 $0xA9843210;
	(erf) = vrcp.f32 v50;
	v55 =	vimm.s32 $0x28242322  }
0xff: {  	v2 =	vadd.f32 v38, v2;
	v47 =	vadd.f32 v45, v4;
	v4 =	vunpack.c.l.s4.s8 v51  }
0x100: {  	v56 =	vld [tilespmem:$0x96E];
	v1 =	vmul.f32 v44, v1;
	v8 =	vunpack.c.0.s8.s32 v55;
	v6 =	vunpack.c.0.s8.s32 v53  }
0x101: {  	v59 =	vimm.s32 $0x21201C1B;
	v2 =	vadd.f32 v43, v2;
	v4 =	vunpack.c.0.s8.s32 v4  }
0x102: {  	v12 =	vunpack.c.0.s8.s32 v59;
	v60 =	vsel vm15, v10, v8;
	v5 =	vmul.f32 v52, v0  }
0x103: {  	v6 =	vsel vm15, v7, v6;
	v2 =	vadd.f32 v48, v2;
	v4 =	vand.u32 $0xF, v4  }
0x104: {  	v61 =	vsel vm15, v12, v11;
	v3 =	vadd.f32 v49, v47;
	v4 =	vcombine.low v4, v6  }
0x105: {  	v0 =	vmul.f32 v56, v0;
	v62 =	vcombine.low v61, v60;
	v1 =	vadd.f32 v1, v2  }
0x106: {  	v3 =	vadd.f32 v5, v3  }
0x107: {  	v63 =	vpop (erf);
	v0 =	vadd.f32 v0, v1  }
0x108: {  	v3 =	vmul.f32 v3, v63  }
0x109: {  	s29 =	simm.s32 $0x980;
	v0 =	vmul.f32 v0, v63  }
0x10a: {  	[tilespmem:v4+s29+$0x0] =	vst.idx.msk $0xffff, v3  }
0x10b: {  	s30 =	sadd.s32 $0x5800, s1;
	s31 =	simm.s32 $0x5;
	[tilespmem:v62+s29+$0x0] =	vst.idx.msk $0xffff, v0  }
0x10c: {  	[hbm4b:s30+s2] =	stream.linear.scatter [tilespmem:s29], [sflag:$0x5], $0x30, $0x38;
	[tilespmem:$0x9B0] =	vst v63  }
0x10d: {  	_ =	swait.ge [sflag:s31], $0x30  }
0x10e: {  	[sflag:s31] =	ssyncset.done $0x0  }
0x10f: {  	[sflag:s31] =	ssyncadd.s32 $0xFFFFFFD0  }
0x110: {  	_ =	sfence.sel $0x180000  }
0x111: {  	[bflag:$0x0] =	sbarrier.arrive $0xFFFF  }
0x112: {  	_ =	strace $0x90000047  }
0x113: {  	s0 =	sadd.s32 $0x100000, s0;
	[bflag:$0x2] =	sbarrier.arrive $0xFFFF  }
0x114: {  	[sflag:s0] =	ssyncadd.tile.s32 $0x1;
	_ =	shalt  }
.Lfunc_end2:
_tile_overlayer_lowered:
.L_overlay_start_2:
0x115: {  	(tag) =	ssettag $0x2  }
0x116: {  	s0 =	rddreg [dreg:$0x0];
	s2 =	stileid.u32  }
0x117: {  	s1 =	rddreg [dreg:$0x1];
	p0 =	sne.s32 s2, $0x0  }
0x118: {  	s3 =	rddreg [dreg:$0x2];
	[bflag:$0x3] =	sbarrier.arrive $0xFFFF;
	s2 =	simm.s32 @!p0 $0x1C05  }
0x119: {  	[timem:s3], [sflag:s2] =	dma.local @!p0 [hbm:s0], s1  }
0x11a: {  	s0 =	simm.s32 @!p0 $0x5  }
0x11b: {  	_ =	swait.ge @!p0 [sflag:s0], s1  }
0x11c: {  	s1 =	ssub.s32 @!p0 $0x0, s1;
	[sflag:s0] =	ssyncset.done @!p0 $0x0  }
0x11d: {  	[sflag:s0] =	ssyncadd.s32 @!p0 s1  }
0x11e: {  	[bflag:$0x3] =	sbarrier.arrive $0xFFFF  }
0x11f: {  	_ =	shalt  }

</sc_bundles>
